<compile_context>
chip_gen: v7x
topology: tpu7x:2x2x1
jax: 0.10.2.dev20260603
libtpu: 0.0.44.dev20260713+nightly
codegen_flags: <defaults>
</compile_context>

<pallas_src>
import functools

import numpy as np
import jax
import jax.numpy as jnp
from jax import lax
from jax.experimental import pallas as pl
from jax.experimental.pallas import tpu as pltpu
from jax.experimental.pallas import tpu_sc as plsc

_N = 10000
_E = 320000
_C = 128
_S = 1024
_NP = 10240

_NC = 2
_NS = 16
_NW = _NC * _NS

_REL_PER_W = _NP // _NW
_E_PER_SC_TILE = _E // _NS
_E_PER_W = _E // _NW
_B = 80
_NCHUNK = _E_PER_W // _B
_ROWS_PER_TILE = _NP // _NS

def _k0_body(nt_hbm, st_hbm, bi_hbm, rel_out, st_v, bi_v, nt_v, rel_v):
    cid = lax.axis_index("c")
    sid = lax.axis_index("s")
    wid = sid * _NC + cid

    pltpu.sync_copy(st_hbm, st_v)
    pltpu.sync_copy(bi_hbm.at[pl.ds(wid * _REL_PER_W, _REL_PER_W)], bi_v)
    pltpu.sync_copy(nt_hbm.at[pl.ds(wid * _REL_PER_W, _REL_PER_W)], nt_v)

    def rel_step(i, _):
        b16 = bi_v[pl.ds(i * 16, 16)]
        st16 = plsc.load_gather(st_v, [b16])
        nt16 = nt_v[pl.ds(i * 16, 16)]
        rel_v[pl.ds(i * 16, 16)] = (st16 - nt16).astype(jnp.float32) / 86400.0
        return _

    lax.fori_loop(0, _REL_PER_W // 16, rel_step, None)
    pltpu.sync_copy(rel_v, rel_out.at[pl.ds(wid * _REL_PER_W, _REL_PER_W)])


@functools.cache
def _get_k0():
  return functools.partial(
    pl.kernel,
    mesh=plsc.VectorSubcoreMesh(core_axis_name="c", subcore_axis_name="s"),
    compiler_params=pltpu.CompilerParams(needs_layout_passes=False, use_tc_tiling_on_sc=False),
    out_type=jax.ShapeDtypeStruct((_NP,), jnp.float32),
    scratch_types=[
        pltpu.VMEM((_S,), jnp.int32),
        pltpu.VMEM((_REL_PER_W,), jnp.int32),
        pltpu.VMEM((_REL_PER_W,), jnp.int32),
        pltpu.VMEM((_REL_PER_W,), jnp.float32),
    ],
  )(_k0_body)


_NBUF = 5
_CH = _C // _NC
_NCH2 = _E_PER_SC_TILE // _B
_NGRP = _NCH2 // _NBUF


def _sc2_body(h0v_hbm, e4_hbm, out_hbm, deg_out,
              src2, dst2, rows0, rows1, rows2, rows3, rows4, zbuf,
              deg_v, acc_sh, sem0, sem1, sem2, sem3, sem4):
    cid = lax.axis_index("c")
    sid = lax.axis_index("s")
    rows = [rows0, rows1, rows2, rows3, rows4]
    sems = [sem0, sem1, sem2, sem3, sem4]

    pltpu.sync_copy(e4_hbm.at[0, sid], src2)
    pltpu.sync_copy(e4_hbm.at[1, sid], dst2)

    def _to_slots(chunk):
        for j in range(_B // 16):
            v = src2[chunk, pl.ds(j * 16, 16)]
            src2[chunk, pl.ds(j * 16, 16)] = v + v + cid

    for b in range(_NBUF):
        _to_slots(b)
        pltpu.async_copy(h0v_hbm.at[src2.at[b]], rows[b], sems[b])

    zeros16 = jnp.zeros((16,), jnp.float32)

    def zb_step(r, _):
        for j in range(_CH // 16):
            zbuf[r, pl.ds(j * 16, 16)] = zeros16
        return _

    lax.fori_loop(0, _B, zb_step, None)
    for j in range(_ROWS_PER_TILE // _B):
        pltpu.sync_copy(zbuf, acc_sh.at[pl.ds(sid * _ROWS_PER_TILE + j * _B, _B)])

    def zd_step(i, _):
        deg_v[pl.ds(i * 16, 16)] = zeros16
        return _

    lax.fori_loop(0, _NP // 16, zd_step, None)
    plsc.subcore_barrier()

    ones16 = jnp.full((16,), 1.0, jnp.float32)

    def grp_step(g, _):
        for b in range(_NBUF):
            chunk = g * _NBUF + b
            pltpu.make_async_copy(h0v_hbm.at[src2.at[chunk]], rows[b], sems[b]).wait()
            pltpu.sync_copy(rows[b], acc_sh.at[dst2.at[chunk]], add=True)
            nxt = chunk + _NBUF

            @pl.when(nxt < _NCH2)
            def _refire():
                _to_slots(nxt)
                pltpu.async_copy(h0v_hbm.at[src2.at[nxt]], rows[b], sems[b])

            for j in range(_B // 16):
                d16 = dst2[chunk, pl.ds(j * 16, 16)]
                plsc.addupdate_scatter(deg_v, [d16], ones16)
        return _

    lax.fori_loop(0, _NGRP, grp_step, None)

    @pl.when(cid == 0)
    def _write_deg():
        pltpu.sync_copy(deg_v, deg_out.at[sid])

    plsc.subcore_barrier()

    r0 = sid * _ROWS_PER_TILE

    def wb_step(j, _):
        rr = r0 + j * _B
        pltpu.sync_copy(acc_sh.at[pl.ds(rr, _B)], rows0)
        pltpu.sync_copy(rows0, out_hbm.at[pl.ds(rr, _B), pl.ds(cid * _CH, _CH)])
        return _

    lax.fori_loop(0, _ROWS_PER_TILE // _B, wb_step, None)


@functools.cache
def _get_sc2():
  return functools.partial(
    pl.kernel,
    mesh=plsc.VectorSubcoreMesh(core_axis_name="c", subcore_axis_name="s"),
    compiler_params=pltpu.CompilerParams(needs_layout_passes=False, use_tc_tiling_on_sc=False),
    out_type=(
        jax.ShapeDtypeStruct((_NP, _C), jnp.float32),
        jax.ShapeDtypeStruct((_NS, _NP), jnp.float32),
    ),
    scratch_types=[
        pltpu.VMEM((_NCH2, _B), jnp.int32),
        pltpu.VMEM((_NCH2, _B), jnp.int32),
        pltpu.VMEM((_B, _CH), jnp.float32),
        pltpu.VMEM((_B, _CH), jnp.float32),
        pltpu.VMEM((_B, _CH), jnp.float32),
        pltpu.VMEM((_B, _CH), jnp.float32),
        pltpu.VMEM((_B, _CH), jnp.float32),
        pltpu.VMEM((_B, _CH), jnp.float32),
        pltpu.VMEM((_NP,), jnp.float32),
        pltpu.VMEM_SHARED((_NP, _CH), jnp.float32),
        pltpu.SemaphoreType.DMA,
        pltpu.SemaphoreType.DMA,
        pltpu.SemaphoreType.DMA,
        pltpu.SemaphoreType.DMA,
        pltpu.SemaphoreType.DMA,
    ],
  )(_sc2_body)


def _sc4_body(z_hbm, e4_hbm, hu_hbm, rdeg_hbm, out_hbm,
              z_v, src_v, dst_v, zacc_v, hu_v, rd_v, zslice_v, ztmp_v, o_v,
              zs_sh):
    cid = lax.axis_index("c")
    sid = lax.axis_index("s")

    zeros16 = jnp.zeros((16,), jnp.float32)

    def z_step(i, _):
        zacc_v[pl.ds(i * 16, 16)] = zeros16
        return _

    lax.fori_loop(0, _S // 16, z_step, None)

    pltpu.sync_copy(z_hbm, z_v)
    pltpu.sync_copy(e4_hbm.at[0, sid], src_v)
    pltpu.sync_copy(e4_hbm.at[1, sid], dst_v)

    def e_step(r, _):
        for j in range(_B // 16):
            s16 = src_v[r, pl.ds(j * 16, 16)]
            d16 = dst_v[r, pl.ds(j * 16, 16)]
            zz = plsc.load_gather(z_v, [s16])
            m = d16 < _S
            dsafe = jnp.where(m, d16, 0)
            plsc.addupdate_scatter(zacc_v, [dsafe], zz, mask=m)
        return _

    lax.fori_loop(0, _NCH2, e_step, None)
    pltpu.sync_copy(zacc_v, zs_sh.at[sid])
    plsc.subcore_barrier()

    spw = _S // _NS
    pltpu.sync_copy(zs_sh.at[0, pl.ds(sid * spw, spw)], zslice_v)

    def zc_step(j, _):
        pltpu.sync_copy(zs_sh.at[j, pl.ds(sid * spw, spw)], ztmp_v)

        def za_step(i, __):
            zslice_v[pl.ds(i * 16, 16)] += ztmp_v[pl.ds(i * 16, 16)]
            return __

        lax.fori_loop(0, spw // 16, za_step, None)
        return _

    lax.fori_loop(1, _NS, zc_step, None)
    pltpu.sync_copy(hu_hbm.at[pl.ds(sid * spw, spw)], hu_v)
    pltpu.sync_copy(rdeg_hbm.at[pl.ds(sid * spw, spw)], rd_v)

    def f_step(i, _):
        o_v[pl.ds(i * 16, 16)] = (hu_v[pl.ds(i * 16, 16)]
                                  + zslice_v[pl.ds(i * 16, 16)]
                                  * rd_v[pl.ds(i * 16, 16)])
        return _

    lax.fori_loop(0, spw // 16, f_step, None)

    @pl.when(cid == 0)
    def _write_out():
        pltpu.sync_copy(o_v, out_hbm.at[pl.ds(sid * spw, spw)])


@functools.cache
def _get_sc4():
  return functools.partial(
    pl.kernel,
    mesh=plsc.VectorSubcoreMesh(core_axis_name="c", subcore_axis_name="s"),
    compiler_params=pltpu.CompilerParams(needs_layout_passes=False, use_tc_tiling_on_sc=False),
    out_type=jax.ShapeDtypeStruct((_S,), jnp.float32),
    scratch_types=[
        pltpu.VMEM((_NP,), jnp.float32),
        pltpu.VMEM((_NCH2, _B), jnp.int32),
        pltpu.VMEM((_NCH2, _B), jnp.int32),
        pltpu.VMEM((_S,), jnp.float32),
        pltpu.VMEM((_S // _NS,), jnp.float32),
        pltpu.VMEM((_S // _NS,), jnp.float32),
        pltpu.VMEM((_S // _NS,), jnp.float32),
        pltpu.VMEM((_S // _NS,), jnp.float32),
        pltpu.VMEM((_S // _NS,), jnp.float32),
        pltpu.VMEM_SHARED((_NS, _S), jnp.float32),
    ],
  )(_sc4_body)


_BLK = 2048

_SC_HI = np.float32(1.57080078125)
_SC_MID = np.float32(float(np.pi) / 2.0 - 1.57080078125)


def _sincos(ang):
    t = ang * np.float32(0.6366197723675814)
    n = jnp.floor(t + 0.5)
    ni = n.astype(jnp.int32)
    r = (ang - n * _SC_HI) - n * _SC_MID
    r2 = r * r
    sp = r * (1.0 + r2 * (np.float32(-1.0 / 6) + r2 * (
        np.float32(1.0 / 120) + r2 * np.float32(-1.0 / 5040))))
    cp = 1.0 + r2 * (np.float32(-0.5) + r2 * (np.float32(1.0 / 24) + r2 * (
        np.float32(-1.0 / 720) + r2 * np.float32(1.0 / 40320))))
    q0 = (ni & 1) != 0
    sneg = (ni & 2) != 0
    cneg = ((ni + 1) & 2) != 0
    s = jnp.where(q0, cp, sp)
    c = jnp.where(q0, sp, cp)
    s = jnp.where(sneg, -s, s)
    c = jnp.where(cneg, -c, c)
    return s, c


def _tc1_body(x_ref, rel_ref, div_ref, we_ref, wte_ref, wto_ref, b_ref, o_ref):
    ang = rel_ref[...] * div_ref[...]
    s, c = _sincos(ang)
    h = jnp.dot(x_ref[...], we_ref[...], preferred_element_type=jnp.float32)
    h = h + jnp.dot(s, wte_ref[...], preferred_element_type=jnp.float32)
    h = h + jnp.dot(c, wto_ref[...], preferred_element_type=jnp.float32)
    o_ref[...] = h + b_ref[...]


def _tc1(x_in, rel2, div, W_enc, Wt_e, Wt_o, b01):
    return pl.pallas_call(
        _tc1_body,
        grid=(_NP // _BLK,),
        in_specs=[
            pl.BlockSpec((_BLK, _C), lambda i: (i, 0)),
            pl.BlockSpec((_BLK, 1), lambda i: (i, 0)),
            pl.BlockSpec((1, _C // 2), lambda i: (0, 0)),
            pl.BlockSpec((_C, _C), lambda i: (0, 0)),
            pl.BlockSpec((_C // 2, _C), lambda i: (0, 0)),
            pl.BlockSpec((_C // 2, _C), lambda i: (0, 0)),
            pl.BlockSpec((1, _C), lambda i: (0, 0)),
        ],
        out_specs=pl.BlockSpec((_BLK, _C), lambda i: (i, 0)),
        out_shape=jax.ShapeDtypeStruct((_NP, _C), jnp.float32),
    )(x_in, rel2, div, W_enc, Wt_e, Wt_o, b01)


def _tc3_body(h0_ref, ps_ref, dg_ref, ws_ref, wn_ref, b_ref,
              ws1_ref, wn1_ref, wh_ref, b1_ref, bh_ref, zu_ref, rd_ref):
    ones_c = jnp.ones((_NS, 1), jnp.float32)
    deg_col = lax.dot_general(dg_ref[...], ones_c, (((0,), (0,)), ((), ())),
                              preferred_element_type=jnp.float32)
    rd = 1.0 / jnp.maximum(deg_col, 1.0)
    rd_ref[...] = rd
    aggs = ps_ref[...]
    h1 = (jnp.dot(h0_ref[...], ws_ref[...], preferred_element_type=jnp.float32)
          + jnp.dot(aggs, wn_ref[...], preferred_element_type=jnp.float32) * rd
          + b_ref[...])
    h1 = jnp.maximum(h1, 0.0)
    wh = wh_ref[...]
    uv = jnp.concatenate(
        [jnp.dot(wn1_ref[...], wh, preferred_element_type=jnp.float32),
         jnp.dot(ws1_ref[...], wh, preferred_element_type=jnp.float32)], axis=1)
    cval = jnp.dot(b1_ref[...], wh, preferred_element_type=jnp.float32) + bh_ref[...]
    cvec = jnp.concatenate([jnp.zeros((1, 1), jnp.float32), cval], axis=1)
    zu_ref[...] = jnp.dot(h1, uv, preferred_element_type=jnp.float32) + cvec


def _tc3(h0, ps, dg, Ws0, Wn0, b0r, Ws1, Wn1, Wh, b1r, bhr):
    return pl.pallas_call(
        _tc3_body,
        grid=(_NP // _BLK,),
        in_specs=[
            pl.BlockSpec((_BLK, _C), lambda i: (i, 0)),
            pl.BlockSpec((_BLK, _C), lambda i: (i, 0)),
            pl.BlockSpec((_NS, _BLK), lambda i: (0, i)),
            pl.BlockSpec((_C, _C), lambda i: (0, 0)),
            pl.BlockSpec((_C, _C), lambda i: (0, 0)),
            pl.BlockSpec((1, _C), lambda i: (0, 0)),
            pl.BlockSpec((_C, _C), lambda i: (0, 0)),
            pl.BlockSpec((_C, _C), lambda i: (0, 0)),
            pl.BlockSpec((_C, 1), lambda i: (0, 0)),
            pl.BlockSpec((1, _C), lambda i: (0, 0)),
            pl.BlockSpec((1, 1), lambda i: (0, 0)),
        ],
        out_specs=[
            pl.BlockSpec((_BLK, 2), lambda i: (i, 0)),
            pl.BlockSpec((_BLK, 1), lambda i: (i, 0)),
        ],
        out_shape=[
            jax.ShapeDtypeStruct((_NP, 2), jnp.float32),
            jax.ShapeDtypeStruct((_NP, 1), jnp.float32),
        ],
    )(h0, ps, dg, Ws0, Wn0, b0r, Ws1, Wn1, Wh, b1r, bhr)


def kernel(x, edge_index, node_time, seed_time, batch_idx,
           W_enc, b_enc, Wt, bt, Ws0, Wn0, b0, Ws1, Wn1, b1, Wh, bh):
    nt_p = jnp.pad(node_time, (0, _NP - _N))
    bi_p = jnp.pad(batch_idx, (0, _NP - _N))
    src = edge_index[0]
    dst = edge_index[1]

    Wt_e = Wt[0::2]
    Wt_o = Wt[1::2]
    b01 = (b_enc + bt).reshape(1, _C)
    div = jnp.asarray(
        np.exp(-np.arange(0, _C, 2, dtype=np.float64) * (np.log(10000.0) / _C)),
        jnp.float32).reshape(1, _C // 2)

    rel_t = _get_k0()(nt_p, seed_time, bi_p)
    h0 = _tc1(x, rel_t.reshape(_NP, 1), div, W_enc, Wt_e, Wt_o, b01)
    h0v = h0.reshape(2 * _NP, _CH)
    e4 = edge_index.reshape(2, _NS, _NCH2, _B)
    parts, degp = _get_sc2()(h0v, e4)
    zu, rd = _tc3(h0, parts, degp, Ws0, Wn0, b0.reshape(1, _C),
                  Ws1, Wn1, Wh, b1.reshape(1, _C), bh.reshape(1, 1))
    z = zu[:, 0]
    hu = zu[:_S, 1]
    rd1k = rd[:_S, 0]
    out = _get_sc4()(z, e4, hu, rd1k)
    return out.reshape(_S, 1)

# --- scband reference (transcript-rebuilt; emitter-appended) ---
"""Pipeline reference for scband-sagemodel-35003983462629 (READ-ONLY COPY).

The authoritative reference and input builder live on the scoring server;
editing this copy changes nothing except your own understanding.
"""

import jax, jax.numpy as jnp
import numpy as np

N = 10000
E = 320000
C = 128
SEED = 1024
OUT = 1

def _posenc(t, channels):
    # sinusoidal positional encoding of relative time, dim=channels
    i = jnp.arange(0, channels, 2, dtype=jnp.float32)
    div = jnp.exp(-i * (np.log(10000.0) / channels))
    ang = t[:, None] * div[None, :]
    pe = jnp.zeros((t.shape[0], channels), dtype=jnp.float32)
    pe = pe.at[:, 0::2].set(jnp.sin(ang))
    pe = pe.at[:, 1::2].set(jnp.cos(ang))
    return pe

def setup_inputs(seed: int = 0) -> dict:
    key = jax.random.key(seed)
    ks = jax.random.split(key, 20)
    s = 1.0 / np.sqrt(C)
    inp = {}
    # forward tensors
    inp['x'] = jax.random.normal(ks[0], (N, C), dtype=jnp.float32)
    inp['edge_index'] = jax.random.randint(ks[1], (2, E), 0, N, dtype=jnp.int32)
    inp['node_time'] = jax.random.randint(ks[2], (N,), 0, 86400000, dtype=jnp.int32)
    inp['seed_time'] = jax.random.randint(ks[3], (SEED,), 0, 86400000, dtype=jnp.int32)
    inp['batch_idx'] = jnp.sort(jax.random.randint(ks[4], (N,), 0, SEED, dtype=jnp.int32))
    # learned parameters
    inp['W_enc'] = jax.random.normal(ks[5], (C, C), dtype=jnp.float32) * s   # LinearRowEncoder
    inp['b_enc'] = jnp.zeros((C,), dtype=jnp.float32)
    inp['Wt'] = jax.random.normal(ks[6], (C, C), dtype=jnp.float32) * s      # HeteroTemporalEncoder linear
    inp['bt'] = jnp.zeros((C,), dtype=jnp.float32)
    inp['Ws0'] = jax.random.normal(ks[7], (C, C), dtype=jnp.float32) * s     # SAGEConv layer 0 (self)
    inp['Wn0'] = jax.random.normal(ks[8], (C, C), dtype=jnp.float32) * s     # SAGEConv layer 0 (neigh)
    inp['b0'] = jnp.zeros((C,), dtype=jnp.float32)
    inp['Ws1'] = jax.random.normal(ks[9], (C, C), dtype=jnp.float32) * s     # SAGEConv layer 1 (self)
    inp['Wn1'] = jax.random.normal(ks[10], (C, C), dtype=jnp.float32) * s    # SAGEConv layer 1 (neigh)
    inp['b1'] = jnp.zeros((C,), dtype=jnp.float32)
    inp['Wh'] = jax.random.normal(ks[11], (C, OUT), dtype=jnp.float32) * s   # MLP head (num_layers=1 -> single Linear)
    inp['bh'] = jnp.zeros((OUT,), dtype=jnp.float32)
    return inp

def reference(x, edge_index, node_time, seed_time, batch_idx,
              W_enc, b_enc, Wt, bt, Ws0, Wn0, b0, Ws1, Wn1, b1, Wh, bh):
    # 1) tabular encoder (LinearRowEncoder)
    h = x @ W_enc + b_enc
    # 2) temporal encoder: rel_time (days) -> sinusoidal PE -> Linear, added to x_dict
    rel_t = (seed_time[batch_idx] - node_time).astype(jnp.float32) / (60.0 * 60.0 * 24.0)
    pe = _posenc(rel_t, C)
    h = h + pe @ Wt + bt
    # 3) HeteroGraphSAGE: 2 layers of SAGEConv with mean aggregation
    src = edge_index[0]
    dst = edge_index[1]
    deg = jax.ops.segment_sum(jnp.ones((E,), dtype=jnp.float32), dst, num_segments=N)
    deg = jnp.clip(deg, 1.0, None)[:, None]
    # layer 0 (+ relu between layers)
    agg = jax.ops.segment_sum(jnp.take(h, src, axis=0), dst, num_segments=N) / deg
    h = jax.nn.relu(h @ Ws0 + agg @ Wn0 + b0)
    # layer 1 (no activation after last layer)
    agg = jax.ops.segment_sum(jnp.take(h, src, axis=0), dst, num_segments=N) / deg
    h = h @ Ws1 + agg @ Wn1 + b1
    # 4) head on seed nodes (first seed_time.size(0) rows of entity table)
    out = h[:SEED] @ Wh + bh
    return out

if __name__ == "__main__":
    import jax
    _d = setup_inputs()
    print(jax.jit(kernel)(*tuple(_d.values())))

</pallas_src>

<mosaic_0001>
#map = affine_map<(d0, d1) -> (0)>
module attributes {stable_mosaic.version = 14 : i64} {
  func.func @_k0_body(%arg0: i32, %arg1: i32, %arg2: memref<10240xi32, #tpu.memory_space<hbm>>, %arg3: memref<1024xi32, #tpu.memory_space<hbm>>, %arg4: memref<10240xi32, #tpu.memory_space<hbm>>, %arg5: memref<10240xf32, #tpu.memory_space<hbm>>, %arg6: memref<1024xi32, #tpu.memory_space<vmem>>, %arg7: memref<320xi32, #tpu.memory_space<vmem>>, %arg8: memref<320xi32, #tpu.memory_space<vmem>>, %arg9: memref<320xf32, #tpu.memory_space<vmem>>) attributes {dimension_semantics = [#tpu.dimension_semantics<core_parallel>, #tpu.dimension_semantics<subcore_parallel>], iteration_bounds = array<i64: 2, 16>, scalar_prefetch = 0 : i64, scratch_operands = 4 : i64, tpu.core_type = #tpu.core_type<sc_vector_subcore>, window_params = [{transform_indices = #map}, {transform_indices = #map}, {transform_indices = #map}, {transform_indices = #map}]} {
    %mul3A = arith.constant 2 : i32
    %mul3A_0 = arith.muli %arg1, %mul3A : i32
    %add3A = arith.addi %mul3A_0, %arg0 : i32
    "tpu.region"() ({
      %run_scoped3A = tpu.sem_alloc : memref<!tpu.dma_semaphore, #tpu.memory_space<semaphore_mem>>
      tpu.enqueue_dma source(%arg3 : memref<1024xi32, #tpu.memory_space<hbm>>) target(%arg6 : memref<1024xi32, #tpu.memory_space<vmem>>) target_semaphore(%run_scoped3A : memref<!tpu.dma_semaphore, #tpu.memory_space<semaphore_mem>>)
      tpu.wait_dma2 semaphore(%run_scoped3A : memref<!tpu.dma_semaphore, #tpu.memory_space<semaphore_mem>>) src(%arg3 : memref<1024xi32, #tpu.memory_space<hbm>>) dst(%arg6 : memref<1024xi32, #tpu.memory_space<vmem>>)
      tpu.yield
    }) : () -> ()
    %mul3A_1 = arith.constant 320 : i32
    %mul3A_2 = arith.muli %add3A, %mul3A_1 : i32
    "tpu.region"() ({
      %run_scoped3A = tpu.sem_alloc : memref<!tpu.dma_semaphore, #tpu.memory_space<semaphore_mem>>
      %dma_start3A = tpu.memref_slice %arg4[%mul3A_2] : memref<10240xi32, #tpu.memory_space<hbm>> -> memref<320xi32, #tpu.memory_space<hbm>>
      %dma_start3A_11 = tpu.memref_slice %arg4[%mul3A_2] : memref<10240xi32, #tpu.memory_space<hbm>> -> memref<320xi32, #tpu.memory_space<hbm>>
      tpu.enqueue_dma source(%dma_start3A_11 : memref<320xi32, #tpu.memory_space<hbm>>) target(%arg7 : memref<320xi32, #tpu.memory_space<vmem>>) target_semaphore(%run_scoped3A : memref<!tpu.dma_semaphore, #tpu.memory_space<semaphore_mem>>)
      %dma_wait3A = tpu.memref_slice %arg4[%mul3A_2] : memref<10240xi32, #tpu.memory_space<hbm>> -> memref<320xi32, #tpu.memory_space<hbm>>
      %dma_wait3A_12 = tpu.memref_slice %arg4[%mul3A_2] : memref<10240xi32, #tpu.memory_space<hbm>> -> memref<320xi32, #tpu.memory_space<hbm>>
      tpu.wait_dma2 semaphore(%run_scoped3A : memref<!tpu.dma_semaphore, #tpu.memory_space<semaphore_mem>>) src(%dma_wait3A_12 : memref<320xi32, #tpu.memory_space<hbm>>) dst(%arg7 : memref<320xi32, #tpu.memory_space<vmem>>)
      tpu.yield
    }) : () -> ()
    %mul3A_3 = arith.constant 320 : i32
    %mul3A_4 = arith.muli %add3A, %mul3A_3 : i32
    "tpu.region"() ({
      %run_scoped3A = tpu.sem_alloc : memref<!tpu.dma_semaphore, #tpu.memory_space<semaphore_mem>>
      %dma_start3A = tpu.memref_slice %arg2[%mul3A_4] : memref<10240xi32, #tpu.memory_space<hbm>> -> memref<320xi32, #tpu.memory_space<hbm>>
      %dma_start3A_11 = tpu.memref_slice %arg2[%mul3A_4] : memref<10240xi32, #tpu.memory_space<hbm>> -> memref<320xi32, #tpu.memory_space<hbm>>
      tpu.enqueue_dma source(%dma_start3A_11 : memref<320xi32, #tpu.memory_space<hbm>>) target(%arg8 : memref<320xi32, #tpu.memory_space<vmem>>) target_semaphore(%run_scoped3A : memref<!tpu.dma_semaphore, #tpu.memory_space<semaphore_mem>>)
      %dma_wait3A = tpu.memref_slice %arg2[%mul3A_4] : memref<10240xi32, #tpu.memory_space<hbm>> -> memref<320xi32, #tpu.memory_space<hbm>>
      %dma_wait3A_12 = tpu.memref_slice %arg2[%mul3A_4] : memref<10240xi32, #tpu.memory_space<hbm>> -> memref<320xi32, #tpu.memory_space<hbm>>
      tpu.wait_dma2 semaphore(%run_scoped3A : memref<!tpu.dma_semaphore, #tpu.memory_space<semaphore_mem>>) src(%dma_wait3A_12 : memref<320xi32, #tpu.memory_space<hbm>>) dst(%arg8 : memref<320xi32, #tpu.memory_space<vmem>>)
      tpu.yield
    }) : () -> ()
    %scan3A = arith.constant 0 : i32
    %scan3A_5 = arith.constant 20 : i32
    %scan3A_6 = arith.addi %scan3A, %scan3A_5 : i32
    %scan3A_7 = arith.constant 1 : i32
    scf.for %scan3A_11 = %scan3A to %scan3A_6 step %scan3A_7  : i32 {
      %mul3A_12 = arith.constant 16 : i32
      %mul3A_13 = arith.muli %scan3A_11, %mul3A_12 : i32
      %get3A = arith.index_cast %mul3A_13 : i32 to index
      %get3A_14 = tpu.vector_load %arg7[%get3A] {strides = array<i32>} : memref<320xi32, #tpu.memory_space<vmem>>, vector<16xi32>,
      %gather3A = tpu.vector_load_idx %arg6[%get3A_14] : memref<1024xi32, #tpu.memory_space<vmem>>[vector<16xi32>], vector<16xi32>,
      %mul3A_15 = arith.constant 16 : i32
      %mul3A_16 = arith.muli %scan3A_11, %mul3A_15 : i32
      %get3A_17 = arith.index_cast %mul3A_16 : i32 to index
      %get3A_18 = tpu.vector_load %arg8[%get3A_17] {strides = array<i32>} : memref<320xi32, #tpu.memory_space<vmem>>, vector<16xi32>,
      %sub3A = arith.subi %gather3A, %get3A_18 : vector<16xi32>
      %convert_element_type3A = arith.sitofp %sub3A : vector<16xi32> to vector<16xf32>
      %div3A = arith.constant 8.640000e+04 : f32
      %div3A_19 = vector.broadcast %div3A : f32 to vector<16xf32>
      %div3A_20 = arith.divf %convert_element_type3A, %div3A_19 : vector<16xf32>
      %mul3A_21 = arith.constant 16 : i32
      %mul3A_22 = arith.muli %scan3A_11, %mul3A_21 : i32
      %swap3A = arith.index_cast %mul3A_22 : i32 to index
      %swap3A_23 = tpu.vector_load %arg9[%swap3A] {strides = array<i32>} : memref<320xf32, #tpu.memory_space<vmem>>, vector<16xf32>,
      tpu.vector_store %arg9[%swap3A], %div3A_20 {strides = array<i32>} : memref<320xf32, #tpu.memory_space<vmem>>, vector<16xf32>,
    }
    %scan3A_8 = arith.constant 20 : i32
    %mul3A_9 = arith.constant 320 : i32
    %mul3A_10 = arith.muli %add3A, %mul3A_9 : i32
    "tpu.region"() ({
      %run_scoped3A = tpu.sem_alloc : memref<!tpu.dma_semaphore, #tpu.memory_space<semaphore_mem>>
      %dma_start3A = tpu.memref_slice %arg5[%mul3A_10] : memref<10240xf32, #tpu.memory_space<hbm>> -> memref<320xf32, #tpu.memory_space<hbm>>
      %dma_start3A_11 = tpu.memref_slice %arg5[%mul3A_10] : memref<10240xf32, #tpu.memory_space<hbm>> -> memref<320xf32, #tpu.memory_space<hbm>>
      tpu.enqueue_dma source(%arg9 : memref<320xf32, #tpu.memory_space<vmem>>) target(%dma_start3A_11 : memref<320xf32, #tpu.memory_space<hbm>>) target_semaphore(%run_scoped3A : memref<!tpu.dma_semaphore, #tpu.memory_space<semaphore_mem>>)
      %dma_wait3A = tpu.memref_slice %arg5[%mul3A_10] : memref<10240xf32, #tpu.memory_space<hbm>> -> memref<320xf32, #tpu.memory_space<hbm>>
      %dma_wait3A_12 = tpu.memref_slice %arg5[%mul3A_10] : memref<10240xf32, #tpu.memory_space<hbm>> -> memref<320xf32, #tpu.memory_space<hbm>>
      tpu.wait_dma2 semaphore(%run_scoped3A : memref<!tpu.dma_semaphore, #tpu.memory_space<semaphore_mem>>) src(%arg9 : memref<320xf32, #tpu.memory_space<vmem>>) dst(%dma_wait3A_12 : memref<320xf32, #tpu.memory_space<hbm>>)
      tpu.yield
    }) : () -> ()
    return
  }
}

#map = affine_map<(d0, d1) -> (0)>
#map1 = affine_map<(d0, d1) -> (0, 0, 0, 0)>
module attributes {stable_mosaic.version = 14 : i64} {
  func.func @_sc4_body(%arg0: i32, %arg1: i32, %arg2: memref<10240xf32, #tpu.memory_space<hbm>>, %arg3: memref<2x16x250x80xi32, #tpu.memory_space<hbm>>, %arg4: memref<1024xf32, #tpu.memory_space<hbm>>, %arg5: memref<1024xf32, #tpu.memory_space<hbm>>, %arg6: memref<1024xf32, #tpu.memory_space<hbm>>, %arg7: memref<10240xf32, #tpu.memory_space<vmem>>, %arg8: memref<250x80xi32, #tpu.memory_space<vmem>>, %arg9: memref<250x80xi32, #tpu.memory_space<vmem>>, %arg10: memref<1024xf32, #tpu.memory_space<vmem>>, %arg11: memref<64xf32, #tpu.memory_space<vmem>>, %arg12: memref<64xf32, #tpu.memory_space<vmem>>, %arg13: memref<64xf32, #tpu.memory_space<vmem>>, %arg14: memref<64xf32, #tpu.memory_space<vmem>>, %arg15: memref<64xf32, #tpu.memory_space<vmem>>, %arg16: memref<16x1024xf32, #tpu.memory_space<vmem_shared>>) attributes {dimension_semantics = [#tpu.dimension_semantics<core_parallel>, #tpu.dimension_semantics<subcore_parallel>], iteration_bounds = array<i64: 2, 16>, scalar_prefetch = 0 : i64, scratch_operands = 10 : i64, tpu.core_type = #tpu.core_type<sc_vector_subcore>, window_params = [{transform_indices = #map}, {transform_indices = #map1}, {transform_indices = #map}, {transform_indices = #map}, {transform_indices = #map}]} {
    %broadcast_in_dim3A = arith.constant 0.000000e+00 : f32
    %broadcast_in_dim3A_0 = vector.broadcast %broadcast_in_dim3A : f32 to vector<16xf32>
    %scan3A = arith.constant 0 : i32
    %scan3A_1 = arith.constant 64 : i32
    %scan3A_2 = arith.addi %scan3A, %scan3A_1 : i32
    %scan3A_3 = arith.constant 1 : i32
    scf.for %scan3A_29 = %scan3A to %scan3A_2 step %scan3A_3  : i32 {
      %mul3A_30 = arith.constant 16 : i32
      %mul3A_31 = arith.muli %scan3A_29, %mul3A_30 : i32
      %swap3A = arith.index_cast %mul3A_31 : i32 to index
      %swap3A_32 = tpu.vector_load %arg10[%swap3A] {strides = array<i32>} : memref<1024xf32, #tpu.memory_space<vmem>>, vector<16xf32>,
      tpu.vector_store %arg10[%swap3A], %broadcast_in_dim3A_0 {strides = array<i32>} : memref<1024xf32, #tpu.memory_space<vmem>>, vector<16xf32>,
    }
    %scan3A_4 = arith.constant 64 : i32
    "tpu.region"() ({
      %run_scoped3A_29 = tpu.sem_alloc : memref<!tpu.dma_semaphore, #tpu.memory_space<semaphore_mem>>
      tpu.enqueue_dma source(%arg2 : memref<10240xf32, #tpu.memory_space<hbm>>) target(%arg7 : memref<10240xf32, #tpu.memory_space<vmem>>) target_semaphore(%run_scoped3A_29 : memref<!tpu.dma_semaphore, #tpu.memory_space<semaphore_mem>>)
      tpu.wait_dma2 semaphore(%run_scoped3A_29 : memref<!tpu.dma_semaphore, #tpu.memory_space<semaphore_mem>>) src(%arg2 : memref<10240xf32, #tpu.memory_space<hbm>>) dst(%arg7 : memref<10240xf32, #tpu.memory_space<vmem>>)
      tpu.yield
    }) : () -> ()
    %run_scoped3A = arith.constant 0 : i32
    "tpu.region"() ({
      %run_scoped3A_29 = tpu.sem_alloc : memref<!tpu.dma_semaphore, #tpu.memory_space<semaphore_mem>>
      %dma_start3A = arith.constant 0 : i32
      %dma_start3A_30 = arith.constant 0 : i32
      %dma_start3A_31 = tpu.memref_slice %arg3[%run_scoped3A, %arg1, %dma_start3A, %dma_start3A_30] : memref<2x16x250x80xi32, #tpu.memory_space<hbm>> -> memref<1x1x250x80xi32, #tpu.memory_space<hbm>>
      %dma_start3A_32 = tpu.memref_squeeze %dma_start3A_31 : memref<1x1x250x80xi32, #tpu.memory_space<hbm>> -> memref<250x80xi32, #tpu.memory_space<hbm>>
      %dma_start3A_33 = arith.constant 0 : i32
      %dma_start3A_34 = arith.constant 0 : i32
      %dma_start3A_35 = tpu.memref_slice %arg3[%run_scoped3A, %arg1, %dma_start3A_33, %dma_start3A_34] : memref<2x16x250x80xi32, #tpu.memory_space<hbm>> -> memref<1x1x250x80xi32, #tpu.memory_space<hbm>>
      %dma_start3A_36 = tpu.memref_squeeze %dma_start3A_35 : memref<1x1x250x80xi32, #tpu.memory_space<hbm>> -> memref<250x80xi32, #tpu.memory_space<hbm>>
      tpu.enqueue_dma source(%dma_start3A_36 : memref<250x80xi32, #tpu.memory_space<hbm>>) target(%arg8 : memref<250x80xi32, #tpu.memory_space<vmem>>) target_semaphore(%run_scoped3A_29 : memref<!tpu.dma_semaphore, #tpu.memory_space<semaphore_mem>>)
      %dma_wait3A = arith.constant 0 : i32
      %dma_wait3A_37 = arith.constant 0 : i32
      %dma_wait3A_38 = tpu.memref_slice %arg3[%run_scoped3A, %arg1, %dma_wait3A, %dma_wait3A_37] : memref<2x16x250x80xi32, #tpu.memory_space<hbm>> -> memref<1x1x250x80xi32, #tpu.memory_space<hbm>>
      %dma_wait3A_39 = tpu.memref_squeeze %dma_wait3A_38 : memref<1x1x250x80xi32, #tpu.memory_space<hbm>> -> memref<250x80xi32, #tpu.memory_space<hbm>>
      %dma_wait3A_40 = arith.constant 0 : i32
      %dma_wait3A_41 = arith.constant 0 : i32
      %dma_wait3A_42 = tpu.memref_slice %arg3[%run_scoped3A, %arg1, %dma_wait3A_40, %dma_wait3A_41] : memref<2x16x250x80xi32, #tpu.memory_space<hbm>> -> memref<1x1x250x80xi32, #tpu.memory_space<hbm>>
      %dma_wait3A_43 = tpu.memref_squeeze %dma_wait3A_42 : memref<1x1x250x80xi32, #tpu.memory_space<hbm>> -> memref<250x80xi32, #tpu.memory_space<hbm>>
      tpu.wait_dma2 semaphore(%run_scoped3A_29 : memref<!tpu.dma_semaphore, #tpu.memory_space<semaphore_mem>>) src(%dma_wait3A_43 : memref<250x80xi32, #tpu.memory_space<hbm>>) dst(%arg8 : memref<250x80xi32, #tpu.memory_space<vmem>>)
      tpu.yield
    }) : () -> ()
    %run_scoped3A_5 = arith.constant 1 : i32
    "tpu.region"() ({
      %run_scoped3A_29 = tpu.sem_alloc : memref<!tpu.dma_semaphore, #tpu.memory_space<semaphore_mem>>
      %dma_start3A = arith.constant 0 : i32
      %dma_start3A_30 = arith.constant 0 : i32
      %dma_start3A_31 = tpu.memref_slice %arg3[%run_scoped3A_5, %arg1, %dma_start3A, %dma_start3A_30] : memref<2x16x250x80xi32, #tpu.memory_space<hbm>> -> memref<1x1x250x80xi32, #tpu.memory_space<hbm>>
      %dma_start3A_32 = tpu.memref_squeeze %dma_start3A_31 : memref<1x1x250x80xi32, #tpu.memory_space<hbm>> -> memref<250x80xi32, #tpu.memory_space<hbm>>
      %dma_start3A_33 = arith.constant 0 : i32
      %dma_start3A_34 = arith.constant 0 : i32
      %dma_start3A_35 = tpu.memref_slice %arg3[%run_scoped3A_5, %arg1, %dma_start3A_33, %dma_start3A_34] : memref<2x16x250x80xi32, #tpu.memory_space<hbm>> -> memref<1x1x250x80xi32, #tpu.memory_space<hbm>>
      %dma_start3A_36 = tpu.memref_squeeze %dma_start3A_35 : memref<1x1x250x80xi32, #tpu.memory_space<hbm>> -> memref<250x80xi32, #tpu.memory_space<hbm>>
      tpu.enqueue_dma source(%dma_start3A_36 : memref<250x80xi32, #tpu.memory_space<hbm>>) target(%arg9 : memref<250x80xi32, #tpu.memory_space<vmem>>) target_semaphore(%run_scoped3A_29 : memref<!tpu.dma_semaphore, #tpu.memory_space<semaphore_mem>>)
      %dma_wait3A = arith.constant 0 : i32
      %dma_wait3A_37 = arith.constant 0 : i32
      %dma_wait3A_38 = tpu.memref_slice %arg3[%run_scoped3A_5, %arg1, %dma_wait3A, %dma_wait3A_37] : memref<2x16x250x80xi32, #tpu.memory_space<hbm>> -> memref<1x1x250x80xi32, #tpu.memory_space<hbm>>
      %dma_wait3A_39 = tpu.memref_squeeze %dma_wait3A_38 : memref<1x1x250x80xi32, #tpu.memory_space<hbm>> -> memref<250x80xi32, #tpu.memory_space<hbm>>
      %dma_wait3A_40 = arith.constant 0 : i32
      %dma_wait3A_41 = arith.constant 0 : i32
      %dma_wait3A_42 = tpu.memref_slice %arg3[%run_scoped3A_5, %arg1, %dma_wait3A_40, %dma_wait3A_41] : memref<2x16x250x80xi32, #tpu.memory_space<hbm>> -> memref<1x1x250x80xi32, #tpu.memory_space<hbm>>
      %dma_wait3A_43 = tpu.memref_squeeze %dma_wait3A_42 : memref<1x1x250x80xi32, #tpu.memory_space<hbm>> -> memref<250x80xi32, #tpu.memory_space<hbm>>
      tpu.wait_dma2 semaphore(%run_scoped3A_29 : memref<!tpu.dma_semaphore, #tpu.memory_space<semaphore_mem>>) src(%dma_wait3A_43 : memref<250x80xi32, #tpu.memory_space<hbm>>) dst(%arg9 : memref<250x80xi32, #tpu.memory_space<vmem>>)
      tpu.yield
    }) : () -> ()
    %scan3A_6 = arith.constant 0 : i32
    %scan3A_7 = arith.constant 250 : i32
    %scan3A_8 = arith.addi %scan3A_6, %scan3A_7 : i32
    %scan3A_9 = arith.constant 1 : i32
    scf.for %scan3A_29 = %scan3A_6 to %scan3A_8 step %scan3A_9  : i32 {
      %get3A = arith.index_cast %scan3A_29 : i32 to index
      %get3A_30 = arith.constant 0 : index
      %get3A_31 = tpu.vector_load %arg8[%get3A, %get3A_30] {strides = array<i32>} : memref<250x80xi32, #tpu.memory_space<vmem>>, vector<16xi32>,
      %get3A_32 = arith.index_cast %scan3A_29 : i32 to index
      %get3A_33 = arith.constant 0 : index
      %get3A_34 = tpu.vector_load %arg9[%get3A_32, %get3A_33] {strides = array<i32>} : memref<250x80xi32, #tpu.memory_space<vmem>>, vector<16xi32>,
      %gather3A = tpu.vector_load_idx %arg7[%get3A_31] : memref<10240xf32, #tpu.memory_space<vmem>>[vector<16xi32>], vector<16xf32>,
      %lt3A = arith.constant 1024 : i32
      %lt3A_35 = vector.broadcast %lt3A : i32 to vector<16xi32>
      %lt3A_36 = arith.cmpi slt, %get3A_34, %lt3A_35 : vector<16xi32>
      %jit3A = arith.constant 0 : i32
      %broadcast_in_dim3A_37 = vector.broadcast %jit3A : i32 to vector<16xi32>
      %select_n3A = arith.select %lt3A_36, %get3A_34, %broadcast_in_dim3A_37 : vector<16xi1>, vector<16xi32>
      tpu.vector_store_idx %arg10[%select_n3A], %gather3A masked %lt3A_36 {add = true} : memref<1024xf32, #tpu.memory_space<vmem>>[vector<16xi32>], vector<16xf32>, vector<16xi1>
      %get3A_38 = arith.index_cast %scan3A_29 : i32 to index
      %get3A_39 = arith.constant 16 : index
      %get3A_40 = tpu.vector_load %arg8[%get3A_38, %get3A_39] {strides = array<i32>} : memref<250x80xi32, #tpu.memory_space<vmem>>, vector<16xi32>,
      %get3A_41 = arith.index_cast %scan3A_29 : i32 to index
      %get3A_42 = arith.constant 16 : index
      %get3A_43 = tpu.vector_load %arg9[%get3A_41, %get3A_42] {strides = array<i32>} : memref<250x80xi32, #tpu.memory_space<vmem>>, vector<16xi32>,
      %gather3A_44 = tpu.vector_load_idx %arg7[%get3A_40] : memref<10240xf32, #tpu.memory_space<vmem>>[vector<16xi32>], vector<16xf32>,
      %lt3A_45 = arith.constant 1024 : i32
      %lt3A_46 = vector.broadcast %lt3A_45 : i32 to vector<16xi32>
      %lt3A_47 = arith.cmpi slt, %get3A_43, %lt3A_46 : vector<16xi32>
      %jit3A_48 = arith.constant 0 : i32
      %broadcast_in_dim3A_49 = vector.broadcast %jit3A_48 : i32 to vector<16xi32>
      %select_n3A_50 = arith.select %lt3A_47, %get3A_43, %broadcast_in_dim3A_49 : vector<16xi1>, vector<16xi32>
      tpu.vector_store_idx %arg10[%select_n3A_50], %gather3A_44 masked %lt3A_47 {add = true} : memref<1024xf32, #tpu.memory_space<vmem>>[vector<16xi32>], vector<16xf32>, vector<16xi1>
      %get3A_51 = arith.index_cast %scan3A_29 : i32 to index
      %get3A_52 = arith.constant 32 : index
      %get3A_53 = tpu.vector_load %arg8[%get3A_51, %get3A_52] {strides = array<i32>} : memref<250x80xi32, #tpu.memory_space<vmem>>, vector<16xi32>,
      %get3A_54 = arith.index_cast %scan3A_29 : i32 to index
      %get3A_55 = arith.constant 32 : index
      %get3A_56 = tpu.vector_load %arg9[%get3A_54, %get3A_55] {strides = array<i32>} : memref<250x80xi32, #tpu.memory_space<vmem>>, vector<16xi32>,
      %gather3A_57 = tpu.vector_load_idx %arg7[%get3A_53] : memref<10240xf32, #tpu.memory_space<vmem>>[vector<16xi32>], vector<16xf32>,
      %lt3A_58 = arith.constant 1024 : i32
      %lt3A_59 = vector.broadcast %lt3A_58 : i32 to vector<16xi32>
      %lt3A_60 = arith.cmpi slt, %get3A_56, %lt3A_59 : vector<16xi32>
      %jit3A_61 = arith.constant 0 : i32
      %broadcast_in_dim3A_62 = vector.broadcast %jit3A_61 : i32 to vector<16xi32>
      %select_n3A_63 = arith.select %lt3A_60, %get3A_56, %broadcast_in_dim3A_62 : vector<16xi1>, vector<16xi32>
      tpu.vector_store_idx %arg10[%select_n3A_63], %gather3A_57 masked %lt3A_60 {add = true} : memref<1024xf32, #tpu.memory_space<vmem>>[vector<16xi32>], vector<16xf32>, vector<16xi1>
      %get3A_64 = arith.index_cast %scan3A_29 : i32 to index
      %get3A_65 = arith.constant 48 : index
      %get3A_66 = tpu.vector_load %arg8[%get3A_64, %get3A_65] {strides = array<i32>} : memref<250x80xi32, #tpu.memory_space<vmem>>, vector<16xi32>,
      %get3A_67 = arith.index_cast %scan3A_29 : i32 to index
      %get3A_68 = arith.constant 48 : index
      %get3A_69 = tpu.vector_load %arg9[%get3A_67, %get3A_68] {strides = array<i32>} : memref<250x80xi32, #tpu.memory_space<vmem>>, vector<16xi32>,
      %gather3A_70 = tpu.vector_load_idx %arg7[%get3A_66] : memref<10240xf32, #tpu.memory_space<vmem>>[vector<16xi32>], vector<16xf32>,
      %lt3A_71 = arith.constant 1024 : i32
      %lt3A_72 = vector.broadcast %lt3A_71 : i32 to vector<16xi32>
      %lt3A_73 = arith.cmpi slt, %get3A_69, %lt3A_72 : vector<16xi32>
      %jit3A_74 = arith.constant 0 : i32
      %broadcast_in_dim3A_75 = vector.broadcast %jit3A_74 : i32 to vector<16xi32>
      %select_n3A_76 = arith.select %lt3A_73, %get3A_69, %broadcast_in_dim3A_75 : vector<16xi1>, vector<16xi32>
      tpu.vector_store_idx %arg10[%select_n3A_76], %gather3A_70 masked %lt3A_73 {add = true} : memref<1024xf32, #tpu.memory_space<vmem>>[vector<16xi32>], vector<16xf32>, vector<16xi1>
      %get3A_77 = arith.index_cast %scan3A_29 : i32 to index
      %get3A_78 = arith.constant 64 : index
      %get3A_79 = tpu.vector_load %arg8[%get3A_77, %get3A_78] {strides = array<i32>} : memref<250x80xi32, #tpu.memory_space<vmem>>, vector<16xi32>,
      %get3A_80 = arith.index_cast %scan3A_29 : i32 to index
      %get3A_81 = arith.constant 64 : index
      %get3A_82 = tpu.vector_load %arg9[%get3A_80, %get3A_81] {strides = array<i32>} : memref<250x80xi32, #tpu.memory_space<vmem>>, vector<16xi32>,
      %gather3A_83 = tpu.vector_load_idx %arg7[%get3A_79] : memref<10240xf32, #tpu.memory_space<vmem>>[vector<16xi32>], vector<16xf32>,
      %lt3A_84 = arith.constant 1024 : i32
      %lt3A_85 = vector.broadcast %lt3A_84 : i32 to vector<16xi32>
      %lt3A_86 = arith.cmpi slt, %get3A_82, %lt3A_85 : vector<16xi32>
      %jit3A_87 = arith.constant 0 : i32
      %broadcast_in_dim3A_88 = vector.broadcast %jit3A_87 : i32 to vector<16xi32>
      %select_n3A_89 = arith.select %lt3A_86, %get3A_82, %broadcast_in_dim3A_88 : vector<16xi1>, vector<16xi32>
      tpu.vector_store_idx %arg10[%select_n3A_89], %gather3A_83 masked %lt3A_86 {add = true} : memref<1024xf32, #tpu.memory_space<vmem>>[vector<16xi32>], vector<16xf32>, vector<16xi1>
    }
    %scan3A_10 = arith.constant 250 : i32
    "tpu.region"() ({
      %run_scoped3A_29 = tpu.sem_alloc : memref<!tpu.dma_semaphore, #tpu.memory_space<semaphore_mem>>
      %dma_start3A = arith.constant 0 : i32
      %dma_start3A_30 = tpu.memref_slice %arg16[%arg1, %dma_start3A] : memref<16x1024xf32, #tpu.memory_space<vmem_shared>> -> memref<1x1024xf32, #tpu.memory_space<vmem_shared>>
      %dma_start3A_31 = tpu.memref_squeeze %dma_start3A_30 : memref<1x1024xf32, #tpu.memory_space<vmem_shared>> -> memref<1024xf32, #tpu.memory_space<vmem_shared>>
      %dma_start3A_32 = arith.constant 0 : i32
      %dma_start3A_33 = tpu.memref_slice %arg16[%arg1, %dma_start3A_32] : memref<16x1024xf32, #tpu.memory_space<vmem_shared>> -> memref<1x1024xf32, #tpu.memory_space<vmem_shared>>
      %dma_start3A_34 = tpu.memref_squeeze %dma_start3A_33 : memref<1x1024xf32, #tpu.memory_space<vmem_shared>> -> memref<1024xf32, #tpu.memory_space<vmem_shared>>
      tpu.enqueue_dma source(%arg10 : memref<1024xf32, #tpu.memory_space<vmem>>) target(%dma_start3A_34 : memref<1024xf32, #tpu.memory_space<vmem_shared>>) target_semaphore(%run_scoped3A_29 : memref<!tpu.dma_semaphore, #tpu.memory_space<semaphore_mem>>)
      %dma_wait3A = arith.constant 0 : i32
      %dma_wait3A_35 = tpu.memref_slice %arg16[%arg1, %dma_wait3A] : memref<16x1024xf32, #tpu.memory_space<vmem_shared>> -> memref<1x1024xf32, #tpu.memory_space<vmem_shared>>
      %dma_wait3A_36 = tpu.memref_squeeze %dma_wait3A_35 : memref<1x1024xf32, #tpu.memory_space<vmem_shared>> -> memref<1024xf32, #tpu.memory_space<vmem_shared>>
      %dma_wait3A_37 = arith.constant 0 : i32
      %dma_wait3A_38 = tpu.memref_slice %arg16[%arg1, %dma_wait3A_37] : memref<16x1024xf32, #tpu.memory_space<vmem_shared>> -> memref<1x1024xf32, #tpu.memory_space<vmem_shared>>
      %dma_wait3A_39 = tpu.memref_squeeze %dma_wait3A_38 : memref<1x1024xf32, #tpu.memory_space<vmem_shared>> -> memref<1024xf32, #tpu.memory_space<vmem_shared>>
      tpu.wait_dma2 semaphore(%run_scoped3A_29 : memref<!tpu.dma_semaphore, #tpu.memory_space<semaphore_mem>>) src(%arg10 : memref<1024xf32, #tpu.memory_space<vmem>>) dst(%dma_wait3A_39 : memref<1024xf32, #tpu.memory_space<vmem_shared>>)
      tpu.yield
    }) : () -> ()
    %barrier3A = arith.constant 0 : index
    tpu.barrier barrier_id(%barrier3A)
    %mul3A = arith.constant 64 : i32
    %mul3A_11 = arith.muli %arg1, %mul3A : i32
    %run_scoped3A_12 = arith.constant 0 : i32
    "tpu.region"() ({
      %run_scoped3A_29 = tpu.sem_alloc : memref<!tpu.dma_semaphore, #tpu.memory_space<semaphore_mem>>
      %dma_start3A = tpu.memref_slice %arg16[%run_scoped3A_12, %mul3A_11] : memref<16x1024xf32, #tpu.memory_space<vmem_shared>> -> memref<1x64xf32, #tpu.memory_space<vmem_shared>>
      %dma_start3A_30 = tpu.memref_squeeze %dma_start3A : memref<1x64xf32, #tpu.memory_space<vmem_shared>> -> memref<64xf32, #tpu.memory_space<vmem_shared>>
      %dma_start3A_31 = tpu.memref_slice %arg16[%run_scoped3A_12, %mul3A_11] : memref<16x1024xf32, #tpu.memory_space<vmem_shared>> -> memref<1x64xf32, #tpu.memory_space<vmem_shared>>
      %dma_start3A_32 = tpu.memref_squeeze %dma_start3A_31 : memref<1x64xf32, #tpu.memory_space<vmem_shared>> -> memref<64xf32, #tpu.memory_space<vmem_shared>>
      tpu.enqueue_dma source(%dma_start3A_32 : memref<64xf32, #tpu.memory_space<vmem_shared>>) target(%arg13 : memref<64xf32, #tpu.memory_space<vmem>>) target_semaphore(%run_scoped3A_29 : memref<!tpu.dma_semaphore, #tpu.memory_space<semaphore_mem>>)
      %dma_wait3A = tpu.memref_slice %arg16[%run_scoped3A_12, %mul3A_11] : memref<16x1024xf32, #tpu.memory_space<vmem_shared>> -> memref<1x64xf32, #tpu.memory_space<vmem_shared>>
      %dma_wait3A_33 = tpu.memref_squeeze %dma_wait3A : memref<1x64xf32, #tpu.memory_space<vmem_shared>> -> memref<64xf32, #tpu.memory_space<vmem_shared>>
      %dma_wait3A_34 = tpu.memref_slice %arg16[%run_scoped3A_12, %mul3A_11] : memref<16x1024xf32, #tpu.memory_space<vmem_shared>> -> memref<1x64xf32, #tpu.memory_space<vmem_shared>>
      %dma_wait3A_35 = tpu.memref_squeeze %dma_wait3A_34 : memref<1x64xf32, #tpu.memory_space<vmem_shared>> -> memref<64xf32, #tpu.memory_space<vmem_shared>>
      tpu.wait_dma2 semaphore(%run_scoped3A_29 : memref<!tpu.dma_semaphore, #tpu.memory_space<semaphore_mem>>) src(%dma_wait3A_35 : memref<64xf32, #tpu.memory_space<vmem_shared>>) dst(%arg13 : memref<64xf32, #tpu.memory_space<vmem>>)
      tpu.yield
    }) : () -> ()
    %scan3A_13 = arith.constant 1 : i32
    %scan3A_14 = arith.constant 15 : i32
    %scan3A_15 = arith.addi %scan3A_13, %scan3A_14 : i32
    %scan3A_16 = arith.constant 1 : i32
    scf.for %scan3A_29 = %scan3A_13 to %scan3A_15 step %scan3A_16  : i32 {
      %mul3A_30 = arith.constant 64 : i32
      %mul3A_31 = arith.muli %arg1, %mul3A_30 : i32
      "tpu.region"() ({
        %run_scoped3A_37 = tpu.sem_alloc : memref<!tpu.dma_semaphore, #tpu.memory_space<semaphore_mem>>
        %dma_start3A = tpu.memref_slice %arg16[%scan3A_29, %mul3A_31] : memref<16x1024xf32, #tpu.memory_space<vmem_shared>> -> memref<1x64xf32, #tpu.memory_space<vmem_shared>>
        %dma_start3A_38 = tpu.memref_squeeze %dma_start3A : memref<1x64xf32, #tpu.memory_space<vmem_shared>> -> memref<64xf32, #tpu.memory_space<vmem_shared>>
        %dma_start3A_39 = tpu.memref_slice %arg16[%scan3A_29, %mul3A_31] : memref<16x1024xf32, #tpu.memory_space<vmem_shared>> -> memref<1x64xf32, #tpu.memory_space<vmem_shared>>
        %dma_start3A_40 = tpu.memref_squeeze %dma_start3A_39 : memref<1x64xf32, #tpu.memory_space<vmem_shared>> -> memref<64xf32, #tpu.memory_space<vmem_shared>>
        tpu.enqueue_dma source(%dma_start3A_40 : memref<64xf32, #tpu.memory_space<vmem_shared>>) target(%arg14 : memref<64xf32, #tpu.memory_space<vmem>>) target_semaphore(%run_scoped3A_37 : memref<!tpu.dma_semaphore, #tpu.memory_space<semaphore_mem>>)
        %dma_wait3A = tpu.memref_slice %arg16[%scan3A_29, %mul3A_31] : memref<16x1024xf32, #tpu.memory_space<vmem_shared>> -> memref<1x64xf32, #tpu.memory_space<vmem_shared>>
        %dma_wait3A_41 = tpu.memref_squeeze %dma_wait3A : memref<1x64xf32, #tpu.memory_space<vmem_shared>> -> memref<64xf32, #tpu.memory_space<vmem_shared>>
        %dma_wait3A_42 = tpu.memref_slice %arg16[%scan3A_29, %mul3A_31] : memref<16x1024xf32, #tpu.memory_space<vmem_shared>> -> memref<1x64xf32, #tpu.memory_space<vmem_shared>>
        %dma_wait3A_43 = tpu.memref_squeeze %dma_wait3A_42 : memref<1x64xf32, #tpu.memory_space<vmem_shared>> -> memref<64xf32, #tpu.memory_space<vmem_shared>>
        tpu.wait_dma2 semaphore(%run_scoped3A_37 : memref<!tpu.dma_semaphore, #tpu.memory_space<semaphore_mem>>) src(%dma_wait3A_43 : memref<64xf32, #tpu.memory_space<vmem_shared>>) dst(%arg14 : memref<64xf32, #tpu.memory_space<vmem>>)
        tpu.yield
      }) : () -> ()
      %scan3A_32 = arith.constant 0 : i32
      %scan3A_33 = arith.constant 4 : i32
      %scan3A_34 = arith.addi %scan3A_32, %scan3A_33 : i32
      %scan3A_35 = arith.constant 1 : i32
      scf.for %scan3A_37 = %scan3A_32 to %scan3A_34 step %scan3A_35  : i32 {
        %mul3A_38 = arith.constant 16 : i32
        %mul3A_39 = arith.muli %scan3A_37, %mul3A_38 : i32
        %get3A = arith.index_cast %mul3A_39 : i32 to index
        %get3A_40 = tpu.vector_load %arg13[%get3A] {strides = array<i32>} : memref<64xf32, #tpu.memory_space<vmem>>, vector<16xf32>,
        %mul3A_41 = arith.constant 16 : i32
        %mul3A_42 = arith.muli %scan3A_37, %mul3A_41 : i32
        %get3A_43 = arith.index_cast %mul3A_42 : i32 to index
        %get3A_44 = tpu.vector_load %arg14[%get3A_43] {strides = array<i32>} : memref<64xf32, #tpu.memory_space<vmem>>, vector<16xf32>,
        %add3A = arith.addf %get3A_40, %get3A_44 : vector<16xf32>
        %swap3A = arith.index_cast %mul3A_39 : i32 to index
        %swap3A_45 = tpu.vector_load %arg13[%swap3A] {strides = array<i32>} : memref<64xf32, #tpu.memory_space<vmem>>, vector<16xf32>,
        tpu.vector_store %arg13[%swap3A], %add3A {strides = array<i32>} : memref<64xf32, #tpu.memory_space<vmem>>, vector<16xf32>,
      }
      %scan3A_36 = arith.constant 4 : i32
    }
    %scan3A_17 = arith.constant 15 : i32
    %mul3A_18 = arith.constant 64 : i32
    %mul3A_19 = arith.muli %arg1, %mul3A_18 : i32
    "tpu.region"() ({
      %run_scoped3A_29 = tpu.sem_alloc : memref<!tpu.dma_semaphore, #tpu.memory_space<semaphore_mem>>
      %dma_start3A = tpu.memref_slice %arg4[%mul3A_19] : memref<1024xf32, #tpu.memory_space<hbm>> -> memref<64xf32, #tpu.memory_space<hbm>>
      %dma_start3A_30 = tpu.memref_slice %arg4[%mul3A_19] : memref<1024xf32, #tpu.memory_space<hbm>> -> memref<64xf32, #tpu.memory_space<hbm>>
      tpu.enqueue_dma source(%dma_start3A_30 : memref<64xf32, #tpu.memory_space<hbm>>) target(%arg11 : memref<64xf32, #tpu.memory_space<vmem>>) target_semaphore(%run_scoped3A_29 : memref<!tpu.dma_semaphore, #tpu.memory_space<semaphore_mem>>)
      %dma_wait3A = tpu.memref_slice %arg4[%mul3A_19] : memref<1024xf32, #tpu.memory_space<hbm>> -> memref<64xf32, #tpu.memory_space<hbm>>
      %dma_wait3A_31 = tpu.memref_slice %arg4[%mul3A_19] : memref<1024xf32, #tpu.memory_space<hbm>> -> memref<64xf32, #tpu.memory_space<hbm>>
      tpu.wait_dma2 semaphore(%run_scoped3A_29 : memref<!tpu.dma_semaphore, #tpu.memory_space<semaphore_mem>>) src(%dma_wait3A_31 : memref<64xf32, #tpu.memory_space<hbm>>) dst(%arg11 : memref<64xf32, #tpu.memory_space<vmem>>)
      tpu.yield
    }) : () -> ()
    %mul3A_20 = arith.constant 64 : i32
    %mul3A_21 = arith.muli %arg1, %mul3A_20 : i32
    "tpu.region"() ({
      %run_scoped3A_29 = tpu.sem_alloc : memref<!tpu.dma_semaphore, #tpu.memory_space<semaphore_mem>>
      %dma_start3A = tpu.memref_slice %arg5[%mul3A_21] : memref<1024xf32, #tpu.memory_space<hbm>> -> memref<64xf32, #tpu.memory_space<hbm>>
      %dma_start3A_30 = tpu.memref_slice %arg5[%mul3A_21] : memref<1024xf32, #tpu.memory_space<hbm>> -> memref<64xf32, #tpu.memory_space<hbm>>
      tpu.enqueue_dma source(%dma_start3A_30 : memref<64xf32, #tpu.memory_space<hbm>>) target(%arg12 : memref<64xf32, #tpu.memory_space<vmem>>) target_semaphore(%run_scoped3A_29 : memref<!tpu.dma_semaphore, #tpu.memory_space<semaphore_mem>>)
      %dma_wait3A = tpu.memref_slice %arg5[%mul3A_21] : memref<1024xf32, #tpu.memory_space<hbm>> -> memref<64xf32, #tpu.memory_space<hbm>>
      %dma_wait3A_31 = tpu.memref_slice %arg5[%mul3A_21] : memref<1024xf32, #tpu.memory_space<hbm>> -> memref<64xf32, #tpu.memory_space<hbm>>
      tpu.wait_dma2 semaphore(%run_scoped3A_29 : memref<!tpu.dma_semaphore, #tpu.memory_space<semaphore_mem>>) src(%dma_wait3A_31 : memref<64xf32, #tpu.memory_space<hbm>>) dst(%arg12 : memref<64xf32, #tpu.memory_space<vmem>>)
      tpu.yield
    }) : () -> ()
    %scan3A_22 = arith.constant 0 : i32
    %scan3A_23 = arith.constant 4 : i32
    %scan3A_24 = arith.addi %scan3A_22, %scan3A_23 : i32
    %scan3A_25 = arith.constant 1 : i32
    scf.for %scan3A_29 = %scan3A_22 to %scan3A_24 step %scan3A_25  : i32 {
      %mul3A_30 = arith.constant 16 : i32
      %mul3A_31 = arith.muli %scan3A_29, %mul3A_30 : i32
      %get3A = arith.index_cast %mul3A_31 : i32 to index
      %get3A_32 = tpu.vector_load %arg11[%get3A] {strides = array<i32>} : memref<64xf32, #tpu.memory_space<vmem>>, vector<16xf32>,
      %mul3A_33 = arith.constant 16 : i32
      %mul3A_34 = arith.muli %scan3A_29, %mul3A_33 : i32
      %get3A_35 = arith.index_cast %mul3A_34 : i32 to index
      %get3A_36 = tpu.vector_load %arg13[%get3A_35] {strides = array<i32>} : memref<64xf32, #tpu.memory_space<vmem>>, vector<16xf32>,
      %mul3A_37 = arith.constant 16 : i32
      %mul3A_38 = arith.muli %scan3A_29, %mul3A_37 : i32
      %get3A_39 = arith.index_cast %mul3A_38 : i32 to index
      %get3A_40 = tpu.vector_load %arg12[%get3A_39] {strides = array<i32>} : memref<64xf32, #tpu.memory_space<vmem>>, vector<16xf32>,
      %mul3A_41 = arith.mulf %get3A_36, %get3A_40 : vector<16xf32>
      %add3A = arith.addf %get3A_32, %mul3A_41 : vector<16xf32>
      %mul3A_42 = arith.constant 16 : i32
      %mul3A_43 = arith.muli %scan3A_29, %mul3A_42 : i32
      %swap3A = arith.index_cast %mul3A_43 : i32 to index
      %swap3A_44 = tpu.vector_load %arg15[%swap3A] {strides = array<i32>} : memref<64xf32, #tpu.memory_space<vmem>>, vector<16xf32>,
      tpu.vector_store %arg15[%swap3A], %add3A {strides = array<i32>} : memref<64xf32, #tpu.memory_space<vmem>>, vector<16xf32>,
    }
    %scan3A_26 = arith.constant 4 : i32
    %eq3A = arith.constant 0 : i32
    %eq3A_27 = arith.cmpi eq, %arg0, %eq3A : i32
    %convert_element_type3A = arith.extui %eq3A_27 : i1 to i32
    %cond3A = arith.constant 0 : i32
    %cond3A_28 = arith.cmpi ne, %convert_element_type3A, %cond3A : i32
    scf.if %cond3A_28 {
      %mul3A_29 = arith.constant 64 : i32
      %mul3A_30 = arith.muli %arg1, %mul3A_29 : i32
      "tpu.region"() ({
        %run_scoped3A_31 = tpu.sem_alloc : memref<!tpu.dma_semaphore, #tpu.memory_space<semaphore_mem>>
        %dma_start3A = tpu.memref_slice %arg6[%mul3A_30] : memref<1024xf32, #tpu.memory_space<hbm>> -> memref<64xf32, #tpu.memory_space<hbm>>
        %dma_start3A_32 = tpu.memref_slice %arg6[%mul3A_30] : memref<1024xf32, #tpu.memory_space<hbm>> -> memref<64xf32, #tpu.memory_space<hbm>>
        tpu.enqueue_dma source(%arg15 : memref<64xf32, #tpu.memory_space<vmem>>) target(%dma_start3A_32 : memref<64xf32, #tpu.memory_space<hbm>>) target_semaphore(%run_scoped3A_31 : memref<!tpu.dma_semaphore, #tpu.memory_space<semaphore_mem>>)
        %dma_wait3A = tpu.memref_slice %arg6[%mul3A_30] : memref<1024xf32, #tpu.memory_space<hbm>> -> memref<64xf32, #tpu.memory_space<hbm>>
        %dma_wait3A_33 = tpu.memref_slice %arg6[%mul3A_30] : memref<1024xf32, #tpu.memory_space<hbm>> -> memref<64xf32, #tpu.memory_space<hbm>>
        tpu.wait_dma2 semaphore(%run_scoped3A_31 : memref<!tpu.dma_semaphore, #tpu.memory_space<semaphore_mem>>) src(%arg15 : memref<64xf32, #tpu.memory_space<vmem>>) dst(%dma_wait3A_33 : memref<64xf32, #tpu.memory_space<hbm>>)
        tpu.yield
      }) : () -> ()
    } else {
    }
    return
  }
}

#map = affine_map<(d0, d1) -> (0, 0)>
#map1 = affine_map<(d0, d1) -> (0, 0, 0, 0)>
module attributes {stable_mosaic.version = 14 : i64} {
  func.func @_sc2_body(%arg0: i32, %arg1: i32, %arg2: memref<20480x64xf32, #tpu.memory_space<hbm>>, %arg3: memref<2x16x250x80xi32, #tpu.memory_space<hbm>>, %arg4: memref<10240x128xf32, #tpu.memory_space<hbm>>, %arg5: memref<16x10240xf32, #tpu.memory_space<hbm>>, %arg6: memref<250x80xi32, #tpu.memory_space<vmem>>, %arg7: memref<250x80xi32, #tpu.memory_space<vmem>>, %arg8: memref<80x64xf32, #tpu.memory_space<vmem>>, %arg9: memref<80x64xf32, #tpu.memory_space<vmem>>, %arg10: memref<80x64xf32, #tpu.memory_space<vmem>>, %arg11: memref<80x64xf32, #tpu.memory_space<vmem>>, %arg12: memref<80x64xf32, #tpu.memory_space<vmem>>, %arg13: memref<80x64xf32, #tpu.memory_space<vmem>>, %arg14: memref<10240xf32, #tpu.memory_space<vmem>>, %arg15: memref<10240x64xf32, #tpu.memory_space<vmem_shared>>, %arg16: memref<!tpu.dma_semaphore, #tpu.memory_space<semaphore_mem>>, %arg17: memref<!tpu.dma_semaphore, #tpu.memory_space<semaphore_mem>>, %arg18: memref<!tpu.dma_semaphore, #tpu.memory_space<semaphore_mem>>, %arg19: memref<!tpu.dma_semaphore, #tpu.memory_space<semaphore_mem>>, %arg20: memref<!tpu.dma_semaphore, #tpu.memory_space<semaphore_mem>>) attributes {dimension_semantics = [#tpu.dimension_semantics<core_parallel>, #tpu.dimension_semantics<subcore_parallel>], iteration_bounds = array<i64: 2, 16>, scalar_prefetch = 0 : i64, scratch_operands = 15 : i64, tpu.core_type = #tpu.core_type<sc_vector_subcore>, window_params = [{transform_indices = #map}, {transform_indices = #map1}, {transform_indices = #map}, {transform_indices = #map}]} {
    %run_scoped3A = arith.constant 0 : i32
    "tpu.region"() ({
      %run_scoped3A_365 = tpu.sem_alloc : memref<!tpu.dma_semaphore, #tpu.memory_space<semaphore_mem>>
      %dma_start3A_366 = arith.constant 0 : i32
      %dma_start3A_367 = arith.constant 0 : i32
      %dma_start3A_368 = tpu.memref_slice %arg3[%run_scoped3A, %arg1, %dma_start3A_366, %dma_start3A_367] : memref<2x16x250x80xi32, #tpu.memory_space<hbm>> -> memref<1x1x250x80xi32, #tpu.memory_space<hbm>>
      %dma_start3A_369 = tpu.memref_squeeze %dma_start3A_368 : memref<1x1x250x80xi32, #tpu.memory_space<hbm>> -> memref<250x80xi32, #tpu.memory_space<hbm>>
      %dma_start3A_370 = arith.constant 0 : i32
      %dma_start3A_371 = arith.constant 0 : i32
      %dma_start3A_372 = tpu.memref_slice %arg3[%run_scoped3A, %arg1, %dma_start3A_370, %dma_start3A_371] : memref<2x16x250x80xi32, #tpu.memory_space<hbm>> -> memref<1x1x250x80xi32, #tpu.memory_space<hbm>>
      %dma_start3A_373 = tpu.memref_squeeze %dma_start3A_372 : memref<1x1x250x80xi32, #tpu.memory_space<hbm>> -> memref<250x80xi32, #tpu.memory_space<hbm>>
      tpu.enqueue_dma source(%dma_start3A_373 : memref<250x80xi32, #tpu.memory_space<hbm>>) target(%arg6 : memref<250x80xi32, #tpu.memory_space<vmem>>) target_semaphore(%run_scoped3A_365 : memref<!tpu.dma_semaphore, #tpu.memory_space<semaphore_mem>>)
      %dma_wait3A = arith.constant 0 : i32
      %dma_wait3A_374 = arith.constant 0 : i32
      %dma_wait3A_375 = tpu.memref_slice %arg3[%run_scoped3A, %arg1, %dma_wait3A, %dma_wait3A_374] : memref<2x16x250x80xi32, #tpu.memory_space<hbm>> -> memref<1x1x250x80xi32, #tpu.memory_space<hbm>>
      %dma_wait3A_376 = tpu.memref_squeeze %dma_wait3A_375 : memref<1x1x250x80xi32, #tpu.memory_space<hbm>> -> memref<250x80xi32, #tpu.memory_space<hbm>>
      %dma_wait3A_377 = arith.constant 0 : i32
      %dma_wait3A_378 = arith.constant 0 : i32
      %dma_wait3A_379 = tpu.memref_slice %arg3[%run_scoped3A, %arg1, %dma_wait3A_377, %dma_wait3A_378] : memref<2x16x250x80xi32, #tpu.memory_space<hbm>> -> memref<1x1x250x80xi32, #tpu.memory_space<hbm>>
      %dma_wait3A_380 = tpu.memref_squeeze %dma_wait3A_379 : memref<1x1x250x80xi32, #tpu.memory_space<hbm>> -> memref<250x80xi32, #tpu.memory_space<hbm>>
      tpu.wait_dma2 semaphore(%run_scoped3A_365 : memref<!tpu.dma_semaphore, #tpu.memory_space<semaphore_mem>>) src(%dma_wait3A_380 : memref<250x80xi32, #tpu.memory_space<hbm>>) dst(%arg6 : memref<250x80xi32, #tpu.memory_space<vmem>>)
      tpu.yield
    }) : () -> ()
    %run_scoped3A_0 = arith.constant 1 : i32
    "tpu.region"() ({
      %run_scoped3A_365 = tpu.sem_alloc : memref<!tpu.dma_semaphore, #tpu.memory_space<semaphore_mem>>
      %dma_start3A_366 = arith.constant 0 : i32
      %dma_start3A_367 = arith.constant 0 : i32
      %dma_start3A_368 = tpu.memref_slice %arg3[%run_scoped3A_0, %arg1, %dma_start3A_366, %dma_start3A_367] : memref<2x16x250x80xi32, #tpu.memory_space<hbm>> -> memref<1x1x250x80xi32, #tpu.memory_space<hbm>>
      %dma_start3A_369 = tpu.memref_squeeze %dma_start3A_368 : memref<1x1x250x80xi32, #tpu.memory_space<hbm>> -> memref<250x80xi32, #tpu.memory_space<hbm>>
      %dma_start3A_370 = arith.constant 0 : i32
      %dma_start3A_371 = arith.constant 0 : i32
      %dma_start3A_372 = tpu.memref_slice %arg3[%run_scoped3A_0, %arg1, %dma_start3A_370, %dma_start3A_371] : memref<2x16x250x80xi32, #tpu.memory_space<hbm>> -> memref<1x1x250x80xi32, #tpu.memory_space<hbm>>
      %dma_start3A_373 = tpu.memref_squeeze %dma_start3A_372 : memref<1x1x250x80xi32, #tpu.memory_space<hbm>> -> memref<250x80xi32, #tpu.memory_space<hbm>>
      tpu.enqueue_dma source(%dma_start3A_373 : memref<250x80xi32, #tpu.memory_space<hbm>>) target(%arg7 : memref<250x80xi32, #tpu.memory_space<vmem>>) target_semaphore(%run_scoped3A_365 : memref<!tpu.dma_semaphore, #tpu.memory_space<semaphore_mem>>)
      %dma_wait3A = arith.constant 0 : i32
      %dma_wait3A_374 = arith.constant 0 : i32
      %dma_wait3A_375 = tpu.memref_slice %arg3[%run_scoped3A_0, %arg1, %dma_wait3A, %dma_wait3A_374] : memref<2x16x250x80xi32, #tpu.memory_space<hbm>> -> memref<1x1x250x80xi32, #tpu.memory_space<hbm>>
      %dma_wait3A_376 = tpu.memref_squeeze %dma_wait3A_375 : memref<1x1x250x80xi32, #tpu.memory_space<hbm>> -> memref<250x80xi32, #tpu.memory_space<hbm>>
      %dma_wait3A_377 = arith.constant 0 : i32
      %dma_wait3A_378 = arith.constant 0 : i32
      %dma_wait3A_379 = tpu.memref_slice %arg3[%run_scoped3A_0, %arg1, %dma_wait3A_377, %dma_wait3A_378] : memref<2x16x250x80xi32, #tpu.memory_space<hbm>> -> memref<1x1x250x80xi32, #tpu.memory_space<hbm>>
      %dma_wait3A_380 = tpu.memref_squeeze %dma_wait3A_379 : memref<1x1x250x80xi32, #tpu.memory_space<hbm>> -> memref<250x80xi32, #tpu.memory_space<hbm>>
      tpu.wait_dma2 semaphore(%run_scoped3A_365 : memref<!tpu.dma_semaphore, #tpu.memory_space<semaphore_mem>>) src(%dma_wait3A_380 : memref<250x80xi32, #tpu.memory_space<hbm>>) dst(%arg7 : memref<250x80xi32, #tpu.memory_space<vmem>>)
      tpu.yield
    }) : () -> ()
    %get3A = arith.constant 0 : i32
    %get3A_1 = arith.index_cast %get3A : i32 to index
    %get3A_2 = arith.constant 0 : index
    %get3A_3 = tpu.vector_load %arg6[%get3A_1, %get3A_2] {strides = array<i32>} : memref<250x80xi32, #tpu.memory_space<vmem>>, vector<16xi32>,
    %add3A = arith.addi %get3A_3, %get3A_3 : vector<16xi32>
    %add3A_4 = vector.broadcast %arg0 : i32 to vector<16xi32>
    %add3A_5 = arith.addi %add3A, %add3A_4 : vector<16xi32>
    %swap3A = arith.constant 0 : i32
    %swap3A_6 = arith.index_cast %swap3A : i32 to index
    %swap3A_7 = arith.constant 0 : index
    %swap3A_8 = tpu.vector_load %arg6[%swap3A_6, %swap3A_7] {strides = array<i32>} : memref<250x80xi32, #tpu.memory_space<vmem>>, vector<16xi32>,
    tpu.vector_store %arg6[%swap3A_6, %swap3A_7], %add3A_5 {strides = array<i32>} : memref<250x80xi32, #tpu.memory_space<vmem>>, vector<16xi32>,
    %get3A_9 = arith.constant 0 : i32
    %get3A_10 = arith.index_cast %get3A_9 : i32 to index
    %get3A_11 = arith.constant 16 : index
    %get3A_12 = tpu.vector_load %arg6[%get3A_10, %get3A_11] {strides = array<i32>} : memref<250x80xi32, #tpu.memory_space<vmem>>, vector<16xi32>,
    %add3A_13 = arith.addi %get3A_12, %get3A_12 : vector<16xi32>
    %add3A_14 = vector.broadcast %arg0 : i32 to vector<16xi32>
    %add3A_15 = arith.addi %add3A_13, %add3A_14 : vector<16xi32>
    %swap3A_16 = arith.constant 0 : i32
    %swap3A_17 = arith.index_cast %swap3A_16 : i32 to index
    %swap3A_18 = arith.constant 16 : index
    %swap3A_19 = tpu.vector_load %arg6[%swap3A_17, %swap3A_18] {strides = array<i32>} : memref<250x80xi32, #tpu.memory_space<vmem>>, vector<16xi32>,
    tpu.vector_store %arg6[%swap3A_17, %swap3A_18], %add3A_15 {strides = array<i32>} : memref<250x80xi32, #tpu.memory_space<vmem>>, vector<16xi32>,
    %get3A_20 = arith.constant 0 : i32
    %get3A_21 = arith.index_cast %get3A_20 : i32 to index
    %get3A_22 = arith.constant 32 : index
    %get3A_23 = tpu.vector_load %arg6[%get3A_21, %get3A_22] {strides = array<i32>} : memref<250x80xi32, #tpu.memory_space<vmem>>, vector<16xi32>,
    %add3A_24 = arith.addi %get3A_23, %get3A_23 : vector<16xi32>
    %add3A_25 = vector.broadcast %arg0 : i32 to vector<16xi32>
    %add3A_26 = arith.addi %add3A_24, %add3A_25 : vector<16xi32>
    %swap3A_27 = arith.constant 0 : i32
    %swap3A_28 = arith.index_cast %swap3A_27 : i32 to index
    %swap3A_29 = arith.constant 32 : index
    %swap3A_30 = tpu.vector_load %arg6[%swap3A_28, %swap3A_29] {strides = array<i32>} : memref<250x80xi32, #tpu.memory_space<vmem>>, vector<16xi32>,
    tpu.vector_store %arg6[%swap3A_28, %swap3A_29], %add3A_26 {strides = array<i32>} : memref<250x80xi32, #tpu.memory_space<vmem>>, vector<16xi32>,
    %get3A_31 = arith.constant 0 : i32
    %get3A_32 = arith.index_cast %get3A_31 : i32 to index
    %get3A_33 = arith.constant 48 : index
    %get3A_34 = tpu.vector_load %arg6[%get3A_32, %get3A_33] {strides = array<i32>} : memref<250x80xi32, #tpu.memory_space<vmem>>, vector<16xi32>,
    %add3A_35 = arith.addi %get3A_34, %get3A_34 : vector<16xi32>
    %add3A_36 = vector.broadcast %arg0 : i32 to vector<16xi32>
    %add3A_37 = arith.addi %add3A_35, %add3A_36 : vector<16xi32>
    %swap3A_38 = arith.constant 0 : i32
    %swap3A_39 = arith.index_cast %swap3A_38 : i32 to index
    %swap3A_40 = arith.constant 48 : index
    %swap3A_41 = tpu.vector_load %arg6[%swap3A_39, %swap3A_40] {strides = array<i32>} : memref<250x80xi32, #tpu.memory_space<vmem>>, vector<16xi32>,
    tpu.vector_store %arg6[%swap3A_39, %swap3A_40], %add3A_37 {strides = array<i32>} : memref<250x80xi32, #tpu.memory_space<vmem>>, vector<16xi32>,
    %get3A_42 = arith.constant 0 : i32
    %get3A_43 = arith.index_cast %get3A_42 : i32 to index
    %get3A_44 = arith.constant 64 : index
    %get3A_45 = tpu.vector_load %arg6[%get3A_43, %get3A_44] {strides = array<i32>} : memref<250x80xi32, #tpu.memory_space<vmem>>, vector<16xi32>,
    %add3A_46 = arith.addi %get3A_45, %get3A_45 : vector<16xi32>
    %add3A_47 = vector.broadcast %arg0 : i32 to vector<16xi32>
    %add3A_48 = arith.addi %add3A_46, %add3A_47 : vector<16xi32>
    %swap3A_49 = arith.constant 0 : i32
    %swap3A_50 = arith.index_cast %swap3A_49 : i32 to index
    %swap3A_51 = arith.constant 64 : index
    %swap3A_52 = tpu.vector_load %arg6[%swap3A_50, %swap3A_51] {strides = array<i32>} : memref<250x80xi32, #tpu.memory_space<vmem>>, vector<16xi32>,
    tpu.vector_store %arg6[%swap3A_50, %swap3A_51], %add3A_48 {strides = array<i32>} : memref<250x80xi32, #tpu.memory_space<vmem>>, vector<16xi32>,
    %dma_start3A = arith.constant 0 : i32
    %dma_start3A_53 = arith.constant 0 : i32
    %dma_start3A_54 = tpu.memref_slice %arg6[%dma_start3A, %dma_start3A_53] : memref<250x80xi32, #tpu.memory_space<vmem>> -> memref<1x80xi32, #tpu.memory_space<vmem>>
    %dma_start3A_55 = tpu.memref_squeeze %dma_start3A_54 : memref<1x80xi32, #tpu.memory_space<vmem>> -> memref<80xi32, #tpu.memory_space<vmem>>
    %dma_start3A_56 = arith.constant 0 : i32
    %dma_start3A_57 = arith.constant 0 : i32
    %dma_start3A_58 = tpu.memref_slice %arg2[%dma_start3A_56, %dma_start3A_57] : memref<20480x64xf32, #tpu.memory_space<hbm>> -> memref<20480x64xf32, #tpu.memory_space<hbm>>
    tpu.enqueue_indirect_dma source(%dma_start3A_58 : memref<20480x64xf32, #tpu.memory_space<hbm>>) target(%arg8 : memref<80x64xf32, #tpu.memory_space<vmem>>) offsets(%dma_start3A_55 : memref<80xi32, #tpu.memory_space<vmem>>) semaphore(%arg16 : memref<!tpu.dma_semaphore, #tpu.memory_space<semaphore_mem>>)
    %get3A_59 = arith.constant 1 : i32
    %get3A_60 = arith.index_cast %get3A_59 : i32 to index
    %get3A_61 = arith.constant 0 : index
    %get3A_62 = tpu.vector_load %arg6[%get3A_60, %get3A_61] {strides = array<i32>} : memref<250x80xi32, #tpu.memory_space<vmem>>, vector<16xi32>,
    %add3A_63 = arith.addi %get3A_62, %get3A_62 : vector<16xi32>
    %add3A_64 = vector.broadcast %arg0 : i32 to vector<16xi32>
    %add3A_65 = arith.addi %add3A_63, %add3A_64 : vector<16xi32>
    %swap3A_66 = arith.constant 1 : i32
    %swap3A_67 = arith.index_cast %swap3A_66 : i32 to index
    %swap3A_68 = arith.constant 0 : index
    %swap3A_69 = tpu.vector_load %arg6[%swap3A_67, %swap3A_68] {strides = array<i32>} : memref<250x80xi32, #tpu.memory_space<vmem>>, vector<16xi32>,
    tpu.vector_store %arg6[%swap3A_67, %swap3A_68], %add3A_65 {strides = array<i32>} : memref<250x80xi32, #tpu.memory_space<vmem>>, vector<16xi32>,
    %get3A_70 = arith.constant 1 : i32
    %get3A_71 = arith.index_cast %get3A_70 : i32 to index
    %get3A_72 = arith.constant 16 : index
    %get3A_73 = tpu.vector_load %arg6[%get3A_71, %get3A_72] {strides = array<i32>} : memref<250x80xi32, #tpu.memory_space<vmem>>, vector<16xi32>,
    %add3A_74 = arith.addi %get3A_73, %get3A_73 : vector<16xi32>
    %add3A_75 = vector.broadcast %arg0 : i32 to vector<16xi32>
    %add3A_76 = arith.addi %add3A_74, %add3A_75 : vector<16xi32>
    %swap3A_77 = arith.constant 1 : i32
    %swap3A_78 = arith.index_cast %swap3A_77 : i32 to index
    %swap3A_79 = arith.constant 16 : index
    %swap3A_80 = tpu.vector_load %arg6[%swap3A_78, %swap3A_79] {strides = array<i32>} : memref<250x80xi32, #tpu.memory_space<vmem>>, vector<16xi32>,
    tpu.vector_store %arg6[%swap3A_78, %swap3A_79], %add3A_76 {strides = array<i32>} : memref<250x80xi32, #tpu.memory_space<vmem>>, vector<16xi32>,
    %get3A_81 = arith.constant 1 : i32
    %get3A_82 = arith.index_cast %get3A_81 : i32 to index
    %get3A_83 = arith.constant 32 : index
    %get3A_84 = tpu.vector_load %arg6[%get3A_82, %get3A_83] {strides = array<i32>} : memref<250x80xi32, #tpu.memory_space<vmem>>, vector<16xi32>,
    %add3A_85 = arith.addi %get3A_84, %get3A_84 : vector<16xi32>
    %add3A_86 = vector.broadcast %arg0 : i32 to vector<16xi32>
    %add3A_87 = arith.addi %add3A_85, %add3A_86 : vector<16xi32>
    %swap3A_88 = arith.constant 1 : i32
    %swap3A_89 = arith.index_cast %swap3A_88 : i32 to index
    %swap3A_90 = arith.constant 32 : index
    %swap3A_91 = tpu.vector_load %arg6[%swap3A_89, %swap3A_90] {strides = array<i32>} : memref<250x80xi32, #tpu.memory_space<vmem>>, vector<16xi32>,
    tpu.vector_store %arg6[%swap3A_89, %swap3A_90], %add3A_87 {strides = array<i32>} : memref<250x80xi32, #tpu.memory_space<vmem>>, vector<16xi32>,
    %get3A_92 = arith.constant 1 : i32
    %get3A_93 = arith.index_cast %get3A_92 : i32 to index
    %get3A_94 = arith.constant 48 : index
    %get3A_95 = tpu.vector_load %arg6[%get3A_93, %get3A_94] {strides = array<i32>} : memref<250x80xi32, #tpu.memory_space<vmem>>, vector<16xi32>,
    %add3A_96 = arith.addi %get3A_95, %get3A_95 : vector<16xi32>
    %add3A_97 = vector.broadcast %arg0 : i32 to vector<16xi32>
    %add3A_98 = arith.addi %add3A_96, %add3A_97 : vector<16xi32>
    %swap3A_99 = arith.constant 1 : i32
    %swap3A_100 = arith.index_cast %swap3A_99 : i32 to index
    %swap3A_101 = arith.constant 48 : index
    %swap3A_102 = tpu.vector_load %arg6[%swap3A_100, %swap3A_101] {strides = array<i32>} : memref<250x80xi32, #tpu.memory_space<vmem>>, vector<16xi32>,
    tpu.vector_store %arg6[%swap3A_100, %swap3A_101], %add3A_98 {strides = array<i32>} : memref<250x80xi32, #tpu.memory_space<vmem>>, vector<16xi32>,
    %get3A_103 = arith.constant 1 : i32
    %get3A_104 = arith.index_cast %get3A_103 : i32 to index
    %get3A_105 = arith.constant 64 : index
    %get3A_106 = tpu.vector_load %arg6[%get3A_104, %get3A_105] {strides = array<i32>} : memref<250x80xi32, #tpu.memory_space<vmem>>, vector<16xi32>,
    %add3A_107 = arith.addi %get3A_106, %get3A_106 : vector<16xi32>
    %add3A_108 = vector.broadcast %arg0 : i32 to vector<16xi32>
    %add3A_109 = arith.addi %add3A_107, %add3A_108 : vector<16xi32>
    %swap3A_110 = arith.constant 1 : i32
    %swap3A_111 = arith.index_cast %swap3A_110 : i32 to index
    %swap3A_112 = arith.constant 64 : index
    %swap3A_113 = tpu.vector_load %arg6[%swap3A_111, %swap3A_112] {strides = array<i32>} : memref<250x80xi32, #tpu.memory_space<vmem>>, vector<16xi32>,
    tpu.vector_store %arg6[%swap3A_111, %swap3A_112], %add3A_109 {strides = array<i32>} : memref<250x80xi32, #tpu.memory_space<vmem>>, vector<16xi32>,
    %dma_start3A_114 = arith.constant 1 : i32
    %dma_start3A_115 = arith.constant 0 : i32
    %dma_start3A_116 = tpu.memref_slice %arg6[%dma_start3A_114, %dma_start3A_115] : memref<250x80xi32, #tpu.memory_space<vmem>> -> memref<1x80xi32, #tpu.memory_space<vmem>>
    %dma_start3A_117 = tpu.memref_squeeze %dma_start3A_116 : memref<1x80xi32, #tpu.memory_space<vmem>> -> memref<80xi32, #tpu.memory_space<vmem>>
    %dma_start3A_118 = arith.constant 0 : i32
    %dma_start3A_119 = arith.constant 0 : i32
    %dma_start3A_120 = tpu.memref_slice %arg2[%dma_start3A_118, %dma_start3A_119] : memref<20480x64xf32, #tpu.memory_space<hbm>> -> memref<20480x64xf32, #tpu.memory_space<hbm>>
    tpu.enqueue_indirect_dma source(%dma_start3A_120 : memref<20480x64xf32, #tpu.memory_space<hbm>>) target(%arg9 : memref<80x64xf32, #tpu.memory_space<vmem>>) offsets(%dma_start3A_117 : memref<80xi32, #tpu.memory_space<vmem>>) semaphore(%arg17 : memref<!tpu.dma_semaphore, #tpu.memory_space<semaphore_mem>>)
    %get3A_121 = arith.constant 2 : i32
    %get3A_122 = arith.index_cast %get3A_121 : i32 to index
    %get3A_123 = arith.constant 0 : index
    %get3A_124 = tpu.vector_load %arg6[%get3A_122, %get3A_123] {strides = array<i32>} : memref<250x80xi32, #tpu.memory_space<vmem>>, vector<16xi32>,
    %add3A_125 = arith.addi %get3A_124, %get3A_124 : vector<16xi32>
    %add3A_126 = vector.broadcast %arg0 : i32 to vector<16xi32>
    %add3A_127 = arith.addi %add3A_125, %add3A_126 : vector<16xi32>
    %swap3A_128 = arith.constant 2 : i32
    %swap3A_129 = arith.index_cast %swap3A_128 : i32 to index
    %swap3A_130 = arith.constant 0 : index
    %swap3A_131 = tpu.vector_load %arg6[%swap3A_129, %swap3A_130] {strides = array<i32>} : memref<250x80xi32, #tpu.memory_space<vmem>>, vector<16xi32>,
    tpu.vector_store %arg6[%swap3A_129, %swap3A_130], %add3A_127 {strides = array<i32>} : memref<250x80xi32, #tpu.memory_space<vmem>>, vector<16xi32>,
    %get3A_132 = arith.constant 2 : i32
    %get3A_133 = arith.index_cast %get3A_132 : i32 to index
    %get3A_134 = arith.constant 16 : index
    %get3A_135 = tpu.vector_load %arg6[%get3A_133, %get3A_134] {strides = array<i32>} : memref<250x80xi32, #tpu.memory_space<vmem>>, vector<16xi32>,
    %add3A_136 = arith.addi %get3A_135, %get3A_135 : vector<16xi32>
    %add3A_137 = vector.broadcast %arg0 : i32 to vector<16xi32>
    %add3A_138 = arith.addi %add3A_136, %add3A_137 : vector<16xi32>
    %swap3A_139 = arith.constant 2 : i32
    %swap3A_140 = arith.index_cast %swap3A_139 : i32 to index
    %swap3A_141 = arith.constant 16 : index
    %swap3A_142 = tpu.vector_load %arg6[%swap3A_140, %swap3A_141] {strides = array<i32>} : memref<250x80xi32, #tpu.memory_space<vmem>>, vector<16xi32>,
    tpu.vector_store %arg6[%swap3A_140, %swap3A_141], %add3A_138 {strides = array<i32>} : memref<250x80xi32, #tpu.memory_space<vmem>>, vector<16xi32>,
    %get3A_143 = arith.constant 2 : i32
    %get3A_144 = arith.index_cast %get3A_143 : i32 to index
    %get3A_145 = arith.constant 32 : index
    %get3A_146 = tpu.vector_load %arg6[%get3A_144, %get3A_145] {strides = array<i32>} : memref<250x80xi32, #tpu.memory_space<vmem>>, vector<16xi32>,
    %add3A_147 = arith.addi %get3A_146, %get3A_146 : vector<16xi32>
    %add3A_148 = vector.broadcast %arg0 : i32 to vector<16xi32>
    %add3A_149 = arith.addi %add3A_147, %add3A_148 : vector<16xi32>
    %swap3A_150 = arith.constant 2 : i32
    %swap3A_151 = arith.index_cast %swap3A_150 : i32 to index
    %swap3A_152 = arith.constant 32 : index
    %swap3A_153 = tpu.vector_load %arg6[%swap3A_151, %swap3A_152] {strides = array<i32>} : memref<250x80xi32, #tpu.memory_space<vmem>>, vector<16xi32>,
    tpu.vector_store %arg6[%swap3A_151, %swap3A_152], %add3A_149 {strides = array<i32>} : memref<250x80xi32, #tpu.memory_space<vmem>>, vector<16xi32>,
    %get3A_154 = arith.constant 2 : i32
    %get3A_155 = arith.index_cast %get3A_154 : i32 to index
    %get3A_156 = arith.constant 48 : index
    %get3A_157 = tpu.vector_load %arg6[%get3A_155, %get3A_156] {strides = array<i32>} : memref<250x80xi32, #tpu.memory_space<vmem>>, vector<16xi32>,
    %add3A_158 = arith.addi %get3A_157, %get3A_157 : vector<16xi32>
    %add3A_159 = vector.broadcast %arg0 : i32 to vector<16xi32>
    %add3A_160 = arith.addi %add3A_158, %add3A_159 : vector<16xi32>
    %swap3A_161 = arith.constant 2 : i32
    %swap3A_162 = arith.index_cast %swap3A_161 : i32 to index
    %swap3A_163 = arith.constant 48 : index
    %swap3A_164 = tpu.vector_load %arg6[%swap3A_162, %swap3A_163] {strides = array<i32>} : memref<250x80xi32, #tpu.memory_space<vmem>>, vector<16xi32>,
    tpu.vector_store %arg6[%swap3A_162, %swap3A_163], %add3A_160 {strides = array<i32>} : memref<250x80xi32, #tpu.memory_space<vmem>>, vector<16xi32>,
    %get3A_165 = arith.constant 2 : i32
    %get3A_166 = arith.index_cast %get3A_165 : i32 to index
    %get3A_167 = arith.constant 64 : index
    %get3A_168 = tpu.vector_load %arg6[%get3A_166, %get3A_167] {strides = array<i32>} : memref<250x80xi32, #tpu.memory_space<vmem>>, vector<16xi32>,
    %add3A_169 = arith.addi %get3A_168, %get3A_168 : vector<16xi32>
    %add3A_170 = vector.broadcast %arg0 : i32 to vector<16xi32>
    %add3A_171 = arith.addi %add3A_169, %add3A_170 : vector<16xi32>
    %swap3A_172 = arith.constant 2 : i32
    %swap3A_173 = arith.index_cast %swap3A_172 : i32 to index
    %swap3A_174 = arith.constant 64 : index
    %swap3A_175 = tpu.vector_load %arg6[%swap3A_173, %swap3A_174] {strides = array<i32>} : memref<250x80xi32, #tpu.memory_space<vmem>>, vector<16xi32>,
    tpu.vector_store %arg6[%swap3A_173, %swap3A_174], %add3A_171 {strides = array<i32>} : memref<250x80xi32, #tpu.memory_space<vmem>>, vector<16xi32>,
    %dma_start3A_176 = arith.constant 2 : i32
    %dma_start3A_177 = arith.constant 0 : i32
    %dma_start3A_178 = tpu.memref_slice %arg6[%dma_start3A_176, %dma_start3A_177] : memref<250x80xi32, #tpu.memory_space<vmem>> -> memref<1x80xi32, #tpu.memory_space<vmem>>
    %dma_start3A_179 = tpu.memref_squeeze %dma_start3A_178 : memref<1x80xi32, #tpu.memory_space<vmem>> -> memref<80xi32, #tpu.memory_space<vmem>>
    %dma_start3A_180 = arith.constant 0 : i32
    %dma_start3A_181 = arith.constant 0 : i32
    %dma_start3A_182 = tpu.memref_slice %arg2[%dma_start3A_180, %dma_start3A_181] : memref<20480x64xf32, #tpu.memory_space<hbm>> -> memref<20480x64xf32, #tpu.memory_space<hbm>>
    tpu.enqueue_indirect_dma source(%dma_start3A_182 : memref<20480x64xf32, #tpu.memory_space<hbm>>) target(%arg10 : memref<80x64xf32, #tpu.memory_space<vmem>>) offsets(%dma_start3A_179 : memref<80xi32, #tpu.memory_space<vmem>>) semaphore(%arg18 : memref<!tpu.dma_semaphore, #tpu.memory_space<semaphore_mem>>)
    %get3A_183 = arith.constant 3 : i32
    %get3A_184 = arith.index_cast %get3A_183 : i32 to index
    %get3A_185 = arith.constant 0 : index
    %get3A_186 = tpu.vector_load %arg6[%get3A_184, %get3A_185] {strides = array<i32>} : memref<250x80xi32, #tpu.memory_space<vmem>>, vector<16xi32>,
    %add3A_187 = arith.addi %get3A_186, %get3A_186 : vector<16xi32>
    %add3A_188 = vector.broadcast %arg0 : i32 to vector<16xi32>
    %add3A_189 = arith.addi %add3A_187, %add3A_188 : vector<16xi32>
    %swap3A_190 = arith.constant 3 : i32
    %swap3A_191 = arith.index_cast %swap3A_190 : i32 to index
    %swap3A_192 = arith.constant 0 : index
    %swap3A_193 = tpu.vector_load %arg6[%swap3A_191, %swap3A_192] {strides = array<i32>} : memref<250x80xi32, #tpu.memory_space<vmem>>, vector<16xi32>,
    tpu.vector_store %arg6[%swap3A_191, %swap3A_192], %add3A_189 {strides = array<i32>} : memref<250x80xi32, #tpu.memory_space<vmem>>, vector<16xi32>,
    %get3A_194 = arith.constant 3 : i32
    %get3A_195 = arith.index_cast %get3A_194 : i32 to index
    %get3A_196 = arith.constant 16 : index
    %get3A_197 = tpu.vector_load %arg6[%get3A_195, %get3A_196] {strides = array<i32>} : memref<250x80xi32, #tpu.memory_space<vmem>>, vector<16xi32>,
    %add3A_198 = arith.addi %get3A_197, %get3A_197 : vector<16xi32>
    %add3A_199 = vector.broadcast %arg0 : i32 to vector<16xi32>
    %add3A_200 = arith.addi %add3A_198, %add3A_199 : vector<16xi32>
    %swap3A_201 = arith.constant 3 : i32
    %swap3A_202 = arith.index_cast %swap3A_201 : i32 to index
    %swap3A_203 = arith.constant 16 : index
    %swap3A_204 = tpu.vector_load %arg6[%swap3A_202, %swap3A_203] {strides = array<i32>} : memref<250x80xi32, #tpu.memory_space<vmem>>, vector<16xi32>,
    tpu.vector_store %arg6[%swap3A_202, %swap3A_203], %add3A_200 {strides = array<i32>} : memref<250x80xi32, #tpu.memory_space<vmem>>, vector<16xi32>,
    %get3A_205 = arith.constant 3 : i32
    %get3A_206 = arith.index_cast %get3A_205 : i32 to index
    %get3A_207 = arith.constant 32 : index
    %get3A_208 = tpu.vector_load %arg6[%get3A_206, %get3A_207] {strides = array<i32>} : memref<250x80xi32, #tpu.memory_space<vmem>>, vector<16xi32>,
    %add3A_209 = arith.addi %get3A_208, %get3A_208 : vector<16xi32>
    %add3A_210 = vector.broadcast %arg0 : i32 to vector<16xi32>
    %add3A_211 = arith.addi %add3A_209, %add3A_210 : vector<16xi32>
    %swap3A_212 = arith.constant 3 : i32
    %swap3A_213 = arith.index_cast %swap3A_212 : i32 to index
    %swap3A_214 = arith.constant 32 : index
    %swap3A_215 = tpu.vector_load %arg6[%swap3A_213, %swap3A_214] {strides = array<i32>} : memref<250x80xi32, #tpu.memory_space<vmem>>, vector<16xi32>,
    tpu.vector_store %arg6[%swap3A_213, %swap3A_214], %add3A_211 {strides = array<i32>} : memref<250x80xi32, #tpu.memory_space<vmem>>, vector<16xi32>,
    %get3A_216 = arith.constant 3 : i32
    %get3A_217 = arith.index_cast %get3A_216 : i32 to index
    %get3A_218 = arith.constant 48 : index
    %get3A_219 = tpu.vector_load %arg6[%get3A_217, %get3A_218] {strides = array<i32>} : memref<250x80xi32, #tpu.memory_space<vmem>>, vector<16xi32>,
    %add3A_220 = arith.addi %get3A_219, %get3A_219 : vector<16xi32>
    %add3A_221 = vector.broadcast %arg0 : i32 to vector<16xi32>
    %add3A_222 = arith.addi %add3A_220, %add3A_221 : vector<16xi32>
    %swap3A_223 = arith.constant 3 : i32
    %swap3A_224 = arith.index_cast %swap3A_223 : i32 to index
    %swap3A_225 = arith.constant 48 : index
    %swap3A_226 = tpu.vector_load %arg6[%swap3A_224, %swap3A_225] {strides = array<i32>} : memref<250x80xi32, #tpu.memory_space<vmem>>, vector<16xi32>,
    tpu.vector_store %arg6[%swap3A_224, %swap3A_225], %add3A_222 {strides = array<i32>} : memref<250x80xi32, #tpu.memory_space<vmem>>, vector<16xi32>,
    %get3A_227 = arith.constant 3 : i32
    %get3A_228 = arith.index_cast %get3A_227 : i32 to index
    %get3A_229 = arith.constant 64 : index
    %get3A_230 = tpu.vector_load %arg6[%get3A_228, %get3A_229] {strides = array<i32>} : memref<250x80xi32, #tpu.memory_space<vmem>>, vector<16xi32>,
    %add3A_231 = arith.addi %get3A_230, %get3A_230 : vector<16xi32>
    %add3A_232 = vector.broadcast %arg0 : i32 to vector<16xi32>
    %add3A_233 = arith.addi %add3A_231, %add3A_232 : vector<16xi32>
    %swap3A_234 = arith.constant 3 : i32
    %swap3A_235 = arith.index_cast %swap3A_234 : i32 to index
    %swap3A_236 = arith.constant 64 : index
    %swap3A_237 = tpu.vector_load %arg6[%swap3A_235, %swap3A_236] {strides = array<i32>} : memref<250x80xi32, #tpu.memory_space<vmem>>, vector<16xi32>,
    tpu.vector_store %arg6[%swap3A_235, %swap3A_236], %add3A_233 {strides = array<i32>} : memref<250x80xi32, #tpu.memory_space<vmem>>, vector<16xi32>,
    %dma_start3A_238 = arith.constant 3 : i32
    %dma_start3A_239 = arith.constant 0 : i32
    %dma_start3A_240 = tpu.memref_slice %arg6[%dma_start3A_238, %dma_start3A_239] : memref<250x80xi32, #tpu.memory_space<vmem>> -> memref<1x80xi32, #tpu.memory_space<vmem>>
    %dma_start3A_241 = tpu.memref_squeeze %dma_start3A_240 : memref<1x80xi32, #tpu.memory_space<vmem>> -> memref<80xi32, #tpu.memory_space<vmem>>
    %dma_start3A_242 = arith.constant 0 : i32
    %dma_start3A_243 = arith.constant 0 : i32
    %dma_start3A_244 = tpu.memref_slice %arg2[%dma_start3A_242, %dma_start3A_243] : memref<20480x64xf32, #tpu.memory_space<hbm>> -> memref<20480x64xf32, #tpu.memory_space<hbm>>
    tpu.enqueue_indirect_dma source(%dma_start3A_244 : memref<20480x64xf32, #tpu.memory_space<hbm>>) target(%arg11 : memref<80x64xf32, #tpu.memory_space<vmem>>) offsets(%dma_start3A_241 : memref<80xi32, #tpu.memory_space<vmem>>) semaphore(%arg19 : memref<!tpu.dma_semaphore, #tpu.memory_space<semaphore_mem>>)
    %get3A_245 = arith.constant 4 : i32
    %get3A_246 = arith.index_cast %get3A_245 : i32 to index
    %get3A_247 = arith.constant 0 : index
    %get3A_248 = tpu.vector_load %arg6[%get3A_246, %get3A_247] {strides = array<i32>} : memref<250x80xi32, #tpu.memory_space<vmem>>, vector<16xi32>,
    %add3A_249 = arith.addi %get3A_248, %get3A_248 : vector<16xi32>
    %add3A_250 = vector.broadcast %arg0 : i32 to vector<16xi32>
    %add3A_251 = arith.addi %add3A_249, %add3A_250 : vector<16xi32>
    %swap3A_252 = arith.constant 4 : i32
    %swap3A_253 = arith.index_cast %swap3A_252 : i32 to index
    %swap3A_254 = arith.constant 0 : index
    %swap3A_255 = tpu.vector_load %arg6[%swap3A_253, %swap3A_254] {strides = array<i32>} : memref<250x80xi32, #tpu.memory_space<vmem>>, vector<16xi32>,
    tpu.vector_store %arg6[%swap3A_253, %swap3A_254], %add3A_251 {strides = array<i32>} : memref<250x80xi32, #tpu.memory_space<vmem>>, vector<16xi32>,
    %get3A_256 = arith.constant 4 : i32
    %get3A_257 = arith.index_cast %get3A_256 : i32 to index
    %get3A_258 = arith.constant 16 : index
    %get3A_259 = tpu.vector_load %arg6[%get3A_257, %get3A_258] {strides = array<i32>} : memref<250x80xi32, #tpu.memory_space<vmem>>, vector<16xi32>,
    %add3A_260 = arith.addi %get3A_259, %get3A_259 : vector<16xi32>
    %add3A_261 = vector.broadcast %arg0 : i32 to vector<16xi32>
    %add3A_262 = arith.addi %add3A_260, %add3A_261 : vector<16xi32>
    %swap3A_263 = arith.constant 4 : i32
    %swap3A_264 = arith.index_cast %swap3A_263 : i32 to index
    %swap3A_265 = arith.constant 16 : index
    %swap3A_266 = tpu.vector_load %arg6[%swap3A_264, %swap3A_265] {strides = array<i32>} : memref<250x80xi32, #tpu.memory_space<vmem>>, vector<16xi32>,
    tpu.vector_store %arg6[%swap3A_264, %swap3A_265], %add3A_262 {strides = array<i32>} : memref<250x80xi32, #tpu.memory_space<vmem>>, vector<16xi32>,
    %get3A_267 = arith.constant 4 : i32
    %get3A_268 = arith.index_cast %get3A_267 : i32 to index
    %get3A_269 = arith.constant 32 : index
    %get3A_270 = tpu.vector_load %arg6[%get3A_268, %get3A_269] {strides = array<i32>} : memref<250x80xi32, #tpu.memory_space<vmem>>, vector<16xi32>,
    %add3A_271 = arith.addi %get3A_270, %get3A_270 : vector<16xi32>
    %add3A_272 = vector.broadcast %arg0 : i32 to vector<16xi32>
    %add3A_273 = arith.addi %add3A_271, %add3A_272 : vector<16xi32>
    %swap3A_274 = arith.constant 4 : i32
    %swap3A_275 = arith.index_cast %swap3A_274 : i32 to index
    %swap3A_276 = arith.constant 32 : index
    %swap3A_277 = tpu.vector_load %arg6[%swap3A_275, %swap3A_276] {strides = array<i32>} : memref<250x80xi32, #tpu.memory_space<vmem>>, vector<16xi32>,
    tpu.vector_store %arg6[%swap3A_275, %swap3A_276], %add3A_273 {strides = array<i32>} : memref<250x80xi32, #tpu.memory_space<vmem>>, vector<16xi32>,
    %get3A_278 = arith.constant 4 : i32
    %get3A_279 = arith.index_cast %get3A_278 : i32 to index
    %get3A_280 = arith.constant 48 : index
    %get3A_281 = tpu.vector_load %arg6[%get3A_279, %get3A_280] {strides = array<i32>} : memref<250x80xi32, #tpu.memory_space<vmem>>, vector<16xi32>,
    %add3A_282 = arith.addi %get3A_281, %get3A_281 : vector<16xi32>
    %add3A_283 = vector.broadcast %arg0 : i32 to vector<16xi32>
    %add3A_284 = arith.addi %add3A_282, %add3A_283 : vector<16xi32>
    %swap3A_285 = arith.constant 4 : i32
    %swap3A_286 = arith.index_cast %swap3A_285 : i32 to index
    %swap3A_287 = arith.constant 48 : index
    %swap3A_288 = tpu.vector_load %arg6[%swap3A_286, %swap3A_287] {strides = array<i32>} : memref<250x80xi32, #tpu.memory_space<vmem>>, vector<16xi32>,
    tpu.vector_store %arg6[%swap3A_286, %swap3A_287], %add3A_284 {strides = array<i32>} : memref<250x80xi32, #tpu.memory_space<vmem>>, vector<16xi32>,
    %get3A_289 = arith.constant 4 : i32
    %get3A_290 = arith.index_cast %get3A_289 : i32 to index
    %get3A_291 = arith.constant 64 : index
    %get3A_292 = tpu.vector_load %arg6[%get3A_290, %get3A_291] {strides = array<i32>} : memref<250x80xi32, #tpu.memory_space<vmem>>, vector<16xi32>,
    %add3A_293 = arith.addi %get3A_292, %get3A_292 : vector<16xi32>
    %add3A_294 = vector.broadcast %arg0 : i32 to vector<16xi32>
    %add3A_295 = arith.addi %add3A_293, %add3A_294 : vector<16xi32>
    %swap3A_296 = arith.constant 4 : i32
    %swap3A_297 = arith.index_cast %swap3A_296 : i32 to index
    %swap3A_298 = arith.constant 64 : index
    %swap3A_299 = tpu.vector_load %arg6[%swap3A_297, %swap3A_298] {strides = array<i32>} : memref<250x80xi32, #tpu.memory_space<vmem>>, vector<16xi32>,
    tpu.vector_store %arg6[%swap3A_297, %swap3A_298], %add3A_295 {strides = array<i32>} : memref<250x80xi32, #tpu.memory_space<vmem>>, vector<16xi32>,
    %dma_start3A_300 = arith.constant 4 : i32
    %dma_start3A_301 = arith.constant 0 : i32
    %dma_start3A_302 = tpu.memref_slice %arg6[%dma_start3A_300, %dma_start3A_301] : memref<250x80xi32, #tpu.memory_space<vmem>> -> memref<1x80xi32, #tpu.memory_space<vmem>>
    %dma_start3A_303 = tpu.memref_squeeze %dma_start3A_302 : memref<1x80xi32, #tpu.memory_space<vmem>> -> memref<80xi32, #tpu.memory_space<vmem>>
    %dma_start3A_304 = arith.constant 0 : i32
    %dma_start3A_305 = arith.constant 0 : i32
    %dma_start3A_306 = tpu.memref_slice %arg2[%dma_start3A_304, %dma_start3A_305] : memref<20480x64xf32, #tpu.memory_space<hbm>> -> memref<20480x64xf32, #tpu.memory_space<hbm>>
    tpu.enqueue_indirect_dma source(%dma_start3A_306 : memref<20480x64xf32, #tpu.memory_space<hbm>>) target(%arg12 : memref<80x64xf32, #tpu.memory_space<vmem>>) offsets(%dma_start3A_303 : memref<80xi32, #tpu.memory_space<vmem>>) semaphore(%arg20 : memref<!tpu.dma_semaphore, #tpu.memory_space<semaphore_mem>>)
    %broadcast_in_dim3A = arith.constant 0.000000e+00 : f32
    %broadcast_in_dim3A_307 = vector.broadcast %broadcast_in_dim3A : f32 to vector<16xf32>
    %scan3A = arith.constant 0 : i32
    %scan3A_308 = arith.constant 80 : i32
    %scan3A_309 = arith.addi %scan3A, %scan3A_308 : i32
    %scan3A_310 = arith.constant 1 : i32
    scf.for %scan3A_365 = %scan3A to %scan3A_309 step %scan3A_310  : i32 {
      %swap3A_366 = arith.index_cast %scan3A_365 : i32 to index
      %swap3A_367 = arith.constant 0 : index
      %swap3A_368 = tpu.vector_load %arg13[%swap3A_366, %swap3A_367] {strides = array<i32>} : memref<80x64xf32, #tpu.memory_space<vmem>>, vector<16xf32>,
      tpu.vector_store %arg13[%swap3A_366, %swap3A_367], %broadcast_in_dim3A_307 {strides = array<i32>} : memref<80x64xf32, #tpu.memory_space<vmem>>, vector<16xf32>,
      %swap3A_369 = arith.index_cast %scan3A_365 : i32 to index
      %swap3A_370 = arith.constant 16 : index
      %swap3A_371 = tpu.vector_load %arg13[%swap3A_369, %swap3A_370] {strides = array<i32>} : memref<80x64xf32, #tpu.memory_space<vmem>>, vector<16xf32>,
      tpu.vector_store %arg13[%swap3A_369, %swap3A_370], %broadcast_in_dim3A_307 {strides = array<i32>} : memref<80x64xf32, #tpu.memory_space<vmem>>, vector<16xf32>,
      %swap3A_372 = arith.index_cast %scan3A_365 : i32 to index
      %swap3A_373 = arith.constant 32 : index
      %swap3A_374 = tpu.vector_load %arg13[%swap3A_372, %swap3A_373] {strides = array<i32>} : memref<80x64xf32, #tpu.memory_space<vmem>>, vector<16xf32>,
      tpu.vector_store %arg13[%swap3A_372, %swap3A_373], %broadcast_in_dim3A_307 {strides = array<i32>} : memref<80x64xf32, #tpu.memory_space<vmem>>, vector<16xf32>,
      %swap3A_375 = arith.index_cast %scan3A_365 : i32 to index
      %swap3A_376 = arith.constant 48 : index
      %swap3A_377 = tpu.vector_load %arg13[%swap3A_375, %swap3A_376] {strides = array<i32>} : memref<80x64xf32, #tpu.memory_space<vmem>>, vector<16xf32>,
      tpu.vector_store %arg13[%swap3A_375, %swap3A_376], %broadcast_in_dim3A_307 {strides = array<i32>} : memref<80x64xf32, #tpu.memory_space<vmem>>, vector<16xf32>,
    }
    %scan3A_311 = arith.constant 80 : i32
    %mul3A = arith.constant 640 : i32
    %mul3A_312 = arith.muli %arg1, %mul3A : i32
    %add3A_313 = arith.constant 0 : i32
    %add3A_314 = arith.addi %mul3A_312, %add3A_313 : i32
    "tpu.region"() ({
      %run_scoped3A_365 = tpu.sem_alloc : memref<!tpu.dma_semaphore, #tpu.memory_space<semaphore_mem>>
      %dma_start3A_366 = arith.constant 0 : i32
      %dma_start3A_367 = tpu.memref_slice %arg15[%add3A_314, %dma_start3A_366] : memref<10240x64xf32, #tpu.memory_space<vmem_shared>> -> memref<80x64xf32, #tpu.memory_space<vmem_shared>>
      %dma_start3A_368 = arith.constant 0 : i32
      %dma_start3A_369 = tpu.memref_slice %arg15[%add3A_314, %dma_start3A_368] : memref<10240x64xf32, #tpu.memory_space<vmem_shared>> -> memref<80x64xf32, #tpu.memory_space<vmem_shared>>
      tpu.enqueue_dma source(%arg13 : memref<80x64xf32, #tpu.memory_space<vmem>>) target(%dma_start3A_369 : memref<80x64xf32, #tpu.memory_space<vmem_shared>>) target_semaphore(%run_scoped3A_365 : memref<!tpu.dma_semaphore, #tpu.memory_space<semaphore_mem>>)
      %dma_wait3A = arith.constant 0 : i32
      %dma_wait3A_370 = tpu.memref_slice %arg15[%add3A_314, %dma_wait3A] : memref<10240x64xf32, #tpu.memory_space<vmem_shared>> -> memref<80x64xf32, #tpu.memory_space<vmem_shared>>
      %dma_wait3A_371 = arith.constant 0 : i32
      %dma_wait3A_372 = tpu.memref_slice %arg15[%add3A_314, %dma_wait3A_371] : memref<10240x64xf32, #tpu.memory_space<vmem_shared>> -> memref<80x64xf32, #tpu.memory_space<vmem_shared>>
      tpu.wait_dma2 semaphore(%run_scoped3A_365 : memref<!tpu.dma_semaphore, #tpu.memory_space<semaphore_mem>>) src(%arg13 : memref<80x64xf32, #tpu.memory_space<vmem>>) dst(%dma_wait3A_372 : memref<80x64xf32, #tpu.memory_space<vmem_shared>>)
      tpu.yield
    }) : () -> ()
    %mul3A_315 = arith.constant 640 : i32
    %mul3A_316 = arith.muli %arg1, %mul3A_315 : i32
    %add3A_317 = arith.constant 80 : i32
    %add3A_318 = arith.addi %mul3A_316, %add3A_317 : i32
    "tpu.region"() ({
      %run_scoped3A_365 = tpu.sem_alloc : memref<!tpu.dma_semaphore, #tpu.memory_space<semaphore_mem>>
      %dma_start3A_366 = arith.constant 0 : i32
      %dma_start3A_367 = tpu.memref_slice %arg15[%add3A_318, %dma_start3A_366] : memref<10240x64xf32, #tpu.memory_space<vmem_shared>> -> memref<80x64xf32, #tpu.memory_space<vmem_shared>>
      %dma_start3A_368 = arith.constant 0 : i32
      %dma_start3A_369 = tpu.memref_slice %arg15[%add3A_318, %dma_start3A_368] : memref<10240x64xf32, #tpu.memory_space<vmem_shared>> -> memref<80x64xf32, #tpu.memory_space<vmem_shared>>
      tpu.enqueue_dma source(%arg13 : memref<80x64xf32, #tpu.memory_space<vmem>>) target(%dma_start3A_369 : memref<80x64xf32, #tpu.memory_space<vmem_shared>>) target_semaphore(%run_scoped3A_365 : memref<!tpu.dma_semaphore, #tpu.memory_space<semaphore_mem>>)
      %dma_wait3A = arith.constant 0 : i32
      %dma_wait3A_370 = tpu.memref_slice %arg15[%add3A_318, %dma_wait3A] : memref<10240x64xf32, #tpu.memory_space<vmem_shared>> -> memref<80x64xf32, #tpu.memory_space<vmem_shared>>
      %dma_wait3A_371 = arith.constant 0 : i32
      %dma_wait3A_372 = tpu.memref_slice %arg15[%add3A_318, %dma_wait3A_371] : memref<10240x64xf32, #tpu.memory_space<vmem_shared>> -> memref<80x64xf32, #tpu.memory_space<vmem_shared>>
      tpu.wait_dma2 semaphore(%run_scoped3A_365 : memref<!tpu.dma_semaphore, #tpu.memory_space<semaphore_mem>>) src(%arg13 : memref<80x64xf32, #tpu.memory_space<vmem>>) dst(%dma_wait3A_372 : memref<80x64xf32, #tpu.memory_space<vmem_shared>>)
      tpu.yield
    }) : () -> ()
    %mul3A_319 = arith.constant 640 : i32
    %mul3A_320 = arith.muli %arg1, %mul3A_319 : i32
    %add3A_321 = arith.constant 160 : i32
    %add3A_322 = arith.addi %mul3A_320, %add3A_321 : i32
    "tpu.region"() ({
      %run_scoped3A_365 = tpu.sem_alloc : memref<!tpu.dma_semaphore, #tpu.memory_space<semaphore_mem>>
      %dma_start3A_366 = arith.constant 0 : i32
      %dma_start3A_367 = tpu.memref_slice %arg15[%add3A_322, %dma_start3A_366] : memref<10240x64xf32, #tpu.memory_space<vmem_shared>> -> memref<80x64xf32, #tpu.memory_space<vmem_shared>>
      %dma_start3A_368 = arith.constant 0 : i32
      %dma_start3A_369 = tpu.memref_slice %arg15[%add3A_322, %dma_start3A_368] : memref<10240x64xf32, #tpu.memory_space<vmem_shared>> -> memref<80x64xf32, #tpu.memory_space<vmem_shared>>
      tpu.enqueue_dma source(%arg13 : memref<80x64xf32, #tpu.memory_space<vmem>>) target(%dma_start3A_369 : memref<80x64xf32, #tpu.memory_space<vmem_shared>>) target_semaphore(%run_scoped3A_365 : memref<!tpu.dma_semaphore, #tpu.memory_space<semaphore_mem>>)
      %dma_wait3A = arith.constant 0 : i32
      %dma_wait3A_370 = tpu.memref_slice %arg15[%add3A_322, %dma_wait3A] : memref<10240x64xf32, #tpu.memory_space<vmem_shared>> -> memref<80x64xf32, #tpu.memory_space<vmem_shared>>
      %dma_wait3A_371 = arith.constant 0 : i32
      %dma_wait3A_372 = tpu.memref_slice %arg15[%add3A_322, %dma_wait3A_371] : memref<10240x64xf32, #tpu.memory_space<vmem_shared>> -> memref<80x64xf32, #tpu.memory_space<vmem_shared>>
      tpu.wait_dma2 semaphore(%run_scoped3A_365 : memref<!tpu.dma_semaphore, #tpu.memory_space<semaphore_mem>>) src(%arg13 : memref<80x64xf32, #tpu.memory_space<vmem>>) dst(%dma_wait3A_372 : memref<80x64xf32, #tpu.memory_space<vmem_shared>>)
      tpu.yield
    }) : () -> ()
    %mul3A_323 = arith.constant 640 : i32
    %mul3A_324 = arith.muli %arg1, %mul3A_323 : i32
    %add3A_325 = arith.constant 240 : i32
    %add3A_326 = arith.addi %mul3A_324, %add3A_325 : i32
    "tpu.region"() ({
      %run_scoped3A_365 = tpu.sem_alloc : memref<!tpu.dma_semaphore, #tpu.memory_space<semaphore_mem>>
      %dma_start3A_366 = arith.constant 0 : i32
      %dma_start3A_367 = tpu.memref_slice %arg15[%add3A_326, %dma_start3A_366] : memref<10240x64xf32, #tpu.memory_space<vmem_shared>> -> memref<80x64xf32, #tpu.memory_space<vmem_shared>>
      %dma_start3A_368 = arith.constant 0 : i32
      %dma_start3A_369 = tpu.memref_slice %arg15[%add3A_326, %dma_start3A_368] : memref<10240x64xf32, #tpu.memory_space<vmem_shared>> -> memref<80x64xf32, #tpu.memory_space<vmem_shared>>
      tpu.enqueue_dma source(%arg13 : memref<80x64xf32, #tpu.memory_space<vmem>>) target(%dma_start3A_369 : memref<80x64xf32, #tpu.memory_space<vmem_shared>>) target_semaphore(%run_scoped3A_365 : memref<!tpu.dma_semaphore, #tpu.memory_space<semaphore_mem>>)
      %dma_wait3A = arith.constant 0 : i32
      %dma_wait3A_370 = tpu.memref_slice %arg15[%add3A_326, %dma_wait3A] : memref<10240x64xf32, #tpu.memory_space<vmem_shared>> -> memref<80x64xf32, #tpu.memory_space<vmem_shared>>
      %dma_wait3A_371 = arith.constant 0 : i32
      %dma_wait3A_372 = tpu.memref_slice %arg15[%add3A_326, %dma_wait3A_371] : memref<10240x64xf32, #tpu.memory_space<vmem_shared>> -> memref<80x64xf32, #tpu.memory_space<vmem_shared>>
      tpu.wait_dma2 semaphore(%run_scoped3A_365 : memref<!tpu.dma_semaphore, #tpu.memory_space<semaphore_mem>>) src(%arg13 : memref<80x64xf32, #tpu.memory_space<vmem>>) dst(%dma_wait3A_372 : memref<80x64xf32, #tpu.memory_space<vmem_shared>>)
      tpu.yield
    }) : () -> ()
    %mul3A_327 = arith.constant 640 : i32
    %mul3A_328 = arith.muli %arg1, %mul3A_327 : i32
    %add3A_329 = arith.constant 320 : i32
    %add3A_330 = arith.addi %mul3A_328, %add3A_329 : i32
    "tpu.region"() ({
      %run_scoped3A_365 = tpu.sem_alloc : memref<!tpu.dma_semaphore, #tpu.memory_space<semaphore_mem>>
      %dma_start3A_366 = arith.constant 0 : i32
      %dma_start3A_367 = tpu.memref_slice %arg15[%add3A_330, %dma_start3A_366] : memref<10240x64xf32, #tpu.memory_space<vmem_shared>> -> memref<80x64xf32, #tpu.memory_space<vmem_shared>>
      %dma_start3A_368 = arith.constant 0 : i32
      %dma_start3A_369 = tpu.memref_slice %arg15[%add3A_330, %dma_start3A_368] : memref<10240x64xf32, #tpu.memory_space<vmem_shared>> -> memref<80x64xf32, #tpu.memory_space<vmem_shared>>
      tpu.enqueue_dma source(%arg13 : memref<80x64xf32, #tpu.memory_space<vmem>>) target(%dma_start3A_369 : memref<80x64xf32, #tpu.memory_space<vmem_shared>>) target_semaphore(%run_scoped3A_365 : memref<!tpu.dma_semaphore, #tpu.memory_space<semaphore_mem>>)
      %dma_wait3A = arith.constant 0 : i32
      %dma_wait3A_370 = tpu.memref_slice %arg15[%add3A_330, %dma_wait3A] : memref<10240x64xf32, #tpu.memory_space<vmem_shared>> -> memref<80x64xf32, #tpu.memory_space<vmem_shared>>
      %dma_wait3A_371 = arith.constant 0 : i32
      %dma_wait3A_372 = tpu.memref_slice %arg15[%add3A_330, %dma_wait3A_371] : memref<10240x64xf32, #tpu.memory_space<vmem_shared>> -> memref<80x64xf32, #tpu.memory_space<vmem_shared>>
      tpu.wait_dma2 semaphore(%run_scoped3A_365 : memref<!tpu.dma_semaphore, #tpu.memory_space<semaphore_mem>>) src(%arg13 : memref<80x64xf32, #tpu.memory_space<vmem>>) dst(%dma_wait3A_372 : memref<80x64xf32, #tpu.memory_space<vmem_shared>>)
      tpu.yield
    }) : () -> ()
    %mul3A_331 = arith.constant 640 : i32
    %mul3A_332 = arith.muli %arg1, %mul3A_331 : i32
    %add3A_333 = arith.constant 400 : i32
    %add3A_334 = arith.addi %mul3A_332, %add3A_333 : i32
    "tpu.region"() ({
      %run_scoped3A_365 = tpu.sem_alloc : memref<!tpu.dma_semaphore, #tpu.memory_space<semaphore_mem>>
      %dma_start3A_366 = arith.constant 0 : i32
      %dma_start3A_367 = tpu.memref_slice %arg15[%add3A_334, %dma_start3A_366] : memref<10240x64xf32, #tpu.memory_space<vmem_shared>> -> memref<80x64xf32, #tpu.memory_space<vmem_shared>>
      %dma_start3A_368 = arith.constant 0 : i32
      %dma_start3A_369 = tpu.memref_slice %arg15[%add3A_334, %dma_start3A_368] : memref<10240x64xf32, #tpu.memory_space<vmem_shared>> -> memref<80x64xf32, #tpu.memory_space<vmem_shared>>
      tpu.enqueue_dma source(%arg13 : memref<80x64xf32, #tpu.memory_space<vmem>>) target(%dma_start3A_369 : memref<80x64xf32, #tpu.memory_space<vmem_shared>>) target_semaphore(%run_scoped3A_365 : memref<!tpu.dma_semaphore, #tpu.memory_space<semaphore_mem>>)
      %dma_wait3A = arith.constant 0 : i32
      %dma_wait3A_370 = tpu.memref_slice %arg15[%add3A_334, %dma_wait3A] : memref<10240x64xf32, #tpu.memory_space<vmem_shared>> -> memref<80x64xf32, #tpu.memory_space<vmem_shared>>
      %dma_wait3A_371 = arith.constant 0 : i32
      %dma_wait3A_372 = tpu.memref_slice %arg15[%add3A_334, %dma_wait3A_371] : memref<10240x64xf32, #tpu.memory_space<vmem_shared>> -> memref<80x64xf32, #tpu.memory_space<vmem_shared>>
      tpu.wait_dma2 semaphore(%run_scoped3A_365 : memref<!tpu.dma_semaphore, #tpu.memory_space<semaphore_mem>>) src(%arg13 : memref<80x64xf32, #tpu.memory_space<vmem>>) dst(%dma_wait3A_372 : memref<80x64xf32, #tpu.memory_space<vmem_shared>>)
      tpu.yield
    }) : () -> ()
    %mul3A_335 = arith.constant 640 : i32
    %mul3A_336 = arith.muli %arg1, %mul3A_335 : i32
    %add3A_337 = arith.constant 480 : i32
    %add3A_338 = arith.addi %mul3A_336, %add3A_337 : i32
    "tpu.region"() ({
      %run_scoped3A_365 = tpu.sem_alloc : memref<!tpu.dma_semaphore, #tpu.memory_space<semaphore_mem>>
      %dma_start3A_366 = arith.constant 0 : i32
      %dma_start3A_367 = tpu.memref_slice %arg15[%add3A_338, %dma_start3A_366] : memref<10240x64xf32, #tpu.memory_space<vmem_shared>> -> memref<80x64xf32, #tpu.memory_space<vmem_shared>>
      %dma_start3A_368 = arith.constant 0 : i32
      %dma_start3A_369 = tpu.memref_slice %arg15[%add3A_338, %dma_start3A_368] : memref<10240x64xf32, #tpu.memory_space<vmem_shared>> -> memref<80x64xf32, #tpu.memory_space<vmem_shared>>
      tpu.enqueue_dma source(%arg13 : memref<80x64xf32, #tpu.memory_space<vmem>>) target(%dma_start3A_369 : memref<80x64xf32, #tpu.memory_space<vmem_shared>>) target_semaphore(%run_scoped3A_365 : memref<!tpu.dma_semaphore, #tpu.memory_space<semaphore_mem>>)
      %dma_wait3A = arith.constant 0 : i32
      %dma_wait3A_370 = tpu.memref_slice %arg15[%add3A_338, %dma_wait3A] : memref<10240x64xf32, #tpu.memory_space<vmem_shared>> -> memref<80x64xf32, #tpu.memory_space<vmem_shared>>
      %dma_wait3A_371 = arith.constant 0 : i32
      %dma_wait3A_372 = tpu.memref_slice %arg15[%add3A_338, %dma_wait3A_371] : memref<10240x64xf32, #tpu.memory_space<vmem_shared>> -> memref<80x64xf32, #tpu.memory_space<vmem_shared>>
      tpu.wait_dma2 semaphore(%run_scoped3A_365 : memref<!tpu.dma_semaphore, #tpu.memory_space<semaphore_mem>>) src(%arg13 : memref<80x64xf32, #tpu.memory_space<vmem>>) dst(%dma_wait3A_372 : memref<80x64xf32, #tpu.memory_space<vmem_shared>>)
      tpu.yield
    }) : () -> ()
    %mul3A_339 = arith.constant 640 : i32
    %mul3A_340 = arith.muli %arg1, %mul3A_339 : i32
    %add3A_341 = arith.constant 560 : i32
    %add3A_342 = arith.addi %mul3A_340, %add3A_341 : i32
    "tpu.region"() ({
      %run_scoped3A_365 = tpu.sem_alloc : memref<!tpu.dma_semaphore, #tpu.memory_space<semaphore_mem>>
      %dma_start3A_366 = arith.constant 0 : i32
      %dma_start3A_367 = tpu.memref_slice %arg15[%add3A_342, %dma_start3A_366] : memref<10240x64xf32, #tpu.memory_space<vmem_shared>> -> memref<80x64xf32, #tpu.memory_space<vmem_shared>>
      %dma_start3A_368 = arith.constant 0 : i32
      %dma_start3A_369 = tpu.memref_slice %arg15[%add3A_342, %dma_start3A_368] : memref<10240x64xf32, #tpu.memory_space<vmem_shared>> -> memref<80x64xf32, #tpu.memory_space<vmem_shared>>
      tpu.enqueue_dma source(%arg13 : memref<80x64xf32, #tpu.memory_space<vmem>>) target(%dma_start3A_369 : memref<80x64xf32, #tpu.memory_space<vmem_shared>>) target_semaphore(%run_scoped3A_365 : memref<!tpu.dma_semaphore, #tpu.memory_space<semaphore_mem>>)
      %dma_wait3A = arith.constant 0 : i32
      %dma_wait3A_370 = tpu.memref_slice %arg15[%add3A_342, %dma_wait3A] : memref<10240x64xf32, #tpu.memory_space<vmem_shared>> -> memref<80x64xf32, #tpu.memory_space<vmem_shared>>
      %dma_wait3A_371 = arith.constant 0 : i32
      %dma_wait3A_372 = tpu.memref_slice %arg15[%add3A_342, %dma_wait3A_371] : memref<10240x64xf32, #tpu.memory_space<vmem_shared>> -> memref<80x64xf32, #tpu.memory_space<vmem_shared>>
      tpu.wait_dma2 semaphore(%run_scoped3A_365 : memref<!tpu.dma_semaphore, #tpu.memory_space<semaphore_mem>>) src(%arg13 : memref<80x64xf32, #tpu.memory_space<vmem>>) dst(%dma_wait3A_372 : memref<80x64xf32, #tpu.memory_space<vmem_shared>>)
      tpu.yield
    }) : () -> ()
    %scan3A_343 = arith.constant 0 : i32
    %scan3A_344 = arith.constant 640 : i32
    %scan3A_345 = arith.addi %scan3A_343, %scan3A_344 : i32
    %scan3A_346 = arith.constant 1 : i32
    scf.for %scan3A_365 = %scan3A_343 to %scan3A_345 step %scan3A_346  : i32 {
      %mul3A_366 = arith.constant 16 : i32
      %mul3A_367 = arith.muli %scan3A_365, %mul3A_366 : i32
      %swap3A_368 = arith.index_cast %mul3A_367 : i32 to index
      %swap3A_369 = tpu.vector_load %arg14[%swap3A_368] {strides = array<i32>} : memref<10240xf32, #tpu.memory_space<vmem>>, vector<16xf32>,
      tpu.vector_store %arg14[%swap3A_368], %broadcast_in_dim3A_307 {strides = array<i32>} : memref<10240xf32, #tpu.memory_space<vmem>>, vector<16xf32>,
    }
    %scan3A_347 = arith.constant 640 : i32
    %barrier3A = arith.constant 0 : index
    tpu.barrier barrier_id(%barrier3A)
    %broadcast_in_dim3A_348 = arith.constant 1.000000e+00 : f32
    %broadcast_in_dim3A_349 = vector.broadcast %broadcast_in_dim3A_348 : f32 to vector<16xf32>
    %scan3A_350 = arith.constant 0 : i32
    %scan3A_351 = arith.constant 50 : i32
    %scan3A_352 = arith.addi %scan3A_350, %scan3A_351 : i32
    %scan3A_353 = arith.constant 1 : i32
    scf.for %scan3A_365 = %scan3A_350 to %scan3A_352 step %scan3A_353  : i32 {
      %mul3A_366 = arith.constant 5 : i32
      %mul3A_367 = arith.muli %scan3A_365, %mul3A_366 : i32
      %add3A_368 = arith.constant 0 : i32
      %add3A_369 = arith.addi %mul3A_367, %add3A_368 : i32
      %dma_wait3A = arith.constant 0 : i32
      %dma_wait3A_370 = tpu.memref_slice %arg6[%add3A_369, %dma_wait3A] : memref<250x80xi32, #tpu.memory_space<vmem>> -> memref<1x80xi32, #tpu.memory_space<vmem>>
      %dma_wait3A_371 = tpu.memref_squeeze %dma_wait3A_370 : memref<1x80xi32, #tpu.memory_space<vmem>> -> memref<80xi32, #tpu.memory_space<vmem>>
      %dma_wait3A_372 = arith.constant 0 : i32
      %dma_wait3A_373 = arith.constant 0 : i32
      %dma_wait3A_374 = tpu.memref_slice %arg2[%dma_wait3A_372, %dma_wait3A_373] : memref<20480x64xf32, #tpu.memory_space<hbm>> -> memref<20480x64xf32, #tpu.memory_space<hbm>>
      tpu.wait_indirect_dma semaphore(%arg16 : memref<!tpu.dma_semaphore, #tpu.memory_space<semaphore_mem>>) src(%dma_wait3A_374 : memref<20480x64xf32, #tpu.memory_space<hbm>>) dst(%arg8 : memref<80x64xf32, #tpu.memory_space<vmem>>)
      "tpu.region"() ({
        %run_scoped3A_524 = tpu.sem_alloc : memref<!tpu.dma_semaphore, #tpu.memory_space<semaphore_mem>>
        %dma_start3A_525 = arith.constant 0 : i32
        %dma_start3A_526 = tpu.memref_slice %arg7[%add3A_369, %dma_start3A_525] : memref<250x80xi32, #tpu.memory_space<vmem>> -> memref<1x80xi32, #tpu.memory_space<vmem>>
        %dma_start3A_527 = tpu.memref_squeeze %dma_start3A_526 : memref<1x80xi32, #tpu.memory_space<vmem>> -> memref<80xi32, #tpu.memory_space<vmem>>
        %dma_start3A_528 = arith.constant 0 : i32
        %dma_start3A_529 = arith.constant 0 : i32
        %dma_start3A_530 = tpu.memref_slice %arg15[%dma_start3A_528, %dma_start3A_529] : memref<10240x64xf32, #tpu.memory_space<vmem_shared>> -> memref<10240x64xf32, #tpu.memory_space<vmem_shared>>
        tpu.enqueue_indirect_dma source(%arg8 : memref<80x64xf32, #tpu.memory_space<vmem>>) target(%dma_start3A_530 : memref<10240x64xf32, #tpu.memory_space<vmem_shared>>) offsets(%dma_start3A_527 : memref<80xi32, #tpu.memory_space<vmem>>) semaphore(%run_scoped3A_524 : memref<!tpu.dma_semaphore, #tpu.memory_space<semaphore_mem>>) {add = true}
        %dma_wait3A_531 = arith.constant 0 : i32
        %dma_wait3A_532 = tpu.memref_slice %arg7[%add3A_369, %dma_wait3A_531] : memref<250x80xi32, #tpu.memory_space<vmem>> -> memref<1x80xi32, #tpu.memory_space<vmem>>
        %dma_wait3A_533 = tpu.memref_squeeze %dma_wait3A_532 : memref<1x80xi32, #tpu.memory_space<vmem>> -> memref<80xi32, #tpu.memory_space<vmem>>
        %dma_wait3A_534 = arith.constant 0 : i32
        %dma_wait3A_535 = arith.constant 0 : i32
        %dma_wait3A_536 = tpu.memref_slice %arg15[%dma_wait3A_534, %dma_wait3A_535] : memref<10240x64xf32, #tpu.memory_space<vmem_shared>> -> memref<10240x64xf32, #tpu.memory_space<vmem_shared>>
        tpu.wait_indirect_dma semaphore(%run_scoped3A_524 : memref<!tpu.dma_semaphore, #tpu.memory_space<semaphore_mem>>) src(%arg8 : memref<80x64xf32, #tpu.memory_space<vmem>>) dst(%dma_wait3A_536 : memref<10240x64xf32, #tpu.memory_space<vmem_shared>>)
        tpu.yield
      }) : () -> ()
      %add3A_375 = arith.constant 5 : i32
      %add3A_376 = arith.addi %add3A_369, %add3A_375 : i32
      %lt3A = arith.constant 250 : i32
      %lt3A_377 = arith.cmpi slt, %add3A_376, %lt3A : i32
      %convert_element_type3A_378 = arith.extui %lt3A_377 : i1 to i32
      %cond3A_379 = arith.constant 0 : i32
      %cond3A_380 = arith.cmpi ne, %convert_element_type3A_378, %cond3A_379 : i32
      scf.if %cond3A_380 {
        %get3A_524 = arith.index_cast %add3A_376 : i32 to index
        %get3A_525 = arith.constant 0 : index
        %get3A_526 = tpu.vector_load %arg6[%get3A_524, %get3A_525] {strides = array<i32>} : memref<250x80xi32, #tpu.memory_space<vmem>>, vector<16xi32>,
        %add3A_527 = arith.addi %get3A_526, %get3A_526 : vector<16xi32>
        %add3A_528 = vector.broadcast %arg0 : i32 to vector<16xi32>
        %add3A_529 = arith.addi %add3A_527, %add3A_528 : vector<16xi32>
        %swap3A_530 = arith.index_cast %add3A_376 : i32 to index
        %swap3A_531 = arith.constant 0 : index
        %swap3A_532 = tpu.vector_load %arg6[%swap3A_530, %swap3A_531] {strides = array<i32>} : memref<250x80xi32, #tpu.memory_space<vmem>>, vector<16xi32>,
        tpu.vector_store %arg6[%swap3A_530, %swap3A_531], %add3A_529 {strides = array<i32>} : memref<250x80xi32, #tpu.memory_space<vmem>>, vector<16xi32>,
        %get3A_533 = arith.index_cast %add3A_376 : i32 to index
        %get3A_534 = arith.constant 16 : index
        %get3A_535 = tpu.vector_load %arg6[%get3A_533, %get3A_534] {strides = array<i32>} : memref<250x80xi32, #tpu.memory_space<vmem>>, vector<16xi32>,
        %add3A_536 = arith.addi %get3A_535, %get3A_535 : vector<16xi32>
        %add3A_537 = vector.broadcast %arg0 : i32 to vector<16xi32>
        %add3A_538 = arith.addi %add3A_536, %add3A_537 : vector<16xi32>
        %swap3A_539 = arith.index_cast %add3A_376 : i32 to index
        %swap3A_540 = arith.constant 16 : index
        %swap3A_541 = tpu.vector_load %arg6[%swap3A_539, %swap3A_540] {strides = array<i32>} : memref<250x80xi32, #tpu.memory_space<vmem>>, vector<16xi32>,
        tpu.vector_store %arg6[%swap3A_539, %swap3A_540], %add3A_538 {strides = array<i32>} : memref<250x80xi32, #tpu.memory_space<vmem>>, vector<16xi32>,
        %get3A_542 = arith.index_cast %add3A_376 : i32 to index
        %get3A_543 = arith.constant 32 : index
        %get3A_544 = tpu.vector_load %arg6[%get3A_542, %get3A_543] {strides = array<i32>} : memref<250x80xi32, #tpu.memory_space<vmem>>, vector<16xi32>,
        %add3A_545 = arith.addi %get3A_544, %get3A_544 : vector<16xi32>
        %add3A_546 = vector.broadcast %arg0 : i32 to vector<16xi32>
        %add3A_547 = arith.addi %add3A_545, %add3A_546 : vector<16xi32>
        %swap3A_548 = arith.index_cast %add3A_376 : i32 to index
        %swap3A_549 = arith.constant 32 : index
        %swap3A_550 = tpu.vector_load %arg6[%swap3A_548, %swap3A_549] {strides = array<i32>} : memref<250x80xi32, #tpu.memory_space<vmem>>, vector<16xi32>,
        tpu.vector_store %arg6[%swap3A_548, %swap3A_549], %add3A_547 {strides = array<i32>} : memref<250x80xi32, #tpu.memory_space<vmem>>, vector<16xi32>,
        %get3A_551 = arith.index_cast %add3A_376 : i32 to index
        %get3A_552 = arith.constant 48 : index
        %get3A_553 = tpu.vector_load %arg6[%get3A_551, %get3A_552] {strides = array<i32>} : memref<250x80xi32, #tpu.memory_space<vmem>>, vector<16xi32>,
        %add3A_554 = arith.addi %get3A_553, %get3A_553 : vector<16xi32>
        %add3A_555 = vector.broadcast %arg0 : i32 to vector<16xi32>
        %add3A_556 = arith.addi %add3A_554, %add3A_555 : vector<16xi32>
        %swap3A_557 = arith.index_cast %add3A_376 : i32 to index
        %swap3A_558 = arith.constant 48 : index
        %swap3A_559 = tpu.vector_load %arg6[%swap3A_557, %swap3A_558] {strides = array<i32>} : memref<250x80xi32, #tpu.memory_space<vmem>>, vector<16xi32>,
        tpu.vector_store %arg6[%swap3A_557, %swap3A_558], %add3A_556 {strides = array<i32>} : memref<250x80xi32, #tpu.memory_space<vmem>>, vector<16xi32>,
        %get3A_560 = arith.index_cast %add3A_376 : i32 to index
        %get3A_561 = arith.constant 64 : index
        %get3A_562 = tpu.vector_load %arg6[%get3A_560, %get3A_561] {strides = array<i32>} : memref<250x80xi32, #tpu.memory_space<vmem>>, vector<16xi32>,
        %add3A_563 = arith.addi %get3A_562, %get3A_562 : vector<16xi32>
        %add3A_564 = vector.broadcast %arg0 : i32 to vector<16xi32>
        %add3A_565 = arith.addi %add3A_563, %add3A_564 : vector<16xi32>
        %swap3A_566 = arith.index_cast %add3A_376 : i32 to index
        %swap3A_567 = arith.constant 64 : index
        %swap3A_568 = tpu.vector_load %arg6[%swap3A_566, %swap3A_567] {strides = array<i32>} : memref<250x80xi32, #tpu.memory_space<vmem>>, vector<16xi32>,
        tpu.vector_store %arg6[%swap3A_566, %swap3A_567], %add3A_565 {strides = array<i32>} : memref<250x80xi32, #tpu.memory_space<vmem>>, vector<16xi32>,
        %dma_start3A_569 = arith.constant 0 : i32
        %dma_start3A_570 = tpu.memref_slice %arg6[%add3A_376, %dma_start3A_569] : memref<250x80xi32, #tpu.memory_space<vmem>> -> memref<1x80xi32, #tpu.memory_space<vmem>>
        %dma_start3A_571 = tpu.memref_squeeze %dma_start3A_570 : memref<1x80xi32, #tpu.memory_space<vmem>> -> memref<80xi32, #tpu.memory_space<vmem>>
        %dma_start3A_572 = arith.constant 0 : i32
        %dma_start3A_573 = arith.constant 0 : i32
        %dma_start3A_574 = tpu.memref_slice %arg2[%dma_start3A_572, %dma_start3A_573] : memref<20480x64xf32, #tpu.memory_space<hbm>> -> memref<20480x64xf32, #tpu.memory_space<hbm>>
        tpu.enqueue_indirect_dma source(%dma_start3A_574 : memref<20480x64xf32, #tpu.memory_space<hbm>>) target(%arg8 : memref<80x64xf32, #tpu.memory_space<vmem>>) offsets(%dma_start3A_571 : memref<80xi32, #tpu.memory_space<vmem>>) semaphore(%arg16 : memref<!tpu.dma_semaphore, #tpu.memory_space<semaphore_mem>>)
      } else {
      }
      %get3A_381 = arith.index_cast %add3A_369 : i32 to index
      %get3A_382 = arith.constant 0 : index
      %get3A_383 = tpu.vector_load %arg7[%get3A_381, %get3A_382] {strides = array<i32>} : memref<250x80xi32, #tpu.memory_space<vmem>>, vector<16xi32>,
      tpu.vector_store_idx %arg14[%get3A_383], %broadcast_in_dim3A_349 {add = true} : memref<10240xf32, #tpu.memory_space<vmem>>[vector<16xi32>], vector<16xf32>,
      %get3A_384 = arith.index_cast %add3A_369 : i32 to index
      %get3A_385 = arith.constant 16 : index
      %get3A_386 = tpu.vector_load %arg7[%get3A_384, %get3A_385] {strides = array<i32>} : memref<250x80xi32, #tpu.memory_space<vmem>>, vector<16xi32>,
      tpu.vector_store_idx %arg14[%get3A_386], %broadcast_in_dim3A_349 {add = true} : memref<10240xf32, #tpu.memory_space<vmem>>[vector<16xi32>], vector<16xf32>,
      %get3A_387 = arith.index_cast %add3A_369 : i32 to index
      %get3A_388 = arith.constant 32 : index
      %get3A_389 = tpu.vector_load %arg7[%get3A_387, %get3A_388] {strides = array<i32>} : memref<250x80xi32, #tpu.memory_space<vmem>>, vector<16xi32>,
      tpu.vector_store_idx %arg14[%get3A_389], %broadcast_in_dim3A_349 {add = true} : memref<10240xf32, #tpu.memory_space<vmem>>[vector<16xi32>], vector<16xf32>,
      %get3A_390 = arith.index_cast %add3A_369 : i32 to index
      %get3A_391 = arith.constant 48 : index
      %get3A_392 = tpu.vector_load %arg7[%get3A_390, %get3A_391] {strides = array<i32>} : memref<250x80xi32, #tpu.memory_space<vmem>>, vector<16xi32>,
      tpu.vector_store_idx %arg14[%get3A_392], %broadcast_in_dim3A_349 {add = true} : memref<10240xf32, #tpu.memory_space<vmem>>[vector<16xi32>], vector<16xf32>,
      %get3A_393 = arith.index_cast %add3A_369 : i32 to index
      %get3A_394 = arith.constant 64 : index
      %get3A_395 = tpu.vector_load %arg7[%get3A_393, %get3A_394] {strides = array<i32>} : memref<250x80xi32, #tpu.memory_space<vmem>>, vector<16xi32>,
      tpu.vector_store_idx %arg14[%get3A_395], %broadcast_in_dim3A_349 {add = true} : memref<10240xf32, #tpu.memory_space<vmem>>[vector<16xi32>], vector<16xf32>,
      %mul3A_396 = arith.constant 5 : i32
      %mul3A_397 = arith.muli %scan3A_365, %mul3A_396 : i32
      %add3A_398 = arith.constant 1 : i32
      %add3A_399 = arith.addi %mul3A_397, %add3A_398 : i32
      %dma_wait3A_400 = arith.constant 0 : i32
      %dma_wait3A_401 = tpu.memref_slice %arg6[%add3A_399, %dma_wait3A_400] : memref<250x80xi32, #tpu.memory_space<vmem>> -> memref<1x80xi32, #tpu.memory_space<vmem>>
      %dma_wait3A_402 = tpu.memref_squeeze %dma_wait3A_401 : memref<1x80xi32, #tpu.memory_space<vmem>> -> memref<80xi32, #tpu.memory_space<vmem>>
      %dma_wait3A_403 = arith.constant 0 : i32
      %dma_wait3A_404 = arith.constant 0 : i32
      %dma_wait3A_405 = tpu.memref_slice %arg2[%dma_wait3A_403, %dma_wait3A_404] : memref<20480x64xf32, #tpu.memory_space<hbm>> -> memref<20480x64xf32, #tpu.memory_space<hbm>>
      tpu.wait_indirect_dma semaphore(%arg17 : memref<!tpu.dma_semaphore, #tpu.memory_space<semaphore_mem>>) src(%dma_wait3A_405 : memref<20480x64xf32, #tpu.memory_space<hbm>>) dst(%arg9 : memref<80x64xf32, #tpu.memory_space<vmem>>)
      "tpu.region"() ({
        %run_scoped3A_524 = tpu.sem_alloc : memref<!tpu.dma_semaphore, #tpu.memory_space<semaphore_mem>>
        %dma_start3A_525 = arith.constant 0 : i32
        %dma_start3A_526 = tpu.memref_slice %arg7[%add3A_399, %dma_start3A_525] : memref<250x80xi32, #tpu.memory_space<vmem>> -> memref<1x80xi32, #tpu.memory_space<vmem>>
        %dma_start3A_527 = tpu.memref_squeeze %dma_start3A_526 : memref<1x80xi32, #tpu.memory_space<vmem>> -> memref<80xi32, #tpu.memory_space<vmem>>
        %dma_start3A_528 = arith.constant 0 : i32
        %dma_start3A_529 = arith.constant 0 : i32
        %dma_start3A_530 = tpu.memref_slice %arg15[%dma_start3A_528, %dma_start3A_529] : memref<10240x64xf32, #tpu.memory_space<vmem_shared>> -> memref<10240x64xf32, #tpu.memory_space<vmem_shared>>
        tpu.enqueue_indirect_dma source(%arg9 : memref<80x64xf32, #tpu.memory_space<vmem>>) target(%dma_start3A_530 : memref<10240x64xf32, #tpu.memory_space<vmem_shared>>) offsets(%dma_start3A_527 : memref<80xi32, #tpu.memory_space<vmem>>) semaphore(%run_scoped3A_524 : memref<!tpu.dma_semaphore, #tpu.memory_space<semaphore_mem>>) {add = true}
        %dma_wait3A_531 = arith.constant 0 : i32
        %dma_wait3A_532 = tpu.memref_slice %arg7[%add3A_399, %dma_wait3A_531] : memref<250x80xi32, #tpu.memory_space<vmem>> -> memref<1x80xi32, #tpu.memory_space<vmem>>
        %dma_wait3A_533 = tpu.memref_squeeze %dma_wait3A_532 : memref<1x80xi32, #tpu.memory_space<vmem>> -> memref<80xi32, #tpu.memory_space<vmem>>
        %dma_wait3A_534 = arith.constant 0 : i32
        %dma_wait3A_535 = arith.constant 0 : i32
        %dma_wait3A_536 = tpu.memref_slice %arg15[%dma_wait3A_534, %dma_wait3A_535] : memref<10240x64xf32, #tpu.memory_space<vmem_shared>> -> memref<10240x64xf32, #tpu.memory_space<vmem_shared>>
        tpu.wait_indirect_dma semaphore(%run_scoped3A_524 : memref<!tpu.dma_semaphore, #tpu.memory_space<semaphore_mem>>) src(%arg9 : memref<80x64xf32, #tpu.memory_space<vmem>>) dst(%dma_wait3A_536 : memref<10240x64xf32, #tpu.memory_space<vmem_shared>>)
        tpu.yield
      }) : () -> ()
      %add3A_406 = arith.constant 5 : i32
      %add3A_407 = arith.addi %add3A_399, %add3A_406 : i32
      %lt3A_408 = arith.constant 250 : i32
      %lt3A_409 = arith.cmpi slt, %add3A_407, %lt3A_408 : i32
      %convert_element_type3A_410 = arith.extui %lt3A_409 : i1 to i32
      %cond3A_411 = arith.constant 0 : i32
      %cond3A_412 = arith.cmpi ne, %convert_element_type3A_410, %cond3A_411 : i32
      scf.if %cond3A_412 {
        %get3A_524 = arith.index_cast %add3A_407 : i32 to index
        %get3A_525 = arith.constant 0 : index
        %get3A_526 = tpu.vector_load %arg6[%get3A_524, %get3A_525] {strides = array<i32>} : memref<250x80xi32, #tpu.memory_space<vmem>>, vector<16xi32>,
        %add3A_527 = arith.addi %get3A_526, %get3A_526 : vector<16xi32>
        %add3A_528 = vector.broadcast %arg0 : i32 to vector<16xi32>
        %add3A_529 = arith.addi %add3A_527, %add3A_528 : vector<16xi32>
        %swap3A_530 = arith.index_cast %add3A_407 : i32 to index
        %swap3A_531 = arith.constant 0 : index
        %swap3A_532 = tpu.vector_load %arg6[%swap3A_530, %swap3A_531] {strides = array<i32>} : memref<250x80xi32, #tpu.memory_space<vmem>>, vector<16xi32>,
        tpu.vector_store %arg6[%swap3A_530, %swap3A_531], %add3A_529 {strides = array<i32>} : memref<250x80xi32, #tpu.memory_space<vmem>>, vector<16xi32>,
        %get3A_533 = arith.index_cast %add3A_407 : i32 to index
        %get3A_534 = arith.constant 16 : index
        %get3A_535 = tpu.vector_load %arg6[%get3A_533, %get3A_534] {strides = array<i32>} : memref<250x80xi32, #tpu.memory_space<vmem>>, vector<16xi32>,
        %add3A_536 = arith.addi %get3A_535, %get3A_535 : vector<16xi32>
        %add3A_537 = vector.broadcast %arg0 : i32 to vector<16xi32>
        %add3A_538 = arith.addi %add3A_536, %add3A_537 : vector<16xi32>
        %swap3A_539 = arith.index_cast %add3A_407 : i32 to index
        %swap3A_540 = arith.constant 16 : index
        %swap3A_541 = tpu.vector_load %arg6[%swap3A_539, %swap3A_540] {strides = array<i32>} : memref<250x80xi32, #tpu.memory_space<vmem>>, vector<16xi32>,
        tpu.vector_store %arg6[%swap3A_539, %swap3A_540], %add3A_538 {strides = array<i32>} : memref<250x80xi32, #tpu.memory_space<vmem>>, vector<16xi32>,
        %get3A_542 = arith.index_cast %add3A_407 : i32 to index
        %get3A_543 = arith.constant 32 : index
        %get3A_544 = tpu.vector_load %arg6[%get3A_542, %get3A_543] {strides = array<i32>} : memref<250x80xi32, #tpu.memory_space<vmem>>, vector<16xi32>,
        %add3A_545 = arith.addi %get3A_544, %get3A_544 : vector<16xi32>
        %add3A_546 = vector.broadcast %arg0 : i32 to vector<16xi32>
        %add3A_547 = arith.addi %add3A_545, %add3A_546 : vector<16xi32>
        %swap3A_548 = arith.index_cast %add3A_407 : i32 to index
        %swap3A_549 = arith.constant 32 : index
        %swap3A_550 = tpu.vector_load %arg6[%swap3A_548, %swap3A_549] {strides = array<i32>} : memref<250x80xi32, #tpu.memory_space<vmem>>, vector<16xi32>,
        tpu.vector_store %arg6[%swap3A_548, %swap3A_549], %add3A_547 {strides = array<i32>} : memref<250x80xi32, #tpu.memory_space<vmem>>, vector<16xi32>,
        %get3A_551 = arith.index_cast %add3A_407 : i32 to index
        %get3A_552 = arith.constant 48 : index
        %get3A_553 = tpu.vector_load %arg6[%get3A_551, %get3A_552] {strides = array<i32>} : memref<250x80xi32, #tpu.memory_space<vmem>>, vector<16xi32>,
        %add3A_554 = arith.addi %get3A_553, %get3A_553 : vector<16xi32>
        %add3A_555 = vector.broadcast %arg0 : i32 to vector<16xi32>
        %add3A_556 = arith.addi %add3A_554, %add3A_555 : vector<16xi32>
        %swap3A_557 = arith.index_cast %add3A_407 : i32 to index
        %swap3A_558 = arith.constant 48 : index
        %swap3A_559 = tpu.vector_load %arg6[%swap3A_557, %swap3A_558] {strides = array<i32>} : memref<250x80xi32, #tpu.memory_space<vmem>>, vector<16xi32>,
        tpu.vector_store %arg6[%swap3A_557, %swap3A_558], %add3A_556 {strides = array<i32>} : memref<250x80xi32, #tpu.memory_space<vmem>>, vector<16xi32>,
        %get3A_560 = arith.index_cast %add3A_407 : i32 to index
        %get3A_561 = arith.constant 64 : index
        %get3A_562 = tpu.vector_load %arg6[%get3A_560, %get3A_561] {strides = array<i32>} : memref<250x80xi32, #tpu.memory_space<vmem>>, vector<16xi32>,
        %add3A_563 = arith.addi %get3A_562, %get3A_562 : vector<16xi32>
        %add3A_564 = vector.broadcast %arg0 : i32 to vector<16xi32>
        %add3A_565 = arith.addi %add3A_563, %add3A_564 : vector<16xi32>
        %swap3A_566 = arith.index_cast %add3A_407 : i32 to index
        %swap3A_567 = arith.constant 64 : index
        %swap3A_568 = tpu.vector_load %arg6[%swap3A_566, %swap3A_567] {strides = array<i32>} : memref<250x80xi32, #tpu.memory_space<vmem>>, vector<16xi32>,
        tpu.vector_store %arg6[%swap3A_566, %swap3A_567], %add3A_565 {strides = array<i32>} : memref<250x80xi32, #tpu.memory_space<vmem>>, vector<16xi32>,
        %dma_start3A_569 = arith.constant 0 : i32
        %dma_start3A_570 = tpu.memref_slice %arg6[%add3A_407, %dma_start3A_569] : memref<250x80xi32, #tpu.memory_space<vmem>> -> memref<1x80xi32, #tpu.memory_space<vmem>>
        %dma_start3A_571 = tpu.memref_squeeze %dma_start3A_570 : memref<1x80xi32, #tpu.memory_space<vmem>> -> memref<80xi32, #tpu.memory_space<vmem>>
        %dma_start3A_572 = arith.constant 0 : i32
        %dma_start3A_573 = arith.constant 0 : i32
        %dma_start3A_574 = tpu.memref_slice %arg2[%dma_start3A_572, %dma_start3A_573] : memref<20480x64xf32, #tpu.memory_space<hbm>> -> memref<20480x64xf32, #tpu.memory_space<hbm>>
        tpu.enqueue_indirect_dma source(%dma_start3A_574 : memref<20480x64xf32, #tpu.memory_space<hbm>>) target(%arg9 : memref<80x64xf32, #tpu.memory_space<vmem>>) offsets(%dma_start3A_571 : memref<80xi32, #tpu.memory_space<vmem>>) semaphore(%arg17 : memref<!tpu.dma_semaphore, #tpu.memory_space<semaphore_mem>>)
      } else {
      }
      %get3A_413 = arith.index_cast %add3A_399 : i32 to index
      %get3A_414 = arith.constant 0 : index
      %get3A_415 = tpu.vector_load %arg7[%get3A_413, %get3A_414] {strides = array<i32>} : memref<250x80xi32, #tpu.memory_space<vmem>>, vector<16xi32>,
      tpu.vector_store_idx %arg14[%get3A_415], %broadcast_in_dim3A_349 {add = true} : memref<10240xf32, #tpu.memory_space<vmem>>[vector<16xi32>], vector<16xf32>,
      %get3A_416 = arith.index_cast %add3A_399 : i32 to index
      %get3A_417 = arith.constant 16 : index
      %get3A_418 = tpu.vector_load %arg7[%get3A_416, %get3A_417] {strides = array<i32>} : memref<250x80xi32, #tpu.memory_space<vmem>>, vector<16xi32>,
      tpu.vector_store_idx %arg14[%get3A_418], %broadcast_in_dim3A_349 {add = true} : memref<10240xf32, #tpu.memory_space<vmem>>[vector<16xi32>], vector<16xf32>,
      %get3A_419 = arith.index_cast %add3A_399 : i32 to index
      %get3A_420 = arith.constant 32 : index
      %get3A_421 = tpu.vector_load %arg7[%get3A_419, %get3A_420] {strides = array<i32>} : memref<250x80xi32, #tpu.memory_space<vmem>>, vector<16xi32>,
      tpu.vector_store_idx %arg14[%get3A_421], %broadcast_in_dim3A_349 {add = true} : memref<10240xf32, #tpu.memory_space<vmem>>[vector<16xi32>], vector<16xf32>,
      %get3A_422 = arith.index_cast %add3A_399 : i32 to index
      %get3A_423 = arith.constant 48 : index
      %get3A_424 = tpu.vector_load %arg7[%get3A_422, %get3A_423] {strides = array<i32>} : memref<250x80xi32, #tpu.memory_space<vmem>>, vector<16xi32>,
      tpu.vector_store_idx %arg14[%get3A_424], %broadcast_in_dim3A_349 {add = true} : memref<10240xf32, #tpu.memory_space<vmem>>[vector<16xi32>], vector<16xf32>,
      %get3A_425 = arith.index_cast %add3A_399 : i32 to index
      %get3A_426 = arith.constant 64 : index
      %get3A_427 = tpu.vector_load %arg7[%get3A_425, %get3A_426] {strides = array<i32>} : memref<250x80xi32, #tpu.memory_space<vmem>>, vector<16xi32>,
      tpu.vector_store_idx %arg14[%get3A_427], %broadcast_in_dim3A_349 {add = true} : memref<10240xf32, #tpu.memory_space<vmem>>[vector<16xi32>], vector<16xf32>,
      %mul3A_428 = arith.constant 5 : i32
      %mul3A_429 = arith.muli %scan3A_365, %mul3A_428 : i32
      %add3A_430 = arith.constant 2 : i32
      %add3A_431 = arith.addi %mul3A_429, %add3A_430 : i32
      %dma_wait3A_432 = arith.constant 0 : i32
      %dma_wait3A_433 = tpu.memref_slice %arg6[%add3A_431, %dma_wait3A_432] : memref<250x80xi32, #tpu.memory_space<vmem>> -> memref<1x80xi32, #tpu.memory_space<vmem>>
      %dma_wait3A_434 = tpu.memref_squeeze %dma_wait3A_433 : memref<1x80xi32, #tpu.memory_space<vmem>> -> memref<80xi32, #tpu.memory_space<vmem>>
      %dma_wait3A_435 = arith.constant 0 : i32
      %dma_wait3A_436 = arith.constant 0 : i32
      %dma_wait3A_437 = tpu.memref_slice %arg2[%dma_wait3A_435, %dma_wait3A_436] : memref<20480x64xf32, #tpu.memory_space<hbm>> -> memref<20480x64xf32, #tpu.memory_space<hbm>>
      tpu.wait_indirect_dma semaphore(%arg18 : memref<!tpu.dma_semaphore, #tpu.memory_space<semaphore_mem>>) src(%dma_wait3A_437 : memref<20480x64xf32, #tpu.memory_space<hbm>>) dst(%arg10 : memref<80x64xf32, #tpu.memory_space<vmem>>)
      "tpu.region"() ({
        %run_scoped3A_524 = tpu.sem_alloc : memref<!tpu.dma_semaphore, #tpu.memory_space<semaphore_mem>>
        %dma_start3A_525 = arith.constant 0 : i32
        %dma_start3A_526 = tpu.memref_slice %arg7[%add3A_431, %dma_start3A_525] : memref<250x80xi32, #tpu.memory_space<vmem>> -> memref<1x80xi32, #tpu.memory_space<vmem>>
        %dma_start3A_527 = tpu.memref_squeeze %dma_start3A_526 : memref<1x80xi32, #tpu.memory_space<vmem>> -> memref<80xi32, #tpu.memory_space<vmem>>
        %dma_start3A_528 = arith.constant 0 : i32
        %dma_start3A_529 = arith.constant 0 : i32
        %dma_start3A_530 = tpu.memref_slice %arg15[%dma_start3A_528, %dma_start3A_529] : memref<10240x64xf32, #tpu.memory_space<vmem_shared>> -> memref<10240x64xf32, #tpu.memory_space<vmem_shared>>
        tpu.enqueue_indirect_dma source(%arg10 : memref<80x64xf32, #tpu.memory_space<vmem>>) target(%dma_start3A_530 : memref<10240x64xf32, #tpu.memory_space<vmem_shared>>) offsets(%dma_start3A_527 : memref<80xi32, #tpu.memory_space<vmem>>) semaphore(%run_scoped3A_524 : memref<!tpu.dma_semaphore, #tpu.memory_space<semaphore_mem>>) {add = true}
        %dma_wait3A_531 = arith.constant 0 : i32
        %dma_wait3A_532 = tpu.memref_slice %arg7[%add3A_431, %dma_wait3A_531] : memref<250x80xi32, #tpu.memory_space<vmem>> -> memref<1x80xi32, #tpu.memory_space<vmem>>
        %dma_wait3A_533 = tpu.memref_squeeze %dma_wait3A_532 : memref<1x80xi32, #tpu.memory_space<vmem>> -> memref<80xi32, #tpu.memory_space<vmem>>
        %dma_wait3A_534 = arith.constant 0 : i32
        %dma_wait3A_535 = arith.constant 0 : i32
        %dma_wait3A_536 = tpu.memref_slice %arg15[%dma_wait3A_534, %dma_wait3A_535] : memref<10240x64xf32, #tpu.memory_space<vmem_shared>> -> memref<10240x64xf32, #tpu.memory_space<vmem_shared>>
        tpu.wait_indirect_dma semaphore(%run_scoped3A_524 : memref<!tpu.dma_semaphore, #tpu.memory_space<semaphore_mem>>) src(%arg10 : memref<80x64xf32, #tpu.memory_space<vmem>>) dst(%dma_wait3A_536 : memref<10240x64xf32, #tpu.memory_space<vmem_shared>>)
        tpu.yield
      }) : () -> ()
      %add3A_438 = arith.constant 5 : i32
      %add3A_439 = arith.addi %add3A_431, %add3A_438 : i32
      %lt3A_440 = arith.constant 250 : i32
      %lt3A_441 = arith.cmpi slt, %add3A_439, %lt3A_440 : i32
      %convert_element_type3A_442 = arith.extui %lt3A_441 : i1 to i32
      %cond3A_443 = arith.constant 0 : i32
      %cond3A_444 = arith.cmpi ne, %convert_element_type3A_442, %cond3A_443 : i32
      scf.if %cond3A_444 {
        %get3A_524 = arith.index_cast %add3A_439 : i32 to index
        %get3A_525 = arith.constant 0 : index
        %get3A_526 = tpu.vector_load %arg6[%get3A_524, %get3A_525] {strides = array<i32>} : memref<250x80xi32, #tpu.memory_space<vmem>>, vector<16xi32>,
        %add3A_527 = arith.addi %get3A_526, %get3A_526 : vector<16xi32>
        %add3A_528 = vector.broadcast %arg0 : i32 to vector<16xi32>
        %add3A_529 = arith.addi %add3A_527, %add3A_528 : vector<16xi32>
        %swap3A_530 = arith.index_cast %add3A_439 : i32 to index
        %swap3A_531 = arith.constant 0 : index
        %swap3A_532 = tpu.vector_load %arg6[%swap3A_530, %swap3A_531] {strides = array<i32>} : memref<250x80xi32, #tpu.memory_space<vmem>>, vector<16xi32>,
        tpu.vector_store %arg6[%swap3A_530, %swap3A_531], %add3A_529 {strides = array<i32>} : memref<250x80xi32, #tpu.memory_space<vmem>>, vector<16xi32>,
        %get3A_533 = arith.index_cast %add3A_439 : i32 to index
        %get3A_534 = arith.constant 16 : index
        %get3A_535 = tpu.vector_load %arg6[%get3A_533, %get3A_534] {strides = array<i32>} : memref<250x80xi32, #tpu.memory_space<vmem>>, vector<16xi32>,
        %add3A_536 = arith.addi %get3A_535, %get3A_535 : vector<16xi32>
        %add3A_537 = vector.broadcast %arg0 : i32 to vector<16xi32>
        %add3A_538 = arith.addi %add3A_536, %add3A_537 : vector<16xi32>
        %swap3A_539 = arith.index_cast %add3A_439 : i32 to index
        %swap3A_540 = arith.constant 16 : index
        %swap3A_541 = tpu.vector_load %arg6[%swap3A_539, %swap3A_540] {strides = array<i32>} : memref<250x80xi32, #tpu.memory_space<vmem>>, vector<16xi32>,
        tpu.vector_store %arg6[%swap3A_539, %swap3A_540], %add3A_538 {strides = array<i32>} : memref<250x80xi32, #tpu.memory_space<vmem>>, vector<16xi32>,
        %get3A_542 = arith.index_cast %add3A_439 : i32 to index
        %get3A_543 = arith.constant 32 : index
        %get3A_544 = tpu.vector_load %arg6[%get3A_542, %get3A_543] {strides = array<i32>} : memref<250x80xi32, #tpu.memory_space<vmem>>, vector<16xi32>,
        %add3A_545 = arith.addi %get3A_544, %get3A_544 : vector<16xi32>
        %add3A_546 = vector.broadcast %arg0 : i32 to vector<16xi32>
        %add3A_547 = arith.addi %add3A_545, %add3A_546 : vector<16xi32>
        %swap3A_548 = arith.index_cast %add3A_439 : i32 to index
        %swap3A_549 = arith.constant 32 : index
        %swap3A_550 = tpu.vector_load %arg6[%swap3A_548, %swap3A_549] {strides = array<i32>} : memref<250x80xi32, #tpu.memory_space<vmem>>, vector<16xi32>,
        tpu.vector_store %arg6[%swap3A_548, %swap3A_549], %add3A_547 {strides = array<i32>} : memref<250x80xi32, #tpu.memory_space<vmem>>, vector<16xi32>,
        %get3A_551 = arith.index_cast %add3A_439 : i32 to index
        %get3A_552 = arith.constant 48 : index
        %get3A_553 = tpu.vector_load %arg6[%get3A_551, %get3A_552] {strides = array<i32>} : memref<250x80xi32, #tpu.memory_space<vmem>>, vector<16xi32>,
        %add3A_554 = arith.addi %get3A_553, %get3A_553 : vector<16xi32>
        %add3A_555 = vector.broadcast %arg0 : i32 to vector<16xi32>
        %add3A_556 = arith.addi %add3A_554, %add3A_555 : vector<16xi32>
        %swap3A_557 = arith.index_cast %add3A_439 : i32 to index
        %swap3A_558 = arith.constant 48 : index
        %swap3A_559 = tpu.vector_load %arg6[%swap3A_557, %swap3A_558] {strides = array<i32>} : memref<250x80xi32, #tpu.memory_space<vmem>>, vector<16xi32>,
        tpu.vector_store %arg6[%swap3A_557, %swap3A_558], %add3A_556 {strides = array<i32>} : memref<250x80xi32, #tpu.memory_space<vmem>>, vector<16xi32>,
        %get3A_560 = arith.index_cast %add3A_439 : i32 to index
        %get3A_561 = arith.constant 64 : index
        %get3A_562 = tpu.vector_load %arg6[%get3A_560, %get3A_561] {strides = array<i32>} : memref<250x80xi32, #tpu.memory_space<vmem>>, vector<16xi32>,
        %add3A_563 = arith.addi %get3A_562, %get3A_562 : vector<16xi32>
        %add3A_564 = vector.broadcast %arg0 : i32 to vector<16xi32>
        %add3A_565 = arith.addi %add3A_563, %add3A_564 : vector<16xi32>
        %swap3A_566 = arith.index_cast %add3A_439 : i32 to index
        %swap3A_567 = arith.constant 64 : index
        %swap3A_568 = tpu.vector_load %arg6[%swap3A_566, %swap3A_567] {strides = array<i32>} : memref<250x80xi32, #tpu.memory_space<vmem>>, vector<16xi32>,
        tpu.vector_store %arg6[%swap3A_566, %swap3A_567], %add3A_565 {strides = array<i32>} : memref<250x80xi32, #tpu.memory_space<vmem>>, vector<16xi32>,
        %dma_start3A_569 = arith.constant 0 : i32
        %dma_start3A_570 = tpu.memref_slice %arg6[%add3A_439, %dma_start3A_569] : memref<250x80xi32, #tpu.memory_space<vmem>> -> memref<1x80xi32, #tpu.memory_space<vmem>>
        %dma_start3A_571 = tpu.memref_squeeze %dma_start3A_570 : memref<1x80xi32, #tpu.memory_space<vmem>> -> memref<80xi32, #tpu.memory_space<vmem>>
        %dma_start3A_572 = arith.constant 0 : i32
        %dma_start3A_573 = arith.constant 0 : i32
        %dma_start3A_574 = tpu.memref_slice %arg2[%dma_start3A_572, %dma_start3A_573] : memref<20480x64xf32, #tpu.memory_space<hbm>> -> memref<20480x64xf32, #tpu.memory_space<hbm>>
        tpu.enqueue_indirect_dma source(%dma_start3A_574 : memref<20480x64xf32, #tpu.memory_space<hbm>>) target(%arg10 : memref<80x64xf32, #tpu.memory_space<vmem>>) offsets(%dma_start3A_571 : memref<80xi32, #tpu.memory_space<vmem>>) semaphore(%arg18 : memref<!tpu.dma_semaphore, #tpu.memory_space<semaphore_mem>>)
      } else {
      }
      %get3A_445 = arith.index_cast %add3A_431 : i32 to index
      %get3A_446 = arith.constant 0 : index
      %get3A_447 = tpu.vector_load %arg7[%get3A_445, %get3A_446] {strides = array<i32>} : memref<250x80xi32, #tpu.memory_space<vmem>>, vector<16xi32>,
      tpu.vector_store_idx %arg14[%get3A_447], %broadcast_in_dim3A_349 {add = true} : memref<10240xf32, #tpu.memory_space<vmem>>[vector<16xi32>], vector<16xf32>,
      %get3A_448 = arith.index_cast %add3A_431 : i32 to index
      %get3A_449 = arith.constant 16 : index
      %get3A_450 = tpu.vector_load %arg7[%get3A_448, %get3A_449] {strides = array<i32>} : memref<250x80xi32, #tpu.memory_space<vmem>>, vector<16xi32>,
      tpu.vector_store_idx %arg14[%get3A_450], %broadcast_in_dim3A_349 {add = true} : memref<10240xf32, #tpu.memory_space<vmem>>[vector<16xi32>], vector<16xf32>,
      %get3A_451 = arith.index_cast %add3A_431 : i32 to index
      %get3A_452 = arith.constant 32 : index
      %get3A_453 = tpu.vector_load %arg7[%get3A_451, %get3A_452] {strides = array<i32>} : memref<250x80xi32, #tpu.memory_space<vmem>>, vector<16xi32>,
      tpu.vector_store_idx %arg14[%get3A_453], %broadcast_in_dim3A_349 {add = true} : memref<10240xf32, #tpu.memory_space<vmem>>[vector<16xi32>], vector<16xf32>,
      %get3A_454 = arith.index_cast %add3A_431 : i32 to index
      %get3A_455 = arith.constant 48 : index
      %get3A_456 = tpu.vector_load %arg7[%get3A_454, %get3A_455] {strides = array<i32>} : memref<250x80xi32, #tpu.memory_space<vmem>>, vector<16xi32>,
      tpu.vector_store_idx %arg14[%get3A_456], %broadcast_in_dim3A_349 {add = true} : memref<10240xf32, #tpu.memory_space<vmem>>[vector<16xi32>], vector<16xf32>,
      %get3A_457 = arith.index_cast %add3A_431 : i32 to index
      %get3A_458 = arith.constant 64 : index
      %get3A_459 = tpu.vector_load %arg7[%get3A_457, %get3A_458] {strides = array<i32>} : memref<250x80xi32, #tpu.memory_space<vmem>>, vector<16xi32>,
      tpu.vector_store_idx %arg14[%get3A_459], %broadcast_in_dim3A_349 {add = true} : memref<10240xf32, #tpu.memory_space<vmem>>[vector<16xi32>], vector<16xf32>,
      %mul3A_460 = arith.constant 5 : i32
      %mul3A_461 = arith.muli %scan3A_365, %mul3A_460 : i32
      %add3A_462 = arith.constant 3 : i32
      %add3A_463 = arith.addi %mul3A_461, %add3A_462 : i32
      %dma_wait3A_464 = arith.constant 0 : i32
      %dma_wait3A_465 = tpu.memref_slice %arg6[%add3A_463, %dma_wait3A_464] : memref<250x80xi32, #tpu.memory_space<vmem>> -> memref<1x80xi32, #tpu.memory_space<vmem>>
      %dma_wait3A_466 = tpu.memref_squeeze %dma_wait3A_465 : memref<1x80xi32, #tpu.memory_space<vmem>> -> memref<80xi32, #tpu.memory_space<vmem>>
      %dma_wait3A_467 = arith.constant 0 : i32
      %dma_wait3A_468 = arith.constant 0 : i32
      %dma_wait3A_469 = tpu.memref_slice %arg2[%dma_wait3A_467, %dma_wait3A_468] : memref<20480x64xf32, #tpu.memory_space<hbm>> -> memref<20480x64xf32, #tpu.memory_space<hbm>>
      tpu.wait_indirect_dma semaphore(%arg19 : memref<!tpu.dma_semaphore, #tpu.memory_space<semaphore_mem>>) src(%dma_wait3A_469 : memref<20480x64xf32, #tpu.memory_space<hbm>>) dst(%arg11 : memref<80x64xf32, #tpu.memory_space<vmem>>)
      "tpu.region"() ({
        %run_scoped3A_524 = tpu.sem_alloc : memref<!tpu.dma_semaphore, #tpu.memory_space<semaphore_mem>>
        %dma_start3A_525 = arith.constant 0 : i32
        %dma_start3A_526 = tpu.memref_slice %arg7[%add3A_463, %dma_start3A_525] : memref<250x80xi32, #tpu.memory_space<vmem>> -> memref<1x80xi32, #tpu.memory_space<vmem>>
        %dma_start3A_527 = tpu.memref_squeeze %dma_start3A_526 : memref<1x80xi32, #tpu.memory_space<vmem>> -> memref<80xi32, #tpu.memory_space<vmem>>
        %dma_start3A_528 = arith.constant 0 : i32
        %dma_start3A_529 = arith.constant 0 : i32
        %dma_start3A_530 = tpu.memref_slice %arg15[%dma_start3A_528, %dma_start3A_529] : memref<10240x64xf32, #tpu.memory_space<vmem_shared>> -> memref<10240x64xf32, #tpu.memory_space<vmem_shared>>
        tpu.enqueue_indirect_dma source(%arg11 : memref<80x64xf32, #tpu.memory_space<vmem>>) target(%dma_start3A_530 : memref<10240x64xf32, #tpu.memory_space<vmem_shared>>) offsets(%dma_start3A_527 : memref<80xi32, #tpu.memory_space<vmem>>) semaphore(%run_scoped3A_524 : memref<!tpu.dma_semaphore, #tpu.memory_space<semaphore_mem>>) {add = true}
        %dma_wait3A_531 = arith.constant 0 : i32
        %dma_wait3A_532 = tpu.memref_slice %arg7[%add3A_463, %dma_wait3A_531] : memref<250x80xi32, #tpu.memory_space<vmem>> -> memref<1x80xi32, #tpu.memory_space<vmem>>
        %dma_wait3A_533 = tpu.memref_squeeze %dma_wait3A_532 : memref<1x80xi32, #tpu.memory_space<vmem>> -> memref<80xi32, #tpu.memory_space<vmem>>
        %dma_wait3A_534 = arith.constant 0 : i32
        %dma_wait3A_535 = arith.constant 0 : i32
        %dma_wait3A_536 = tpu.memref_slice %arg15[%dma_wait3A_534, %dma_wait3A_535] : memref<10240x64xf32, #tpu.memory_space<vmem_shared>> -> memref<10240x64xf32, #tpu.memory_space<vmem_shared>>
        tpu.wait_indirect_dma semaphore(%run_scoped3A_524 : memref<!tpu.dma_semaphore, #tpu.memory_space<semaphore_mem>>) src(%arg11 : memref<80x64xf32, #tpu.memory_space<vmem>>) dst(%dma_wait3A_536 : memref<10240x64xf32, #tpu.memory_space<vmem_shared>>)
        tpu.yield
      }) : () -> ()
      %add3A_470 = arith.constant 5 : i32
      %add3A_471 = arith.addi %add3A_463, %add3A_470 : i32
      %lt3A_472 = arith.constant 250 : i32
      %lt3A_473 = arith.cmpi slt, %add3A_471, %lt3A_472 : i32
      %convert_element_type3A_474 = arith.extui %lt3A_473 : i1 to i32
      %cond3A_475 = arith.constant 0 : i32
      %cond3A_476 = arith.cmpi ne, %convert_element_type3A_474, %cond3A_475 : i32
      scf.if %cond3A_476 {
        %get3A_524 = arith.index_cast %add3A_471 : i32 to index
        %get3A_525 = arith.constant 0 : index
        %get3A_526 = tpu.vector_load %arg6[%get3A_524, %get3A_525] {strides = array<i32>} : memref<250x80xi32, #tpu.memory_space<vmem>>, vector<16xi32>,
        %add3A_527 = arith.addi %get3A_526, %get3A_526 : vector<16xi32>
        %add3A_528 = vector.broadcast %arg0 : i32 to vector<16xi32>
        %add3A_529 = arith.addi %add3A_527, %add3A_528 : vector<16xi32>
        %swap3A_530 = arith.index_cast %add3A_471 : i32 to index
        %swap3A_531 = arith.constant 0 : index
        %swap3A_532 = tpu.vector_load %arg6[%swap3A_530, %swap3A_531] {strides = array<i32>} : memref<250x80xi32, #tpu.memory_space<vmem>>, vector<16xi32>,
        tpu.vector_store %arg6[%swap3A_530, %swap3A_531], %add3A_529 {strides = array<i32>} : memref<250x80xi32, #tpu.memory_space<vmem>>, vector<16xi32>,
        %get3A_533 = arith.index_cast %add3A_471 : i32 to index
        %get3A_534 = arith.constant 16 : index
        %get3A_535 = tpu.vector_load %arg6[%get3A_533, %get3A_534] {strides = array<i32>} : memref<250x80xi32, #tpu.memory_space<vmem>>, vector<16xi32>,
        %add3A_536 = arith.addi %get3A_535, %get3A_535 : vector<16xi32>
        %add3A_537 = vector.broadcast %arg0 : i32 to vector<16xi32>
        %add3A_538 = arith.addi %add3A_536, %add3A_537 : vector<16xi32>
        %swap3A_539 = arith.index_cast %add3A_471 : i32 to index
        %swap3A_540 = arith.constant 16 : index
        %swap3A_541 = tpu.vector_load %arg6[%swap3A_539, %swap3A_540] {strides = array<i32>} : memref<250x80xi32, #tpu.memory_space<vmem>>, vector<16xi32>,
        tpu.vector_store %arg6[%swap3A_539, %swap3A_540], %add3A_538 {strides = array<i32>} : memref<250x80xi32, #tpu.memory_space<vmem>>, vector<16xi32>,
        %get3A_542 = arith.index_cast %add3A_471 : i32 to index
        %get3A_543 = arith.constant 32 : index
        %get3A_544 = tpu.vector_load %arg6[%get3A_542, %get3A_543] {strides = array<i32>} : memref<250x80xi32, #tpu.memory_space<vmem>>, vector<16xi32>,
        %add3A_545 = arith.addi %get3A_544, %get3A_544 : vector<16xi32>
        %add3A_546 = vector.broadcast %arg0 : i32 to vector<16xi32>
        %add3A_547 = arith.addi %add3A_545, %add3A_546 : vector<16xi32>
        %swap3A_548 = arith.index_cast %add3A_471 : i32 to index
        %swap3A_549 = arith.constant 32 : index
        %swap3A_550 = tpu.vector_load %arg6[%swap3A_548, %swap3A_549] {strides = array<i32>} : memref<250x80xi32, #tpu.memory_space<vmem>>, vector<16xi32>,
        tpu.vector_store %arg6[%swap3A_548, %swap3A_549], %add3A_547 {strides = array<i32>} : memref<250x80xi32, #tpu.memory_space<vmem>>, vector<16xi32>,
        %get3A_551 = arith.index_cast %add3A_471 : i32 to index
        %get3A_552 = arith.constant 48 : index
        %get3A_553 = tpu.vector_load %arg6[%get3A_551, %get3A_552] {strides = array<i32>} : memref<250x80xi32, #tpu.memory_space<vmem>>, vector<16xi32>,
        %add3A_554 = arith.addi %get3A_553, %get3A_553 : vector<16xi32>
        %add3A_555 = vector.broadcast %arg0 : i32 to vector<16xi32>
        %add3A_556 = arith.addi %add3A_554, %add3A_555 : vector<16xi32>
        %swap3A_557 = arith.index_cast %add3A_471 : i32 to index
        %swap3A_558 = arith.constant 48 : index
        %swap3A_559 = tpu.vector_load %arg6[%swap3A_557, %swap3A_558] {strides = array<i32>} : memref<250x80xi32, #tpu.memory_space<vmem>>, vector<16xi32>,
        tpu.vector_store %arg6[%swap3A_557, %swap3A_558], %add3A_556 {strides = array<i32>} : memref<250x80xi32, #tpu.memory_space<vmem>>, vector<16xi32>,
        %get3A_560 = arith.index_cast %add3A_471 : i32 to index
        %get3A_561 = arith.constant 64 : index
        %get3A_562 = tpu.vector_load %arg6[%get3A_560, %get3A_561] {strides = array<i32>} : memref<250x80xi32, #tpu.memory_space<vmem>>, vector<16xi32>,
        %add3A_563 = arith.addi %get3A_562, %get3A_562 : vector<16xi32>
        %add3A_564 = vector.broadcast %arg0 : i32 to vector<16xi32>
        %add3A_565 = arith.addi %add3A_563, %add3A_564 : vector<16xi32>
        %swap3A_566 = arith.index_cast %add3A_471 : i32 to index
        %swap3A_567 = arith.constant 64 : index
        %swap3A_568 = tpu.vector_load %arg6[%swap3A_566, %swap3A_567] {strides = array<i32>} : memref<250x80xi32, #tpu.memory_space<vmem>>, vector<16xi32>,
        tpu.vector_store %arg6[%swap3A_566, %swap3A_567], %add3A_565 {strides = array<i32>} : memref<250x80xi32, #tpu.memory_space<vmem>>, vector<16xi32>,
        %dma_start3A_569 = arith.constant 0 : i32
        %dma_start3A_570 = tpu.memref_slice %arg6[%add3A_471, %dma_start3A_569] : memref<250x80xi32, #tpu.memory_space<vmem>> -> memref<1x80xi32, #tpu.memory_space<vmem>>
        %dma_start3A_571 = tpu.memref_squeeze %dma_start3A_570 : memref<1x80xi32, #tpu.memory_space<vmem>> -> memref<80xi32, #tpu.memory_space<vmem>>
        %dma_start3A_572 = arith.constant 0 : i32
        %dma_start3A_573 = arith.constant 0 : i32
        %dma_start3A_574 = tpu.memref_slice %arg2[%dma_start3A_572, %dma_start3A_573] : memref<20480x64xf32, #tpu.memory_space<hbm>> -> memref<20480x64xf32, #tpu.memory_space<hbm>>
        tpu.enqueue_indirect_dma source(%dma_start3A_574 : memref<20480x64xf32, #tpu.memory_space<hbm>>) target(%arg11 : memref<80x64xf32, #tpu.memory_space<vmem>>) offsets(%dma_start3A_571 : memref<80xi32, #tpu.memory_space<vmem>>) semaphore(%arg19 : memref<!tpu.dma_semaphore, #tpu.memory_space<semaphore_mem>>)
      } else {
      }
      %get3A_477 = arith.index_cast %add3A_463 : i32 to index
      %get3A_478 = arith.constant 0 : index
      %get3A_479 = tpu.vector_load %arg7[%get3A_477, %get3A_478] {strides = array<i32>} : memref<250x80xi32, #tpu.memory_space<vmem>>, vector<16xi32>,
      tpu.vector_store_idx %arg14[%get3A_479], %broadcast_in_dim3A_349 {add = true} : memref<10240xf32, #tpu.memory_space<vmem>>[vector<16xi32>], vector<16xf32>,
      %get3A_480 = arith.index_cast %add3A_463 : i32 to index
      %get3A_481 = arith.constant 16 : index
      %get3A_482 = tpu.vector_load %arg7[%get3A_480, %get3A_481] {strides = array<i32>} : memref<250x80xi32, #tpu.memory_space<vmem>>, vector<16xi32>,
      tpu.vector_store_idx %arg14[%get3A_482], %broadcast_in_dim3A_349 {add = true} : memref<10240xf32, #tpu.memory_space<vmem>>[vector<16xi32>], vector<16xf32>,
      %get3A_483 = arith.index_cast %add3A_463 : i32 to index
      %get3A_484 = arith.constant 32 : index
      %get3A_485 = tpu.vector_load %arg7[%get3A_483, %get3A_484] {strides = array<i32>} : memref<250x80xi32, #tpu.memory_space<vmem>>, vector<16xi32>,
      tpu.vector_store_idx %arg14[%get3A_485], %broadcast_in_dim3A_349 {add = true} : memref<10240xf32, #tpu.memory_space<vmem>>[vector<16xi32>], vector<16xf32>,
      %get3A_486 = arith.index_cast %add3A_463 : i32 to index
      %get3A_487 = arith.constant 48 : index
      %get3A_488 = tpu.vector_load %arg7[%get3A_486, %get3A_487] {strides = array<i32>} : memref<250x80xi32, #tpu.memory_space<vmem>>, vector<16xi32>,
      tpu.vector_store_idx %arg14[%get3A_488], %broadcast_in_dim3A_349 {add = true} : memref<10240xf32, #tpu.memory_space<vmem>>[vector<16xi32>], vector<16xf32>,
      %get3A_489 = arith.index_cast %add3A_463 : i32 to index
      %get3A_490 = arith.constant 64 : index
      %get3A_491 = tpu.vector_load %arg7[%get3A_489, %get3A_490] {strides = array<i32>} : memref<250x80xi32, #tpu.memory_space<vmem>>, vector<16xi32>,
      tpu.vector_store_idx %arg14[%get3A_491], %broadcast_in_dim3A_349 {add = true} : memref<10240xf32, #tpu.memory_space<vmem>>[vector<16xi32>], vector<16xf32>,
      %mul3A_492 = arith.constant 5 : i32
      %mul3A_493 = arith.muli %scan3A_365, %mul3A_492 : i32
      %add3A_494 = arith.constant 4 : i32
      %add3A_495 = arith.addi %mul3A_493, %add3A_494 : i32
      %dma_wait3A_496 = arith.constant 0 : i32
      %dma_wait3A_497 = tpu.memref_slice %arg6[%add3A_495, %dma_wait3A_496] : memref<250x80xi32, #tpu.memory_space<vmem>> -> memref<1x80xi32, #tpu.memory_space<vmem>>
      %dma_wait3A_498 = tpu.memref_squeeze %dma_wait3A_497 : memref<1x80xi32, #tpu.memory_space<vmem>> -> memref<80xi32, #tpu.memory_space<vmem>>
      %dma_wait3A_499 = arith.constant 0 : i32
      %dma_wait3A_500 = arith.constant 0 : i32
      %dma_wait3A_501 = tpu.memref_slice %arg2[%dma_wait3A_499, %dma_wait3A_500] : memref<20480x64xf32, #tpu.memory_space<hbm>> -> memref<20480x64xf32, #tpu.memory_space<hbm>>
      tpu.wait_indirect_dma semaphore(%arg20 : memref<!tpu.dma_semaphore, #tpu.memory_space<semaphore_mem>>) src(%dma_wait3A_501 : memref<20480x64xf32, #tpu.memory_space<hbm>>) dst(%arg12 : memref<80x64xf32, #tpu.memory_space<vmem>>)
      "tpu.region"() ({
        %run_scoped3A_524 = tpu.sem_alloc : memref<!tpu.dma_semaphore, #tpu.memory_space<semaphore_mem>>
        %dma_start3A_525 = arith.constant 0 : i32
        %dma_start3A_526 = tpu.memref_slice %arg7[%add3A_495, %dma_start3A_525] : memref<250x80xi32, #tpu.memory_space<vmem>> -> memref<1x80xi32, #tpu.memory_space<vmem>>
        %dma_start3A_527 = tpu.memref_squeeze %dma_start3A_526 : memref<1x80xi32, #tpu.memory_space<vmem>> -> memref<80xi32, #tpu.memory_space<vmem>>
        %dma_start3A_528 = arith.constant 0 : i32
        %dma_start3A_529 = arith.constant 0 : i32
        %dma_start3A_530 = tpu.memref_slice %arg15[%dma_start3A_528, %dma_start3A_529] : memref<10240x64xf32, #tpu.memory_space<vmem_shared>> -> memref<10240x64xf32, #tpu.memory_space<vmem_shared>>
        tpu.enqueue_indirect_dma source(%arg12 : memref<80x64xf32, #tpu.memory_space<vmem>>) target(%dma_start3A_530 : memref<10240x64xf32, #tpu.memory_space<vmem_shared>>) offsets(%dma_start3A_527 : memref<80xi32, #tpu.memory_space<vmem>>) semaphore(%run_scoped3A_524 : memref<!tpu.dma_semaphore, #tpu.memory_space<semaphore_mem>>) {add = true}
        %dma_wait3A_531 = arith.constant 0 : i32
        %dma_wait3A_532 = tpu.memref_slice %arg7[%add3A_495, %dma_wait3A_531] : memref<250x80xi32, #tpu.memory_space<vmem>> -> memref<1x80xi32, #tpu.memory_space<vmem>>
        %dma_wait3A_533 = tpu.memref_squeeze %dma_wait3A_532 : memref<1x80xi32, #tpu.memory_space<vmem>> -> memref<80xi32, #tpu.memory_space<vmem>>
        %dma_wait3A_534 = arith.constant 0 : i32
        %dma_wait3A_535 = arith.constant 0 : i32
        %dma_wait3A_536 = tpu.memref_slice %arg15[%dma_wait3A_534, %dma_wait3A_535] : memref<10240x64xf32, #tpu.memory_space<vmem_shared>> -> memref<10240x64xf32, #tpu.memory_space<vmem_shared>>
        tpu.wait_indirect_dma semaphore(%run_scoped3A_524 : memref<!tpu.dma_semaphore, #tpu.memory_space<semaphore_mem>>) src(%arg12 : memref<80x64xf32, #tpu.memory_space<vmem>>) dst(%dma_wait3A_536 : memref<10240x64xf32, #tpu.memory_space<vmem_shared>>)
        tpu.yield
      }) : () -> ()
      %add3A_502 = arith.constant 5 : i32
      %add3A_503 = arith.addi %add3A_495, %add3A_502 : i32
      %lt3A_504 = arith.constant 250 : i32
      %lt3A_505 = arith.cmpi slt, %add3A_503, %lt3A_504 : i32
      %convert_element_type3A_506 = arith.extui %lt3A_505 : i1 to i32
      %cond3A_507 = arith.constant 0 : i32
      %cond3A_508 = arith.cmpi ne, %convert_element_type3A_506, %cond3A_507 : i32
      scf.if %cond3A_508 {
        %get3A_524 = arith.index_cast %add3A_503 : i32 to index
        %get3A_525 = arith.constant 0 : index
        %get3A_526 = tpu.vector_load %arg6[%get3A_524, %get3A_525] {strides = array<i32>} : memref<250x80xi32, #tpu.memory_space<vmem>>, vector<16xi32>,
        %add3A_527 = arith.addi %get3A_526, %get3A_526 : vector<16xi32>
        %add3A_528 = vector.broadcast %arg0 : i32 to vector<16xi32>
        %add3A_529 = arith.addi %add3A_527, %add3A_528 : vector<16xi32>
        %swap3A_530 = arith.index_cast %add3A_503 : i32 to index
        %swap3A_531 = arith.constant 0 : index
        %swap3A_532 = tpu.vector_load %arg6[%swap3A_530, %swap3A_531] {strides = array<i32>} : memref<250x80xi32, #tpu.memory_space<vmem>>, vector<16xi32>,
        tpu.vector_store %arg6[%swap3A_530, %swap3A_531], %add3A_529 {strides = array<i32>} : memref<250x80xi32, #tpu.memory_space<vmem>>, vector<16xi32>,
        %get3A_533 = arith.index_cast %add3A_503 : i32 to index
        %get3A_534 = arith.constant 16 : index
        %get3A_535 = tpu.vector_load %arg6[%get3A_533, %get3A_534] {strides = array<i32>} : memref<250x80xi32, #tpu.memory_space<vmem>>, vector<16xi32>,
        %add3A_536 = arith.addi %get3A_535, %get3A_535 : vector<16xi32>
        %add3A_537 = vector.broadcast %arg0 : i32 to vector<16xi32>
        %add3A_538 = arith.addi %add3A_536, %add3A_537 : vector<16xi32>
        %swap3A_539 = arith.index_cast %add3A_503 : i32 to index
        %swap3A_540 = arith.constant 16 : index
        %swap3A_541 = tpu.vector_load %arg6[%swap3A_539, %swap3A_540] {strides = array<i32>} : memref<250x80xi32, #tpu.memory_space<vmem>>, vector<16xi32>,
        tpu.vector_store %arg6[%swap3A_539, %swap3A_540], %add3A_538 {strides = array<i32>} : memref<250x80xi32, #tpu.memory_space<vmem>>, vector<16xi32>,
        %get3A_542 = arith.index_cast %add3A_503 : i32 to index
        %get3A_543 = arith.constant 32 : index
        %get3A_544 = tpu.vector_load %arg6[%get3A_542, %get3A_543] {strides = array<i32>} : memref<250x80xi32, #tpu.memory_space<vmem>>, vector<16xi32>,
        %add3A_545 = arith.addi %get3A_544, %get3A_544 : vector<16xi32>
        %add3A_546 = vector.broadcast %arg0 : i32 to vector<16xi32>
        %add3A_547 = arith.addi %add3A_545, %add3A_546 : vector<16xi32>
        %swap3A_548 = arith.index_cast %add3A_503 : i32 to index
        %swap3A_549 = arith.constant 32 : index
        %swap3A_550 = tpu.vector_load %arg6[%swap3A_548, %swap3A_549] {strides = array<i32>} : memref<250x80xi32, #tpu.memory_space<vmem>>, vector<16xi32>,
        tpu.vector_store %arg6[%swap3A_548, %swap3A_549], %add3A_547 {strides = array<i32>} : memref<250x80xi32, #tpu.memory_space<vmem>>, vector<16xi32>,
        %get3A_551 = arith.index_cast %add3A_503 : i32 to index
        %get3A_552 = arith.constant 48 : index
        %get3A_553 = tpu.vector_load %arg6[%get3A_551, %get3A_552] {strides = array<i32>} : memref<250x80xi32, #tpu.memory_space<vmem>>, vector<16xi32>,
        %add3A_554 = arith.addi %get3A_553, %get3A_553 : vector<16xi32>
        %add3A_555 = vector.broadcast %arg0 : i32 to vector<16xi32>
        %add3A_556 = arith.addi %add3A_554, %add3A_555 : vector<16xi32>
        %swap3A_557 = arith.index_cast %add3A_503 : i32 to index
        %swap3A_558 = arith.constant 48 : index
        %swap3A_559 = tpu.vector_load %arg6[%swap3A_557, %swap3A_558] {strides = array<i32>} : memref<250x80xi32, #tpu.memory_space<vmem>>, vector<16xi32>,
        tpu.vector_store %arg6[%swap3A_557, %swap3A_558], %add3A_556 {strides = array<i32>} : memref<250x80xi32, #tpu.memory_space<vmem>>, vector<16xi32>,
        %get3A_560 = arith.index_cast %add3A_503 : i32 to index
        %get3A_561 = arith.constant 64 : index
        %get3A_562 = tpu.vector_load %arg6[%get3A_560, %get3A_561] {strides = array<i32>} : memref<250x80xi32, #tpu.memory_space<vmem>>, vector<16xi32>,
        %add3A_563 = arith.addi %get3A_562, %get3A_562 : vector<16xi32>
        %add3A_564 = vector.broadcast %arg0 : i32 to vector<16xi32>
        %add3A_565 = arith.addi %add3A_563, %add3A_564 : vector<16xi32>
        %swap3A_566 = arith.index_cast %add3A_503 : i32 to index
        %swap3A_567 = arith.constant 64 : index
        %swap3A_568 = tpu.vector_load %arg6[%swap3A_566, %swap3A_567] {strides = array<i32>} : memref<250x80xi32, #tpu.memory_space<vmem>>, vector<16xi32>,
        tpu.vector_store %arg6[%swap3A_566, %swap3A_567], %add3A_565 {strides = array<i32>} : memref<250x80xi32, #tpu.memory_space<vmem>>, vector<16xi32>,
        %dma_start3A_569 = arith.constant 0 : i32
        %dma_start3A_570 = tpu.memref_slice %arg6[%add3A_503, %dma_start3A_569] : memref<250x80xi32, #tpu.memory_space<vmem>> -> memref<1x80xi32, #tpu.memory_space<vmem>>
        %dma_start3A_571 = tpu.memref_squeeze %dma_start3A_570 : memref<1x80xi32, #tpu.memory_space<vmem>> -> memref<80xi32, #tpu.memory_space<vmem>>
        %dma_start3A_572 = arith.constant 0 : i32
        %dma_start3A_573 = arith.constant 0 : i32
        %dma_start3A_574 = tpu.memref_slice %arg2[%dma_start3A_572, %dma_start3A_573] : memref<20480x64xf32, #tpu.memory_space<hbm>> -> memref<20480x64xf32, #tpu.memory_space<hbm>>
        tpu.enqueue_indirect_dma source(%dma_start3A_574 : memref<20480x64xf32, #tpu.memory_space<hbm>>) target(%arg12 : memref<80x64xf32, #tpu.memory_space<vmem>>) offsets(%dma_start3A_571 : memref<80xi32, #tpu.memory_space<vmem>>) semaphore(%arg20 : memref<!tpu.dma_semaphore, #tpu.memory_space<semaphore_mem>>)
      } else {
      }
      %get3A_509 = arith.index_cast %add3A_495 : i32 to index
      %get3A_510 = arith.constant 0 : index
      %get3A_511 = tpu.vector_load %arg7[%get3A_509, %get3A_510] {strides = array<i32>} : memref<250x80xi32, #tpu.memory_space<vmem>>, vector<16xi32>,
      tpu.vector_store_idx %arg14[%get3A_511], %broadcast_in_dim3A_349 {add = true} : memref<10240xf32, #tpu.memory_space<vmem>>[vector<16xi32>], vector<16xf32>,
      %get3A_512 = arith.index_cast %add3A_495 : i32 to index
      %get3A_513 = arith.constant 16 : index
      %get3A_514 = tpu.vector_load %arg7[%get3A_512, %get3A_513] {strides = array<i32>} : memref<250x80xi32, #tpu.memory_space<vmem>>, vector<16xi32>,
      tpu.vector_store_idx %arg14[%get3A_514], %broadcast_in_dim3A_349 {add = true} : memref<10240xf32, #tpu.memory_space<vmem>>[vector<16xi32>], vector<16xf32>,
      %get3A_515 = arith.index_cast %add3A_495 : i32 to index
      %get3A_516 = arith.constant 32 : index
      %get3A_517 = tpu.vector_load %arg7[%get3A_515, %get3A_516] {strides = array<i32>} : memref<250x80xi32, #tpu.memory_space<vmem>>, vector<16xi32>,
      tpu.vector_store_idx %arg14[%get3A_517], %broadcast_in_dim3A_349 {add = true} : memref<10240xf32, #tpu.memory_space<vmem>>[vector<16xi32>], vector<16xf32>,
      %get3A_518 = arith.index_cast %add3A_495 : i32 to index
      %get3A_519 = arith.constant 48 : index
      %get3A_520 = tpu.vector_load %arg7[%get3A_518, %get3A_519] {strides = array<i32>} : memref<250x80xi32, #tpu.memory_space<vmem>>, vector<16xi32>,
      tpu.vector_store_idx %arg14[%get3A_520], %broadcast_in_dim3A_349 {add = true} : memref<10240xf32, #tpu.memory_space<vmem>>[vector<16xi32>], vector<16xf32>,
      %get3A_521 = arith.index_cast %add3A_495 : i32 to index
      %get3A_522 = arith.constant 64 : index
      %get3A_523 = tpu.vector_load %arg7[%get3A_521, %get3A_522] {strides = array<i32>} : memref<250x80xi32, #tpu.memory_space<vmem>>, vector<16xi32>,
      tpu.vector_store_idx %arg14[%get3A_523], %broadcast_in_dim3A_349 {add = true} : memref<10240xf32, #tpu.memory_space<vmem>>[vector<16xi32>], vector<16xf32>,
    }
    %scan3A_354 = arith.constant 50 : i32
    %eq3A = arith.constant 0 : i32
    %eq3A_355 = arith.cmpi eq, %arg0, %eq3A : i32
    %convert_element_type3A = arith.extui %eq3A_355 : i1 to i32
    %cond3A = arith.constant 0 : i32
    %cond3A_356 = arith.cmpi ne, %convert_element_type3A, %cond3A : i32
    scf.if %cond3A_356 {
      "tpu.region"() ({
        %run_scoped3A_365 = tpu.sem_alloc : memref<!tpu.dma_semaphore, #tpu.memory_space<semaphore_mem>>
        %dma_start3A_366 = arith.constant 0 : i32
        %dma_start3A_367 = tpu.memref_slice %arg5[%arg1, %dma_start3A_366] : memref<16x10240xf32, #tpu.memory_space<hbm>> -> memref<1x10240xf32, #tpu.memory_space<hbm>>
        %dma_start3A_368 = tpu.memref_squeeze %dma_start3A_367 : memref<1x10240xf32, #tpu.memory_space<hbm>> -> memref<10240xf32, #tpu.memory_space<hbm>>
        %dma_start3A_369 = arith.constant 0 : i32
        %dma_start3A_370 = tpu.memref_slice %arg5[%arg1, %dma_start3A_369] : memref<16x10240xf32, #tpu.memory_space<hbm>> -> memref<1x10240xf32, #tpu.memory_space<hbm>>
        %dma_start3A_371 = tpu.memref_squeeze %dma_start3A_370 : memref<1x10240xf32, #tpu.memory_space<hbm>> -> memref<10240xf32, #tpu.memory_space<hbm>>
        tpu.enqueue_dma source(%arg14 : memref<10240xf32, #tpu.memory_space<vmem>>) target(%dma_start3A_371 : memref<10240xf32, #tpu.memory_space<hbm>>) target_semaphore(%run_scoped3A_365 : memref<!tpu.dma_semaphore, #tpu.memory_space<semaphore_mem>>)
        %dma_wait3A = arith.constant 0 : i32
        %dma_wait3A_372 = tpu.memref_slice %arg5[%arg1, %dma_wait3A] : memref<16x10240xf32, #tpu.memory_space<hbm>> -> memref<1x10240xf32, #tpu.memory_space<hbm>>
        %dma_wait3A_373 = tpu.memref_squeeze %dma_wait3A_372 : memref<1x10240xf32, #tpu.memory_space<hbm>> -> memref<10240xf32, #tpu.memory_space<hbm>>
        %dma_wait3A_374 = arith.constant 0 : i32
        %dma_wait3A_375 = tpu.memref_slice %arg5[%arg1, %dma_wait3A_374] : memref<16x10240xf32, #tpu.memory_space<hbm>> -> memref<1x10240xf32, #tpu.memory_space<hbm>>
        %dma_wait3A_376 = tpu.memref_squeeze %dma_wait3A_375 : memref<1x10240xf32, #tpu.memory_space<hbm>> -> memref<10240xf32, #tpu.memory_space<hbm>>
        tpu.wait_dma2 semaphore(%run_scoped3A_365 : memref<!tpu.dma_semaphore, #tpu.memory_space<semaphore_mem>>) src(%arg14 : memref<10240xf32, #tpu.memory_space<vmem>>) dst(%dma_wait3A_376 : memref<10240xf32, #tpu.memory_space<hbm>>)
        tpu.yield
      }) : () -> ()
    } else {
    }
    %barrier3A_357 = arith.constant 0 : index
    tpu.barrier barrier_id(%barrier3A_357)
    %mul3A_358 = arith.constant 640 : i32
    %mul3A_359 = arith.muli %arg1, %mul3A_358 : i32
    %scan3A_360 = arith.constant 0 : i32
    %scan3A_361 = arith.constant 8 : i32
    %scan3A_362 = arith.addi %scan3A_360, %scan3A_361 : i32
    %scan3A_363 = arith.constant 1 : i32
    scf.for %scan3A_365 = %scan3A_360 to %scan3A_362 step %scan3A_363  : i32 {
      %mul3A_366 = arith.constant 80 : i32
      %mul3A_367 = arith.muli %scan3A_365, %mul3A_366 : i32
      %add3A_368 = arith.addi %mul3A_359, %mul3A_367 : i32
      "tpu.region"() ({
        %run_scoped3A_371 = tpu.sem_alloc : memref<!tpu.dma_semaphore, #tpu.memory_space<semaphore_mem>>
        %dma_start3A_372 = arith.constant 0 : i32
        %dma_start3A_373 = tpu.memref_slice %arg15[%add3A_368, %dma_start3A_372] : memref<10240x64xf32, #tpu.memory_space<vmem_shared>> -> memref<80x64xf32, #tpu.memory_space<vmem_shared>>
        %dma_start3A_374 = arith.constant 0 : i32
        %dma_start3A_375 = tpu.memref_slice %arg15[%add3A_368, %dma_start3A_374] : memref<10240x64xf32, #tpu.memory_space<vmem_shared>> -> memref<80x64xf32, #tpu.memory_space<vmem_shared>>
        tpu.enqueue_dma source(%dma_start3A_375 : memref<80x64xf32, #tpu.memory_space<vmem_shared>>) target(%arg8 : memref<80x64xf32, #tpu.memory_space<vmem>>) target_semaphore(%run_scoped3A_371 : memref<!tpu.dma_semaphore, #tpu.memory_space<semaphore_mem>>)
        %dma_wait3A = arith.constant 0 : i32
        %dma_wait3A_376 = tpu.memref_slice %arg15[%add3A_368, %dma_wait3A] : memref<10240x64xf32, #tpu.memory_space<vmem_shared>> -> memref<80x64xf32, #tpu.memory_space<vmem_shared>>
        %dma_wait3A_377 = arith.constant 0 : i32
        %dma_wait3A_378 = tpu.memref_slice %arg15[%add3A_368, %dma_wait3A_377] : memref<10240x64xf32, #tpu.memory_space<vmem_shared>> -> memref<80x64xf32, #tpu.memory_space<vmem_shared>>
        tpu.wait_dma2 semaphore(%run_scoped3A_371 : memref<!tpu.dma_semaphore, #tpu.memory_space<semaphore_mem>>) src(%dma_wait3A_378 : memref<80x64xf32, #tpu.memory_space<vmem_shared>>) dst(%arg8 : memref<80x64xf32, #tpu.memory_space<vmem>>)
        tpu.yield
      }) : () -> ()
      %mul3A_369 = arith.constant 64 : i32
      %mul3A_370 = arith.muli %arg0, %mul3A_369 : i32
      "tpu.region"() ({
        %run_scoped3A_371 = tpu.sem_alloc : memref<!tpu.dma_semaphore, #tpu.memory_space<semaphore_mem>>
        %dma_start3A_372 = tpu.memref_slice %arg4[%add3A_368, %mul3A_370] : memref<10240x128xf32, #tpu.memory_space<hbm>> -> memref<80x64xf32, #tpu.memory_space<hbm>>
        %dma_start3A_373 = tpu.memref_slice %arg4[%add3A_368, %mul3A_370] : memref<10240x128xf32, #tpu.memory_space<hbm>> -> memref<80x64xf32, #tpu.memory_space<hbm>>
        tpu.enqueue_dma source(%arg8 : memref<80x64xf32, #tpu.memory_space<vmem>>) target(%dma_start3A_373 : memref<80x64xf32, #tpu.memory_space<hbm>>) target_semaphore(%run_scoped3A_371 : memref<!tpu.dma_semaphore, #tpu.memory_space<semaphore_mem>>)
        %dma_wait3A = tpu.memref_slice %arg4[%add3A_368, %mul3A_370] : memref<10240x128xf32, #tpu.memory_space<hbm>> -> memref<80x64xf32, #tpu.memory_space<hbm>>
        %dma_wait3A_374 = tpu.memref_slice %arg4[%add3A_368, %mul3A_370] : memref<10240x128xf32, #tpu.memory_space<hbm>> -> memref<80x64xf32, #tpu.memory_space<hbm>>
        tpu.wait_dma2 semaphore(%run_scoped3A_371 : memref<!tpu.dma_semaphore, #tpu.memory_space<semaphore_mem>>) src(%arg8 : memref<80x64xf32, #tpu.memory_space<vmem>>) dst(%dma_wait3A_374 : memref<80x64xf32, #tpu.memory_space<hbm>>)
        tpu.yield
      }) : () -> ()
    }
    %scan3A_364 = arith.constant 8 : i32
    return
  }
}

module attributes {stable_mosaic.version = 14 : i64} {
  func.func @_tc1_body(%arg0: i32, %arg1: memref<2048x128xf32, #tpu.memory_space<vmem>>, %arg2: memref<2048x1xf32, #tpu.memory_space<vmem>>, %arg3: memref<1x64xf32, #tpu.memory_space<vmem>>, %arg4: memref<128x128xf32, #tpu.memory_space<vmem>>, %arg5: memref<64x128xf32, #tpu.memory_space<vmem>>, %arg6: memref<64x128xf32, #tpu.memory_space<vmem>>, %arg7: memref<1x128xf32, #tpu.memory_space<vmem>>, %arg8: memref<2048x128xf32, #tpu.memory_space<vmem>>) attributes {dimension_semantics = [#tpu.dimension_semantics<arbitrary>], iteration_bounds = array<i64: 5>, scalar_prefetch = 0 : i64, scratch_operands = 0 : i64, tpu.core_type = #tpu.core_type<tc>, window_params = [{transform_indices = @transform_0, window_bounds = array<i64: 2048, 128>}, {transform_indices = @transform_1, window_bounds = array<i64: 2048, 1>}, {pipeline_mode = #tpu.pipeline_mode<synchronous>, transform_indices = @transform_2, window_bounds = array<i64: 1, 64>}, {pipeline_mode = #tpu.pipeline_mode<synchronous>, transform_indices = @transform_3, window_bounds = array<i64: 128, 128>}, {pipeline_mode = #tpu.pipeline_mode<synchronous>, transform_indices = @transform_4, window_bounds = array<i64: 64, 128>}, {pipeline_mode = #tpu.pipeline_mode<synchronous>, transform_indices = @transform_5, window_bounds = array<i64: 64, 128>}, {pipeline_mode = #tpu.pipeline_mode<synchronous>, transform_indices = @transform_6, window_bounds = array<i64: 1, 128>}, {transform_indices = @transform_7, window_bounds = array<i64: 2048, 128>}]} {
    %get3A = arith.constant 0 : index
    %get3A_0 = arith.constant 0 : index
    %get3A_1 = vector.load %arg2[%get3A, %get3A_0] : memref<2048x1xf32, #tpu.memory_space<vmem>>, vector<2048x1xf32>
    %get3A_2 = arith.constant 0 : index
    %get3A_3 = arith.constant 0 : index
    %get3A_4 = vector.load %arg3[%get3A_2, %get3A_3] : memref<1x64xf32, #tpu.memory_space<vmem>>, vector<1x64xf32>
    %mul3A = vector.broadcast %get3A_1 : vector<2048x1xf32> to vector<2048x64xf32>
    %mul3A_5 = vector.broadcast %get3A_4 : vector<1x64xf32> to vector<2048x64xf32>
    %mul3A_6 = arith.mulf %mul3A, %mul3A_5 : vector<2048x64xf32>
    %mul3A_7 = arith.constant 0.636619746 : f32
    %mul3A_8 = vector.broadcast %mul3A_7 : f32 to vector<2048x64xf32>
    %mul3A_9 = arith.mulf %mul3A_6, %mul3A_8 : vector<2048x64xf32>
    %add3A = arith.constant 5.000000e-01 : f32
    %add3A_10 = vector.broadcast %add3A : f32 to vector<2048x64xf32>
    %add3A_11 = arith.addf %mul3A_9, %add3A_10 : vector<2048x64xf32>
    %floor3A = math.floor %add3A_11 : vector<2048x64xf32>
    %convert_element_type3A = arith.fptosi %floor3A : vector<2048x64xf32> to vector<2048x64xi32>
    %mul3A_12 = arith.constant 1.57080078 : f32
    %mul3A_13 = vector.broadcast %mul3A_12 : f32 to vector<2048x64xf32>
    %mul3A_14 = arith.mulf %floor3A, %mul3A_13 : vector<2048x64xf32>
    %sub3A = arith.subf %mul3A_6, %mul3A_14 : vector<2048x64xf32>
    %mul3A_15 = arith.constant -4.45445494E-6 : f32
    %mul3A_16 = vector.broadcast %mul3A_15 : f32 to vector<2048x64xf32>
    %mul3A_17 = arith.mulf %floor3A, %mul3A_16 : vector<2048x64xf32>
    %sub3A_18 = arith.subf %sub3A, %mul3A_17 : vector<2048x64xf32>
    %mul3A_19 = arith.mulf %sub3A_18, %sub3A_18 : vector<2048x64xf32>
    %mul3A_20 = arith.constant -1.98412701E-4 : f32
    %mul3A_21 = vector.broadcast %mul3A_20 : f32 to vector<2048x64xf32>
    %mul3A_22 = arith.mulf %mul3A_19, %mul3A_21 : vector<2048x64xf32>
    %add3A_23 = arith.constant 0.00833333377 : f32
    %add3A_24 = vector.broadcast %add3A_23 : f32 to vector<2048x64xf32>
    %add3A_25 = arith.addf %add3A_24, %mul3A_22 : vector<2048x64xf32>
    %mul3A_26 = arith.mulf %mul3A_19, %add3A_25 : vector<2048x64xf32>
    %add3A_27 = arith.constant -0.166666672 : f32
    %add3A_28 = vector.broadcast %add3A_27 : f32 to vector<2048x64xf32>
    %add3A_29 = arith.addf %add3A_28, %mul3A_26 : vector<2048x64xf32>
    %mul3A_30 = arith.mulf %mul3A_19, %add3A_29 : vector<2048x64xf32>
    %add3A_31 = arith.constant 1.000000e+00 : f32
    %add3A_32 = vector.broadcast %add3A_31 : f32 to vector<2048x64xf32>
    %add3A_33 = arith.addf %add3A_32, %mul3A_30 : vector<2048x64xf32>
    %mul3A_34 = arith.mulf %sub3A_18, %add3A_33 : vector<2048x64xf32>
    %mul3A_35 = arith.constant 2.48015876E-5 : f32
    %mul3A_36 = vector.broadcast %mul3A_35 : f32 to vector<2048x64xf32>
    %mul3A_37 = arith.mulf %mul3A_19, %mul3A_36 : vector<2048x64xf32>
    %add3A_38 = arith.constant -0.00138888892 : f32
    %add3A_39 = vector.broadcast %add3A_38 : f32 to vector<2048x64xf32>
    %add3A_40 = arith.addf %add3A_39, %mul3A_37 : vector<2048x64xf32>
    %mul3A_41 = arith.mulf %mul3A_19, %add3A_40 : vector<2048x64xf32>
    %add3A_42 = arith.constant 0.0416666679 : f32
    %add3A_43 = vector.broadcast %add3A_42 : f32 to vector<2048x64xf32>
    %add3A_44 = arith.addf %add3A_43, %mul3A_41 : vector<2048x64xf32>
    %mul3A_45 = arith.mulf %mul3A_19, %add3A_44 : vector<2048x64xf32>
    %add3A_46 = arith.constant -5.000000e-01 : f32
    %add3A_47 = vector.broadcast %add3A_46 : f32 to vector<2048x64xf32>
    %add3A_48 = arith.addf %add3A_47, %mul3A_45 : vector<2048x64xf32>
    %mul3A_49 = arith.mulf %mul3A_19, %add3A_48 : vector<2048x64xf32>
    %add3A_50 = arith.constant 1.000000e+00 : f32
    %add3A_51 = vector.broadcast %add3A_50 : f32 to vector<2048x64xf32>
    %add3A_52 = arith.addf %add3A_51, %mul3A_49 : vector<2048x64xf32>
    %and3A = arith.constant 1 : i32
    %and3A_53 = vector.broadcast %and3A : i32 to vector<2048x64xi32>
    %and3A_54 = arith.andi %convert_element_type3A, %and3A_53 : vector<2048x64xi32>
    %ne3A = arith.constant 0 : i32
    %ne3A_55 = vector.broadcast %ne3A : i32 to vector<2048x64xi32>
    %ne3A_56 = arith.cmpi ne, %and3A_54, %ne3A_55 : vector<2048x64xi32>
    %and3A_57 = arith.constant 2 : i32
    %and3A_58 = vector.broadcast %and3A_57 : i32 to vector<2048x64xi32>
    %and3A_59 = arith.andi %convert_element_type3A, %and3A_58 : vector<2048x64xi32>
    %ne3A_60 = arith.constant 0 : i32
    %ne3A_61 = vector.broadcast %ne3A_60 : i32 to vector<2048x64xi32>
    %ne3A_62 = arith.cmpi ne, %and3A_59, %ne3A_61 : vector<2048x64xi32>
    %add3A_63 = arith.constant 1 : i32
    %add3A_64 = vector.broadcast %add3A_63 : i32 to vector<2048x64xi32>
    %add3A_65 = arith.addi %convert_element_type3A, %add3A_64 : vector<2048x64xi32>
    %and3A_66 = arith.constant 2 : i32
    %and3A_67 = vector.broadcast %and3A_66 : i32 to vector<2048x64xi32>
    %and3A_68 = arith.andi %add3A_65, %and3A_67 : vector<2048x64xi32>
    %ne3A_69 = arith.constant 0 : i32
    %ne3A_70 = vector.broadcast %ne3A_69 : i32 to vector<2048x64xi32>
    %ne3A_71 = arith.cmpi ne, %and3A_68, %ne3A_70 : vector<2048x64xi32>
    %select_n3A = arith.select %ne3A_56, %add3A_52, %mul3A_34 : vector<2048x64xi1>, vector<2048x64xf32>
    %select_n3A_72 = arith.select %ne3A_56, %mul3A_34, %add3A_52 : vector<2048x64xi1>, vector<2048x64xf32>
    %neg3A = arith.constant 0.000000e+00 : f32
    %neg3A_73 = vector.broadcast %neg3A : f32 to vector<2048x64xf32>
    %neg3A_74 = arith.subf %neg3A_73, %select_n3A : vector<2048x64xf32>
    %select_n3A_75 = arith.select %ne3A_62, %neg3A_74, %select_n3A : vector<2048x64xi1>, vector<2048x64xf32>
    %neg3A_76 = arith.constant 0.000000e+00 : f32
    %neg3A_77 = vector.broadcast %neg3A_76 : f32 to vector<2048x64xf32>
    %neg3A_78 = arith.subf %neg3A_77, %select_n3A_72 : vector<2048x64xf32>
    %select_n3A_79 = arith.select %ne3A_71, %neg3A_78, %select_n3A_72 : vector<2048x64xi1>, vector<2048x64xf32>
    %get3A_80 = arith.constant 0 : index
    %get3A_81 = arith.constant 0 : index
    %get3A_82 = vector.load %arg1[%get3A_80, %get3A_81] : memref<2048x128xf32, #tpu.memory_space<vmem>>, vector<2048x128xf32>
    %get3A_83 = arith.constant 0 : index
    %get3A_84 = arith.constant 0 : index
    %get3A_85 = vector.load %arg4[%get3A_83, %get3A_84] : memref<128x128xf32, #tpu.memory_space<vmem>>, vector<128x128xf32>
    %dot_general3A = arith.constant dense<0.000000e+00> : vector<2048x128xf32>
    %dot_general3A_86 = tpu.matmul %get3A_82, %get3A_85, %dot_general3A {dimension_numbers = #tpu.dot_dimension_numbers<[1], [0], [0], [1], [0, 0, 1, 1], [], []>, transpose_lhs_hint = false} : vector<2048x128xf32>, vector<128x128xf32>, vector<2048x128xf32> -> vector<2048x128xf32>
    %get3A_87 = arith.constant 0 : index
    %get3A_88 = arith.constant 0 : index
    %get3A_89 = vector.load %arg5[%get3A_87, %get3A_88] : memref<64x128xf32, #tpu.memory_space<vmem>>, vector<64x128xf32>
    %dot_general3A_90 = arith.constant dense<0.000000e+00> : vector<2048x128xf32>
    %dot_general3A_91 = tpu.matmul %select_n3A_75, %get3A_89, %dot_general3A_90 {dimension_numbers = #tpu.dot_dimension_numbers<[1], [0], [0], [1], [0, 0, 1, 1], [], []>, transpose_lhs_hint = false} : vector<2048x64xf32>, vector<64x128xf32>, vector<2048x128xf32> -> vector<2048x128xf32>
    %add3A_92 = arith.addf %dot_general3A_86, %dot_general3A_91 : vector<2048x128xf32>
    %get3A_93 = arith.constant 0 : index
    %get3A_94 = arith.constant 0 : index
    %get3A_95 = vector.load %arg6[%get3A_93, %get3A_94] : memref<64x128xf32, #tpu.memory_space<vmem>>, vector<64x128xf32>
    %dot_general3A_96 = arith.constant dense<0.000000e+00> : vector<2048x128xf32>
    %dot_general3A_97 = tpu.matmul %select_n3A_79, %get3A_95, %dot_general3A_96 {dimension_numbers = #tpu.dot_dimension_numbers<[1], [0], [0], [1], [0, 0, 1, 1], [], []>, transpose_lhs_hint = false} : vector<2048x64xf32>, vector<64x128xf32>, vector<2048x128xf32> -> vector<2048x128xf32>
    %add3A_98 = arith.addf %add3A_92, %dot_general3A_97 : vector<2048x128xf32>
    %get3A_99 = arith.constant 0 : index
    %get3A_100 = arith.constant 0 : index
    %get3A_101 = vector.load %arg7[%get3A_99, %get3A_100] : memref<1x128xf32, #tpu.memory_space<vmem>>, vector<1x128xf32>
    %add3A_102 = vector.broadcast %get3A_101 : vector<1x128xf32> to vector<2048x128xf32>
    %add3A_103 = arith.addf %add3A_98, %add3A_102 : vector<2048x128xf32>
    %swap3A = arith.constant 0 : index
    %swap3A_104 = arith.constant 0 : index
    %swap3A_105 = vector.load %arg8[%swap3A, %swap3A_104] : memref<2048x128xf32, #tpu.memory_space<vmem>>, vector<2048x128xf32>
    tpu.vector_store %arg8[%swap3A, %swap3A_104], %add3A_103 {strides = array<i32>} : memref<2048x128xf32, #tpu.memory_space<vmem>>, vector<2048x128xf32>,
    return
  }
  func.func @transform_0(%arg0: i32) -> (i32, i32) {
    %c0_i32 = arith.constant 0 : i32
    %c0_i32_0 = arith.constant 0 : i32
    return %arg0, %c0_i32 : i32, i32
  }
  func.func @transform_1(%arg0: i32) -> (i32, i32) {
    %c0_i32 = arith.constant 0 : i32
    %c0_i32_0 = arith.constant 0 : i32
    return %arg0, %c0_i32 : i32, i32
  }
  func.func @transform_2(%arg0: i32) -> (i32, i32) {
    %c0_i32 = arith.constant 0 : i32
    %c0_i32_0 = arith.constant 0 : i32
    %c0_i32_1 = arith.constant 0 : i32
    return %c0_i32, %c0_i32_0 : i32, i32
  }
  func.func @transform_3(%arg0: i32) -> (i32, i32) {
    %c0_i32 = arith.constant 0 : i32
    %c0_i32_0 = arith.constant 0 : i32
    %c0_i32_1 = arith.constant 0 : i32
    return %c0_i32, %c0_i32_0 : i32, i32
  }
  func.func @transform_4(%arg0: i32) -> (i32, i32) {
    %c0_i32 = arith.constant 0 : i32
    %c0_i32_0 = arith.constant 0 : i32
    %c0_i32_1 = arith.constant 0 : i32
    return %c0_i32, %c0_i32_0 : i32, i32
  }
  func.func @transform_5(%arg0: i32) -> (i32, i32) {
    %c0_i32 = arith.constant 0 : i32
    %c0_i32_0 = arith.constant 0 : i32
    %c0_i32_1 = arith.constant 0 : i32
    return %c0_i32, %c0_i32_0 : i32, i32
  }
  func.func @transform_6(%arg0: i32) -> (i32, i32) {
    %c0_i32 = arith.constant 0 : i32
    %c0_i32_0 = arith.constant 0 : i32
    %c0_i32_1 = arith.constant 0 : i32
    return %c0_i32, %c0_i32_0 : i32, i32
  }
  func.func @transform_7(%arg0: i32) -> (i32, i32) {
    %c0_i32 = arith.constant 0 : i32
    %c0_i32_0 = arith.constant 0 : i32
    return %arg0, %c0_i32 : i32, i32
  }
}

module attributes {stable_mosaic.version = 14 : i64} {
  func.func @_tc3_body(%arg0: i32, %arg1: memref<2048x128xf32, #tpu.memory_space<vmem>>, %arg2: memref<2048x128xf32, #tpu.memory_space<vmem>>, %arg3: memref<16x2048xf32, #tpu.memory_space<vmem>>, %arg4: memref<128x128xf32, #tpu.memory_space<vmem>>, %arg5: memref<128x128xf32, #tpu.memory_space<vmem>>, %arg6: memref<1x128xf32, #tpu.memory_space<vmem>>, %arg7: memref<128x128xf32, #tpu.memory_space<vmem>>, %arg8: memref<128x128xf32, #tpu.memory_space<vmem>>, %arg9: memref<128x1xf32, #tpu.memory_space<vmem>>, %arg10: memref<1x128xf32, #tpu.memory_space<vmem>>, %arg11: memref<1x1xf32, #tpu.memory_space<vmem>>, %arg12: memref<2048x2xf32, #tpu.memory_space<vmem>>, %arg13: memref<2048x1xf32, #tpu.memory_space<vmem>>) attributes {dimension_semantics = [#tpu.dimension_semantics<arbitrary>], iteration_bounds = array<i64: 5>, scalar_prefetch = 0 : i64, scratch_operands = 0 : i64, tpu.core_type = #tpu.core_type<tc>, window_params = [{transform_indices = @transform_0, window_bounds = array<i64: 2048, 128>}, {transform_indices = @transform_1, window_bounds = array<i64: 2048, 128>}, {transform_indices = @transform_2, window_bounds = array<i64: 16, 2048>}, {pipeline_mode = #tpu.pipeline_mode<synchronous>, transform_indices = @transform_3, window_bounds = array<i64: 128, 128>}, {pipeline_mode = #tpu.pipeline_mode<synchronous>, transform_indices = @transform_4, window_bounds = array<i64: 128, 128>}, {pipeline_mode = #tpu.pipeline_mode<synchronous>, transform_indices = @transform_5, window_bounds = array<i64: 1, 128>}, {pipeline_mode = #tpu.pipeline_mode<synchronous>, transform_indices = @transform_6, window_bounds = array<i64: 128, 128>}, {pipeline_mode = #tpu.pipeline_mode<synchronous>, transform_indices = @transform_7, window_bounds = array<i64: 128, 128>}, {pipeline_mode = #tpu.pipeline_mode<synchronous>, transform_indices = @transform_8, window_bounds = array<i64: 128, 1>}, {pipeline_mode = #tpu.pipeline_mode<synchronous>, transform_indices = @transform_9, window_bounds = array<i64: 1, 128>}, {pipeline_mode = #tpu.pipeline_mode<synchronous>, transform_indices = @transform_10, window_bounds = array<i64: 1, 1>}, {transform_indices = @transform_11, window_bounds = array<i64: 2048, 2>}, {transform_indices = @transform_12, window_bounds = array<i64: 2048, 1>}]} {
    %broadcast_in_dim3A = arith.constant 1.000000e+00 : f32
    %broadcast_in_dim3A_0 = vector.broadcast %broadcast_in_dim3A : f32 to vector<16x1xf32>
    %get3A = arith.constant 0 : index
    %get3A_1 = arith.constant 0 : index
    %get3A_2 = vector.load %arg3[%get3A, %get3A_1] : memref<16x2048xf32, #tpu.memory_space<vmem>>, vector<16x2048xf32>
    %dot_general3A = arith.constant dense<0.000000e+00> : vector<2048x1xf32>
    %dot_general3A_3 = tpu.matmul %get3A_2, %broadcast_in_dim3A_0, %dot_general3A {dimension_numbers = #tpu.dot_dimension_numbers<[0], [0], [1], [1], [0, 1, 1, 1], [], []>, transpose_lhs_hint = false} : vector<16x2048xf32>, vector<16x1xf32>, vector<2048x1xf32> -> vector<2048x1xf32>
    %max3A = arith.constant 1.000000e+00 : f32
    %max3A_4 = vector.broadcast %max3A : f32 to vector<2048x1xf32>
    %max3A_5 = arith.maximumf %dot_general3A_3, %max3A_4 : vector<2048x1xf32>
    %div3A = arith.constant 1.000000e+00 : f32
    %div3A_6 = vector.broadcast %div3A : f32 to vector<2048x1xf32>
    %div3A_7 = arith.divf %div3A_6, %max3A_5 : vector<2048x1xf32>
    %swap3A = arith.constant 0 : index
    %swap3A_8 = arith.constant 0 : index
    %swap3A_9 = vector.load %arg13[%swap3A, %swap3A_8] : memref<2048x1xf32, #tpu.memory_space<vmem>>, vector<2048x1xf32>
    tpu.vector_store %arg13[%swap3A, %swap3A_8], %div3A_7 {strides = array<i32>} : memref<2048x1xf32, #tpu.memory_space<vmem>>, vector<2048x1xf32>,
    %get3A_10 = arith.constant 0 : index
    %get3A_11 = arith.constant 0 : index
    %get3A_12 = vector.load %arg2[%get3A_10, %get3A_11] : memref<2048x128xf32, #tpu.memory_space<vmem>>, vector<2048x128xf32>
    %get3A_13 = arith.constant 0 : index
    %get3A_14 = arith.constant 0 : index
    %get3A_15 = vector.load %arg1[%get3A_13, %get3A_14] : memref<2048x128xf32, #tpu.memory_space<vmem>>, vector<2048x128xf32>
    %get3A_16 = arith.constant 0 : index
    %get3A_17 = arith.constant 0 : index
    %get3A_18 = vector.load %arg4[%get3A_16, %get3A_17] : memref<128x128xf32, #tpu.memory_space<vmem>>, vector<128x128xf32>
    %dot_general3A_19 = arith.constant dense<0.000000e+00> : vector<2048x128xf32>
    %dot_general3A_20 = tpu.matmul %get3A_15, %get3A_18, %dot_general3A_19 {dimension_numbers = #tpu.dot_dimension_numbers<[1], [0], [0], [1], [0, 0, 1, 1], [], []>, transpose_lhs_hint = false} : vector<2048x128xf32>, vector<128x128xf32>, vector<2048x128xf32> -> vector<2048x128xf32>
    %get3A_21 = arith.constant 0 : index
    %get3A_22 = arith.constant 0 : index
    %get3A_23 = vector.load %arg5[%get3A_21, %get3A_22] : memref<128x128xf32, #tpu.memory_space<vmem>>, vector<128x128xf32>
    %dot_general3A_24 = arith.constant dense<0.000000e+00> : vector<2048x128xf32>
    %dot_general3A_25 = tpu.matmul %get3A_12, %get3A_23, %dot_general3A_24 {dimension_numbers = #tpu.dot_dimension_numbers<[1], [0], [0], [1], [0, 0, 1, 1], [], []>, transpose_lhs_hint = false} : vector<2048x128xf32>, vector<128x128xf32>, vector<2048x128xf32> -> vector<2048x128xf32>
    %mul3A = vector.broadcast %div3A_7 : vector<2048x1xf32> to vector<2048x128xf32>
    %mul3A_26 = arith.mulf %dot_general3A_25, %mul3A : vector<2048x128xf32>
    %add3A = arith.addf %dot_general3A_20, %mul3A_26 : vector<2048x128xf32>
    %get3A_27 = arith.constant 0 : index
    %get3A_28 = arith.constant 0 : index
    %get3A_29 = vector.load %arg6[%get3A_27, %get3A_28] : memref<1x128xf32, #tpu.memory_space<vmem>>, vector<1x128xf32>
    %add3A_30 = vector.broadcast %get3A_29 : vector<1x128xf32> to vector<2048x128xf32>
    %add3A_31 = arith.addf %add3A, %add3A_30 : vector<2048x128xf32>
    %max3A_32 = arith.constant 0.000000e+00 : f32
    %max3A_33 = vector.broadcast %max3A_32 : f32 to vector<2048x128xf32>
    %max3A_34 = arith.maximumf %add3A_31, %max3A_33 : vector<2048x128xf32>
    %get3A_35 = arith.constant 0 : index
    %get3A_36 = arith.constant 0 : index
    %get3A_37 = vector.load %arg9[%get3A_35, %get3A_36] : memref<128x1xf32, #tpu.memory_space<vmem>>, vector<128x1xf32>
    %get3A_38 = arith.constant 0 : index
    %get3A_39 = arith.constant 0 : index
    %get3A_40 = vector.load %arg8[%get3A_38, %get3A_39] : memref<128x128xf32, #tpu.memory_space<vmem>>, vector<128x128xf32>
    %dot_general3A_41 = arith.constant dense<0.000000e+00> : vector<128x1xf32>
    %dot_general3A_42 = tpu.matmul %get3A_40, %get3A_37, %dot_general3A_41 {dimension_numbers = #tpu.dot_dimension_numbers<[1], [0], [0], [1], [0, 0, 1, 1], [], []>, transpose_lhs_hint = false} : vector<128x128xf32>, vector<128x1xf32>, vector<128x1xf32> -> vector<128x1xf32>
    %get3A_43 = arith.constant 0 : index
    %get3A_44 = arith.constant 0 : index
    %get3A_45 = vector.load %arg7[%get3A_43, %get3A_44] : memref<128x128xf32, #tpu.memory_space<vmem>>, vector<128x128xf32>
    %dot_general3A_46 = arith.constant dense<0.000000e+00> : vector<128x1xf32>
    %dot_general3A_47 = tpu.matmul %get3A_45, %get3A_37, %dot_general3A_46 {dimension_numbers = #tpu.dot_dimension_numbers<[1], [0], [0], [1], [0, 0, 1, 1], [], []>, transpose_lhs_hint = false} : vector<128x128xf32>, vector<128x1xf32>, vector<128x1xf32> -> vector<128x1xf32>
    %concatenate3A = tpu.concatenate %dot_general3A_42, %dot_general3A_47 in 1 : vector<128x1xf32>, vector<128x1xf32> -> vector<128x2xf32>
    %get3A_48 = arith.constant 0 : index
    %get3A_49 = arith.constant 0 : index
    %get3A_50 = vector.load %arg10[%get3A_48, %get3A_49] : memref<1x128xf32, #tpu.memory_space<vmem>>, vector<1x128xf32>
    %dot_general3A_51 = arith.constant dense<0.000000e+00> : vector<1x1xf32>
    %dot_general3A_52 = tpu.matmul %get3A_50, %get3A_37, %dot_general3A_51 {dimension_numbers = #tpu.dot_dimension_numbers<[1], [0], [0], [1], [0, 0, 1, 1], [], []>, transpose_lhs_hint = false} : vector<1x128xf32>, vector<128x1xf32>, vector<1x1xf32> -> vector<1x1xf32>
    %get3A_53 = arith.constant 0 : index
    %get3A_54 = arith.constant 0 : index
    %get3A_55 = vector.load %arg11[%get3A_53, %get3A_54] : memref<1x1xf32, #tpu.memory_space<vmem>>, vector<1x1xf32>
    %add3A_56 = arith.addf %dot_general3A_52, %get3A_55 : vector<1x1xf32>
    %broadcast_in_dim3A_57 = arith.constant 0.000000e+00 : f32
    %broadcast_in_dim3A_58 = vector.broadcast %broadcast_in_dim3A_57 : f32 to vector<1x1xf32>
    %concatenate3A_59 = tpu.concatenate %broadcast_in_dim3A_58, %add3A_56 in 1 : vector<1x1xf32>, vector<1x1xf32> -> vector<1x2xf32>
    %dot_general3A_60 = arith.constant dense<0.000000e+00> : vector<2048x2xf32>
    %dot_general3A_61 = tpu.matmul %max3A_34, %concatenate3A, %dot_general3A_60 {dimension_numbers = #tpu.dot_dimension_numbers<[1], [0], [0], [1], [0, 0, 1, 1], [], []>, transpose_lhs_hint = false} : vector<2048x128xf32>, vector<128x2xf32>, vector<2048x2xf32> -> vector<2048x2xf32>
    %add3A_62 = vector.broadcast %concatenate3A_59 : vector<1x2xf32> to vector<2048x2xf32>
    %add3A_63 = arith.addf %dot_general3A_61, %add3A_62 : vector<2048x2xf32>
    %swap3A_64 = arith.constant 0 : index
    %swap3A_65 = arith.constant 0 : index
    %swap3A_66 = vector.load %arg12[%swap3A_64, %swap3A_65] : memref<2048x2xf32, #tpu.memory_space<vmem>>, vector<2048x2xf32>
    tpu.vector_store %arg12[%swap3A_64, %swap3A_65], %add3A_63 {strides = array<i32>} : memref<2048x2xf32, #tpu.memory_space<vmem>>, vector<2048x2xf32>,
    return
  }
  func.func @transform_0(%arg0: i32) -> (i32, i32) {
    %c0_i32 = arith.constant 0 : i32
    %c0_i32_0 = arith.constant 0 : i32
    return %arg0, %c0_i32 : i32, i32
  }
  func.func @transform_1(%arg0: i32) -> (i32, i32) {
    %c0_i32 = arith.constant 0 : i32
    %c0_i32_0 = arith.constant 0 : i32
    return %arg0, %c0_i32 : i32, i32
  }
  func.func @transform_2(%arg0: i32) -> (i32, i32) {
    %c0_i32 = arith.constant 0 : i32
    %c0_i32_0 = arith.constant 0 : i32
    return %c0_i32, %arg0 : i32, i32
  }
  func.func @transform_3(%arg0: i32) -> (i32, i32) {
    %c0_i32 = arith.constant 0 : i32
    %c0_i32_0 = arith.constant 0 : i32
    %c0_i32_1 = arith.constant 0 : i32
    return %c0_i32, %c0_i32_0 : i32, i32
  }
  func.func @transform_4(%arg0: i32) -> (i32, i32) {
    %c0_i32 = arith.constant 0 : i32
    %c0_i32_0 = arith.constant 0 : i32
    %c0_i32_1 = arith.constant 0 : i32
    return %c0_i32, %c0_i32_0 : i32, i32
  }
  func.func @transform_5(%arg0: i32) -> (i32, i32) {
    %c0_i32 = arith.constant 0 : i32
    %c0_i32_0 = arith.constant 0 : i32
    %c0_i32_1 = arith.constant 0 : i32
    return %c0_i32, %c0_i32_0 : i32, i32
  }
  func.func @transform_6(%arg0: i32) -> (i32, i32) {
    %c0_i32 = arith.constant 0 : i32
    %c0_i32_0 = arith.constant 0 : i32
    %c0_i32_1 = arith.constant 0 : i32
    return %c0_i32, %c0_i32_0 : i32, i32
  }
  func.func @transform_7(%arg0: i32) -> (i32, i32) {
    %c0_i32 = arith.constant 0 : i32
    %c0_i32_0 = arith.constant 0 : i32
    %c0_i32_1 = arith.constant 0 : i32
    return %c0_i32, %c0_i32_0 : i32, i32
  }
  func.func @transform_8(%arg0: i32) -> (i32, i32) {
    %c0_i32 = arith.constant 0 : i32
    %c0_i32_0 = arith.constant 0 : i32
    %c0_i32_1 = arith.constant 0 : i32
    return %c0_i32, %c0_i32_0 : i32, i32
  }
  func.func @transform_9(%arg0: i32) -> (i32, i32) {
    %c0_i32 = arith.constant 0 : i32
    %c0_i32_0 = arith.constant 0 : i32
    %c0_i32_1 = arith.constant 0 : i32
    return %c0_i32, %c0_i32_0 : i32, i32
  }
  func.func @transform_10(%arg0: i32) -> (i32, i32) {
    %c0_i32 = arith.constant 0 : i32
    %c0_i32_0 = arith.constant 0 : i32
    %c0_i32_1 = arith.constant 0 : i32
    return %c0_i32, %c0_i32_0 : i32, i32
  }
  func.func @transform_11(%arg0: i32) -> (i32, i32) {
    %c0_i32 = arith.constant 0 : i32
    %c0_i32_0 = arith.constant 0 : i32
    return %arg0, %c0_i32 : i32, i32
  }
  func.func @transform_12(%arg0: i32) -> (i32, i32) {
    %c0_i32 = arith.constant 0 : i32
    %c0_i32_0 = arith.constant 0 : i32
    return %arg0, %c0_i32 : i32, i32
  }
}

</mosaic_0001>

<sc_bundles>
// kernel: kernel.10.cloned.1.call-start
scs
__scs_entry_jumppad:
0x0: {  	(pc) =	sbr.rel $0x88, $3  }
0x1: {  	(tag) =	ssettag $0x0;
	lr =	simm.s32 $0x1  }
0x2: {  	[smem:$0x3F90] =	sst lr;
	_ =	strace $0xD0000000  }
0x3: {  	_ = 	snop  }
0x4: {  	_ = 	snop  }
0x5: {  	_ = 	snop  }
0x6: {  	_ = 	snop  }
0x7: {  	_ = 	snop  }
__scs_overlays_trampoline_lowered:
0x8: {  	[smem:$0x3F9F] =	sst s0  }
0x9: {  	[smem:$0x3FA0] =	sst s1  }
0xa: {  	[smem:$0x3FA1] =	sst s2  }
0xb: {  	[smem:$0x3FA2] =	sst s3  }
0xc: {  	[smem:$0x3FA3] =	sst s4  }
0xd: {  	[smem:$0x3FA4] =	sst s5  }
0xe: {  	[smem:$0x3FA5] =	sst s6  }
0xf: {  	[smem:$0x3FA6] =	sst s7  }
0x10: {  	[smem:$0x3FA7] =	sst s8  }
0x11: {  	[smem:$0x3FA8] =	sst s9;
	s0 =	simm.s32 @!p0 $0x0  }
0x12: {  	s1 =	sld [smem:$0x3F8E];
	s0 =	simm.s32 @p0 $0x1  }
0x13: {  	[smem:$0x3FA9] =	sst s0;
	s0 =	simm.s32 @!p1 $0x0  }
0x14: {  	s2 =	sld [smem:$0x3F8D];
	s0 =	simm.s32 @p1 $0x1  }
0x15: {  	[smem:$0x3FAA] =	sst s0;
	s0 =	simm.s32 @!p2 $0x0  }
0x16: {  	s3 =	sld [smem:$0x3FDB];
	s0 =	simm.s32 @p2 $0x1  }
0x17: {  	s4 =	simm.s32 $0x1BF5;
	[smem:$0x3FAC] =	sst s0  }
0x18: {  	s0 =	sld [smem:$0x3F8F];
	_ =	swait.ge [sflag:s4], $0x0  }
0x19: {  	s7 =	sld [smem:$0x3F90]  }
0x1a: {  	s8 =	sadd.s32 $0xFFFFE003, lr  }
0x1b: {  	s9 =	sadd.s32 $0xFFFFFEF7, lr;
	s5 =	simm.s32 $0xFFFFFFFF;
	p2 =	slt.u32 s8, $0xFFFFF086  }
0x1c: {  	p1 =	slt.u32 s9, $0xF7A;
	s5 =	simm.s32 @!p2 $0x0  }
0x1d: {  	s5 =	simm.s32 @p1 $0x1;
	p0 =	seq.s32 s7, s2  }
0x1e: {  	s7 =	smul.u32 @!p0 $0xF7A, s2;
	p2 =	seq.s32 @!p0 s5, $0x0  }
0x1f: {  	s9 =	smul.u32 $0xF7A, s1;
	s8 =	simm.s32 @!p0 $0x1BF5;
	p2 =	por !p2, p0  }
0x20: {  	[sflag:s8] =	ssyncset.s32 @!p0 $0xFFFFF086;
	s6 =	sadd.s32 @!p0 s3, s7;
	s7 =	simm.s32 @!p0 $0x108  }
0x21: {  	s3 =	sadd.s32 s3, s9;
	s6 =	sadd.s32 @!p0 $0x88, s6;
	s7 =	simm.s32 @p2 $0x1082  }
0x22: {  	[simem:s7], [sflag:s8] =	dma.local @!p0 [hbm:s6], $0xF7A  }
0x23: {  	s9 =	sor.u32 $0xD0000000, s2;
	s6 =	simm.s32 $0x108;
	_ =	swait.ge @!p0 [sflag:s8], $0x0  }
0x24: {  	s3 =	sadd.s32 $0x88, s3;
	s6 =	simm.s32 @!p1 $0x1082;
	[sflag:s4] =	ssyncset.s32 $0xFFFFF086  }
0x25: {  	[simem:s6], [sflag:s4] =	dma.local [hbm:s3], $0xF7A  }
0x26: {  	[smem:$0x3F90] =	sst s1;
	(tag) =	ssettag s2;
	_ =	strace s9  }
0x27: {  	s1 =	sld [smem:$0x3FA0]  }
0x28: {  	s2 =	sld [smem:$0x3FA1]  }
0x29: {  	s4 =	sld [smem:$0x3FA3]  }
0x2a: {  	p0 =	seq.s32 s5, $0x0;
	s5 =	sld [smem:$0x3FA4]  }
0x2b: {  	s6 =	sld [smem:$0x3FA5]  }
0x2c: {  	s7 =	sld [smem:$0x3FA6]  }
0x2d: {  	s3 =	simm.s32 $0x108;
	s8 =	sld [smem:$0x3FA7]  }
0x2e: {  	s3 =	simm.s32 @!p0 $0x1082;
	s9 =	sld [smem:$0x3FA8]  }
0x2f: {  	lr =	sadd.s32 s0, s3;
	s0 =	sld [smem:$0x3F9F]  }
0x30: {  	s3 =	sld [smem:$0x3FA2]  }
0x31: {  	[smem:$0x3FAB] =	sst s10  }
0x32: {  	s10 =	sld [smem:$0x3FA9];
	_ =	sdelay $0x3  }
0x33: {  	p0 =	seq.s32 s10, $0x1;
	s10 =	sld [smem:$0x3FAB];
	_ =	sdelay $0x3  }
0x34: {  	[smem:$0x3FAB] =	sst s10  }
0x35: {  	s10 =	sld [smem:$0x3FAA];
	_ =	sdelay $0x3  }
0x36: {  	p1 =	seq.s32 s10, $0x1;
	s10 =	sld [smem:$0x3FAB];
	_ =	sdelay $0x3  }
0x37: {  	[smem:$0x3FAB] =	sst s10  }
0x38: {  	s10 =	sld [smem:$0x3FAC]  }
0x39: {  	_ = 	snop;
	(pc) =	sbr.ind lr, $3  }
0x3a: {  	_ = 	snop  }
0x3b: {  	_ = 	snop  }
0x3c: {  	p2 =	seq.s32 s10, $0x1;
	s10 =	sld [smem:$0x3FAB]  }
0x3d: {  	_ =	shalt  }
0x3e: {  	_ =	shalt  }
0x3f: {  	_ =	shalt  }
0x40: {  	_ =	shalt  }
0x41: {  	_ =	shalt  }
0x42: {  	_ =	shalt  }
0x43: {  	_ =	shalt  }
0x44: {  	_ =	shalt  }
0x45: {  	_ =	shalt  }
0x46: {  	_ =	shalt  }
0x47: {  	_ =	shalt  }
0x48: {  	_ =	shalt  }
0x49: {  	_ =	shalt  }
0x4a: {  	_ =	shalt  }
0x4b: {  	_ =	shalt  }
0x4c: {  	_ =	shalt  }
0x4d: {  	_ =	shalt  }
0x4e: {  	_ =	shalt  }
0x4f: {  	_ =	shalt  }
0x50: {  	_ =	shalt  }
0x51: {  	_ =	shalt  }
0x52: {  	_ =	shalt  }
0x53: {  	_ =	shalt  }
0x54: {  	_ =	shalt  }
0x55: {  	_ =	shalt  }
0x56: {  	_ =	shalt  }
0x57: {  	_ =	shalt  }
0x58: {  	_ =	shalt  }
0x59: {  	_ =	shalt  }
0x5a: {  	_ =	shalt  }
0x5b: {  	_ =	shalt  }
0x5c: {  	_ =	shalt  }
0x5d: {  	_ =	shalt  }
0x5e: {  	_ =	shalt  }
0x5f: {  	_ =	shalt  }
0x60: {  	_ =	shalt  }
0x61: {  	_ =	shalt  }
0x62: {  	_ =	shalt  }
0x63: {  	_ =	shalt  }
0x64: {  	_ =	shalt  }
0x65: {  	_ =	shalt  }
0x66: {  	_ =	shalt  }
0x67: {  	_ =	shalt  }
0x68: {  	_ =	shalt  }
0x69: {  	_ =	shalt  }
0x6a: {  	_ =	shalt  }
0x6b: {  	_ =	shalt  }
0x6c: {  	_ =	shalt  }
0x6d: {  	_ =	shalt  }
0x6e: {  	_ =	shalt  }
0x6f: {  	_ =	shalt  }
0x70: {  	_ =	shalt  }
0x71: {  	_ =	shalt  }
0x72: {  	_ =	shalt  }
0x73: {  	_ =	shalt  }
0x74: {  	_ =	shalt  }
0x75: {  	_ =	shalt  }
0x76: {  	_ =	shalt  }
0x77: {  	_ =	shalt  }
0x78: {  	_ =	shalt  }
0x79: {  	_ =	shalt  }
0x7a: {  	_ =	shalt  }
0x7b: {  	_ =	shalt  }
0x7c: {  	_ =	shalt  }
0x7d: {  	_ =	shalt  }
0x7e: {  	_ =	shalt  }
0x7f: {  	_ =	shalt  }
0x80: {  	_ =	shalt  }
0x81: {  	_ =	shalt  }
0x82: {  	_ =	shalt  }
0x83: {  	_ =	shalt  }
0x84: {  	_ =	shalt  }
0x85: {  	_ =	shalt  }
0x86: {  	_ =	shalt  }
0x87: {  	_ =	shalt  }
.Lfunc_end0:
.L_simem_size_0:
called_computation.1_lowered:
.L_overlay_start_0:
0x88: {  	s2 =	sld [smem:$0x3FD9]  }
0x89: {  	s3 =	sld [smem:$0x3FFE];
	_ =	sdelay $0x1  }
0x8a: {  	s1 =	srdreg.scid  }
0x8b: {  	s0 =	sand.u32 $0x1, s1  }
0x8c: {  	s16 =	sshll.u32 s0, $0xA;
	s2 =	sadd.s32 s3, s2  }
0x8d: {  	s2 =	sadd.s32 s2, s16  }
0x8e: {  	[smem:$0x3FB7] =	sst s2  }
0x8f: {  	_ = 	snop  }
0x90: {  	(tm) =	ssettm $0x1  }
0x91: {  	s17 =	sld [smem:$0x3FFB];
	_ =	sdelay $0x3  }
0x92: {  	_ =	strace s17  }
0x93: {  	s2 =	sld [smem:$0x3FFC];
	_ =	sdelay $0x3  }
0x94: {  	_ =	strace s2  }
0x95: {  	s2 =	sld [smem:$0x3FFD];
	_ =	sdelay $0x3  }
0x96: {  	_ =	strace s2  }
0x97: {  	_ =	strace $0x8FFFFFFF  }
0x98: {  	s18 =	sld [smem:$0x3FDB];
	_ =	sdelay $0x1  }
0x99: {  	s19 =	simm.s32 $_scs_section_size  }
0x9a: {  	s4 =	simm.s32 $_size__tile_overlayer_lowered;
	s5 =	simm.s32 $_tile_overlayer_lowered  }
0x9b: {  	s22 =	simm.s32 $0x1BFF;
	s21 =	sshll.u32 s5, $0x1;
	s2 =	sadd.s32 s19, s18  }
0x9c: {  	s6 =	simm.s32 $0x0;
	s20 =	sshll.u32 s4, $0x1;
	s4 =	sadd.s32 s21, s2  }
0x9d: {  	[timem:s6], [sflag:s22] =	dma.local [hbm:s4], s20  }
0x9e: {  	_ =	swait.ge [sflag:s22], s20  }
0x9f: {  	s3 =	ssub.s32 $0x0, s20;
	[sflag:s22] =	ssyncset.done $0x0  }
0xa0: {  	[sflag:s22] =	ssyncadd.s32 s3;
	_ =	sdelay $0x1  }
0xa1: {  	s23 =	simm.s32 $0x1B8B  }
0xa2: {  	_ =	swait.ge [sflag:s23], $0x1  }
0xa3: {  	[sflag:s23] =	ssyncset.done $0x0  }
0xa4: {  	s25 =	simm.s32 $0x1B8E;
	s24 =	sld [smem:$0x3FFE];
	[sflag:s23] =	ssyncadd.s32 $0xFFFFFFFF  }
0xa5: {  	s26 =	simm.s32 $execute0_lowered;
	[smem:$0x3FD2] =	sst s25  }
0xa6: {  	s4 =	sshll.u32 s26, $0x1;
	_ =	strace $0x80000049;
	[dreg:$0x1] =	wrdreg $0xFFFFFFFF  }
0xa7: {  	s28 =	simm.s32 $_size_execute0_lowered;
	s2 =	sadd.s32 s2, s4;
	[dreg:$0x0] =	wrdreg $0x0  }
0xa8: {  	s4 =	sshll.u32 s28, $0x1;
	[dreg:$0x2] =	wrdreg s2  }
0xa9: {  	[dreg:$0x3] =	wrdreg s4  }
0xaa: {  	[dreg:$0x4] =	wrdreg $0xC0  }
0xab: {  	_ =	task [dreg:s6], $0x5FFFF  }
0xac: {  	[dreg:$0x1] =	wrdreg $0xFFFFFFFF  }
0xad: {  	[dreg:$0x0] =	wrdreg $0x60  }
0xae: {  	[dreg:$0x2] =	wrdreg s24  }
0xaf: {  	[dreg:$0x3] =	wrdreg $0x13C400  }
0xb0: {  	[dreg:$0x4] =	wrdreg $0x9  }
0xb1: {  	_ =	task.clear_ibuf [dreg:s6], $0x5FFFF;
	_ =	strace $0x90000049  }
0xb2: {  	s29 =	simm.s32 $0x9;
	_ =	strace $0x8000004B  }
0xb3: {  	_ =	swait.ge [sflag:s29], $0x1  }
0xb4: {  	[sflag:s29] =	ssyncadd.s32 $0xFFFFFFFF  }
0xb5: {  	_ =	strace $0x9000004B  }
0xb6: {  	_ =	sfence  }
0xb7: {  	s30 =	sld [smem:$0x0];
	_ =	sdelay $0x2  }
0xb8: {  	s31 =	sshll.u32 s1, $0xD;
	s1 =	sshrl.u32 s1, $0x2  }
0xb9: {  	s3 =	sand.u32 $0x4000, s31;
	s1 =	sadd.s32 s1, s30  }
0xba: {  	s0 =	sor.u32 s3, s0;
	s1 =	sshll.u32 s1, $0x11  }
0xbb: {  	s0 =	sor.u32 s1, s0  }
0xbc: {  	s0 =	sadd.s32 $0x8F2B, s0  }
0xbd: {  	[sflag:s0] =	ssyncadd.remote.s32 $0x1  }
0xbe: {  	_ =	sfence.sel $0xFFFF  }
0xbf: {  	[dreg:$0x0] =	wrdreg $0xFFFFFFFF;
	(pc) =	sbr.abs _section_cstart, $3  }
0xc0: {  	[dreg:$0x1] =	wrdreg $0xFFFFFFFF  }
0xc1: {  	_ =	task.clear_ibuf [dreg:s6], $0x2FFFF;
	_ =	strace $0x9FFFFFFF  }
0xc2: {  	(tm) =	ssettm $0x7FFFFFFF  }
0xc3: {  	_ =	shalt  }
tec
execute0_lowered:
.L_overlay_start_1:
0x0: {  	(tag) =	ssettag $0x1  }
0x1: {  	s10 =	stileid.u32  }
0x2: {  	s0 =	rddreg [dreg:$0x0];
	s1 =	smul.u32 $0x4E20, s10  }
0x3: {  	s2 =	rddreg [dreg:$0x1];
	s6 =	smul.u32 $0x500, s10  }
0x4: {  	s3 =	simm.s32 $0x0;
	s5 =	srdreg.scid;
	s7 =	smul.u32 $0x280, s10  }
0x5: {  	[smem:$0x7FF] =	sst s3;
	s8 =	smul.u32 $0x28000, s10  }
0x6: {  	s4 =	sadd.s32 $0x17400, s0;
	s19 =	sand.u32 $0x1, s5;
	s10 =	smul.u32 $0x2800, s10  }
0x7: {  	_ =	strace $0x8000004A;
	s5 =	sshll.u32 s19, $0x3;
	s16 =	ssub.s32 $0x2, s19  }
0x8: {  	p0 =	sne.s32 s19, $0x0;
	v0 =	vmov s19;
	s19 =	simm.s32 $0x40;
	s1 =	sshrl.u32 s1, $0x3  }
0x9: {  	s5 =	sadd.s32 s5, s0;
	s9 =	sshrl.u32 s16, $0x1;
	s11 =	sor.u32 $0x50, s7  }
0xa: {  	s8 =	sshrl.u32 s8, $0x2;
	s18 =	sadd.s32 $0xA0, s7;
	s20 =	sadd.s32 $0xF0, s7  }
0xb: {  	s12 =	sadd.s32 $0x140, s7;
	s23 =	sadd.s32 $0x190, s7;
	s24 =	sadd.s32 $0x1E0, s7  }
0xc: {  	s7 =	sadd.s32 $0x230, s7;
	s1 =	sadd.s32 s1, s0;
	s0 =	sadd.s32 s6, s0  }
0xd: {  	s6 =	ssub.s32 s16, s9;
	s5 =	sadd.s32 $0x44400, s5;
	s17 =	sshll.u32 s11, $0x4  }
0xe: {  	s13 =	sshll.u32 s18, $0x4;
	s14 =	sshll.u32 s20, $0x4;
	s10 =	sadd.s32 s10, s5  }
0xf: {  	s15 =	sshll.u32 s12, $0x4;
	s9 =	sadd.s32 s17, s5;
	[dreg:$0x3] =	wrdreg s10  }
0x10: {  	s25 =	sshll.u32 s23, $0x4;
	s13 =	sadd.s32 s13, s5;
	[dreg:$0x4] =	wrdreg s9  }
0x11: {  	s16 =	sshll.u32 s24, $0x4;
	s21 =	sadd.s32 s14, s5;
	[dreg:$0x5] =	wrdreg s13  }
0x12: {  	s11 =	sshll.u32 s11, $0x6;
	s22 =	sadd.s32 s15, s5;
	[dreg:$0x6] =	wrdreg s21  }
0x13: {  	s17 =	sshll.u32 s7, $0x4;
	s15 =	sadd.s32 s25, s5;
	[dreg:$0x7] =	wrdreg s22  }
0x14: {  	s26 =	sadd.s32 s16, s5;
	s28 =	sadd.s32 $0x3A00, s1;
	[dreg:$0x8] =	wrdreg s15  }
0x15: {  	s1 =	sadd.s32 $0xD640, s1;
	s0 =	sadd.s32 $0x3F400, s0;
	[dreg:$0x9] =	wrdreg s26  }
0x16: {  	s16 =	sshll.u32 s18, $0x6;
	s14 =	simm.s32 $0x2;
	[dreg:$0xb] =	wrdreg s28  }
0x17: {  	s5 =	sadd.s32 s17, s5;
	[dreg:$0xc] =	wrdreg s1;
	s15 =	sadd.s32 s8, s2  }
0x18: {  	[dreg:$0xd] =	wrdreg s0;
	s8 =	smax.u32 s6, $0x1;
	s0 =	sadd.s32 s11, s2  }
0x19: {  	s17 =	sshll.u32 s20, $0x6;
	s20 =	sshll.u32 s12, $0x6;
	s21 =	sshll.u32 s23, $0x6  }
0x1a: {  	s22 =	sshll.u32 s24, $0x6;
	s24 =	sshll.u32 s7, $0x6;
	s1 =	simm.s32 $0x6  }
0x1b: {  	s6 =	simm.s32 $0x9C40;
	s7 =	simm.s32 $0xB040;
	s9 =	simm.s32 $0xD840  }
0x1c: {  	s10 =	simm.s32 $0xEC40;
	s11 =	simm.s32 $0x10040;
	[dreg:$0xa] =	wrdreg s5  }
0x1d: {  	s12 =	simm.s32 $0x1;
	s13 =	simm.s32 $0x11440;
	[dreg:$0xe] =	wrdreg s8  }
0x1e: {  	[dreg:$0xf] =	wrdreg s0;
	s0 =	sadd.s32 s16, s2;
	s18 =	sadd.s32 s17, s2  }
0x1f: {  	s23 =	sadd.s32 s22, s2;
	s25 =	sadd.s32 $0x1400, s15;
	[dreg:$0x10] =	wrdreg s0  }
0x20: {  	s26 =	sadd.s32 $0x2800, s15;
	s28 =	sadd.s32 $0x3C00, s15;
	[dreg:$0x11] =	wrdreg s18  }
0x21: {  	s29 =	sadd.s32 $0x5000, s15;
	s30 =	sadd.s32 $0x6400, s15;
	[dreg:$0x14] =	wrdreg s23  }
0x22: {  	s31 =	sadd.s32 $0x7800, s15;
	s5 =	simm.s32 $0x50;
	[dreg:$0x16] =	wrdreg s25  }
0x23: {  	s8 =	simm.s32 $0xC440;
	s16 =	simm.s32 $0x3;
	[dreg:$0x17] =	wrdreg s26  }
0x24: {  	s17 =	simm.s32 $0x4;
	s0 =	sadd.s32 s20, s2;
	[dreg:$0x18] =	wrdreg s28  }
0x25: {  	s18 =	simm.s32 $0x5;
	[dreg:$0x12] =	wrdreg s0;
	s0 =	sadd.s32 s21, s2  }
0x26: {  	s20 =	simm.s32 $0x80;
	[dreg:$0x13] =	wrdreg s0;
	s0 =	sadd.s32 s24, s2  }
0x27: {  	v1 =	vimm.f32 $0.0e+00;
	v2 =	vimm.f32 $1.000000000e+00;
	s21 =	simm.s32 $0x0;
	[dreg:$0x15] =	wrdreg s0;
	s0 =	sadd.s32 $0x8C00, s15  }
.LBB2_1:
0x28: {  	s22 =	rddreg [dreg:$0xb]  }
0x29: {  	[tilespmem:s3], [sflag:$0x6] =	stream.linear.gather [hbm4b:s22+s3], $0x4E20, $0x38;
	[tilespmem:$0x1DC40] =	vst v63  }
0x2a: {  	_ =	swait.ge [sflag:s1], $0x4E20  }
0x2b: {  	[sflag:s1] =	ssyncset.done $0x0  }
0x2c: {  	s23 =	simm.s32 $0x4E20;
	s24 =	rddreg [dreg:$0xc];
	[sflag:s1] =	ssyncadd.s32 $0xFFFFB1E0  }
0x2d: {  	[tilespmem:s23], [sflag:$0x6] =	stream.linear.gather [hbm4b:s24+s3], $0x4E20, $0x38;
	[tilespmem:$0x1DC40] =	vst v63  }
0x2e: {  	_ =	swait.ge [sflag:s1], $0x4E20  }
0x2f: {  	[sflag:s1] =	ssyncset.done $0x0  }
0x30: {  	[sflag:s1] =	ssyncadd.s32 $0xFFFFB1E0  }
0x31: {  	v3 =	vld [tilespmem:$0x0]  }
0x32: {  	v4 =	vld [tilespmem:$0x10]  }
0x33: {  	v5 =	vld [tilespmem:$0x20]  }
0x34: {  	v6 =	vld [tilespmem:$0x30]  }
0x35: {  	v7 =	vld [tilespmem:$0x40]  }
0x36: {  	v3 =	vshll.u32 v3, $0x1  }
0x37: {  	v4 =	vshll.u32 v4, $0x1;
	v3 =	vor.u32 v0, v3  }
0x38: {  	v33 =	vshll.u32 v5, $0x1;
	[tilespmem:$0x0] =	vst v3;
	v3 =	vor.u32 v0, v4  }
0x39: {  	v34 =	vshll.u32 v6, $0x1;
	[tilespmem:$0x10] =	vst v3;
	v3 =	vor.u32 v0, v33  }
0x3a: {  	v35 =	vshll.u32 v7, $0x1;
	[tilespmem:$0x20] =	vst v3;
	v3 =	vor.u32 v0, v34  }
0x3b: {  	[tilespmem:$0x30] =	vst v3;
	v3 =	vor.u32 v0, v35  }
0x3c: {  	[tilespmem:$0x40] =	vst v3  }
0x3d: {  	[tilespmem:s6], [sflag:$0x1] =	stream.indirect.gather [hbm4b:s4+s5], $0x40, s3, s5, $0xb8;
	[tilespmem:$0x1DC40] =	vst v63  }
0x3e: {  	v3 =	vld [tilespmem:$0x50]  }
0x3f: {  	v36 =	vld [tilespmem:$0x60]  }
0x40: {  	v37 =	vld [tilespmem:$0x70]  }
0x41: {  	v38 =	vld [tilespmem:$0x80]  }
0x42: {  	v39 =	vld [tilespmem:$0x90]  }
0x43: {  	v3 =	vshll.u32 v3, $0x1  }
0x44: {  	v4 =	vshll.u32 v36, $0x1;
	v3 =	vor.u32 v0, v3  }
0x45: {  	v40 =	vshll.u32 v37, $0x1;
	[tilespmem:$0x50] =	vst v3;
	v3 =	vor.u32 v0, v4  }
0x46: {  	v41 =	vshll.u32 v38, $0x1;
	[tilespmem:$0x60] =	vst v3;
	v3 =	vor.u32 v0, v40  }
0x47: {  	v42 =	vshll.u32 v39, $0x1;
	[tilespmem:$0x70] =	vst v3;
	v3 =	vor.u32 v0, v41  }
0x48: {  	[tilespmem:$0x80] =	vst v3;
	v3 =	vor.u32 v0, v42  }
0x49: {  	[tilespmem:$0x90] =	vst v3  }
0x4a: {  	[tilespmem:s7], [sflag:$0x2] =	stream.indirect.gather [hbm4b:s4+s5], $0x40, s5, s5, $0xb8;
	[tilespmem:$0x1DC40] =	vst v63  }
0x4b: {  	v3 =	vld [tilespmem:$0xA0]  }
0x4c: {  	v43 =	vld [tilespmem:$0xB0]  }
0x4d: {  	v44 =	vld [tilespmem:$0xC0]  }
0x4e: {  	v45 =	vld [tilespmem:$0xD0]  }
0x4f: {  	v46 =	vld [tilespmem:$0xE0]  }
0x50: {  	v3 =	vshll.u32 v3, $0x1  }
0x51: {  	v4 =	vshll.u32 v43, $0x1;
	v3 =	vor.u32 v0, v3  }
0x52: {  	v47 =	vshll.u32 v44, $0x1;
	[tilespmem:$0xA0] =	vst v3;
	v3 =	vor.u32 v0, v4  }
0x53: {  	v48 =	vshll.u32 v45, $0x1;
	[tilespmem:$0xB0] =	vst v3;
	v3 =	vor.u32 v0, v47  }
0x54: {  	v49 =	vshll.u32 v46, $0x1;
	[tilespmem:$0xC0] =	vst v3;
	v3 =	vor.u32 v0, v48  }
0x55: {  	[tilespmem:$0xD0] =	vst v3;
	v3 =	vor.u32 v0, v49  }
0x56: {  	s25 =	simm.s32 $0xA0;
	[tilespmem:$0xE0] =	vst v3  }
0x57: {  	[tilespmem:s8], [sflag:$0x3] =	stream.indirect.gather [hbm4b:s4+s5], $0x40, s25, s5, $0xb8;
	[tilespmem:$0x1DC40] =	vst v63  }
0x58: {  	v3 =	vld [tilespmem:$0xF0]  }
0x59: {  	v50 =	vld [tilespmem:$0x100]  }
0x5a: {  	v51 =	vld [tilespmem:$0x110]  }
0x5b: {  	v52 =	vld [tilespmem:$0x120]  }
0x5c: {  	v53 =	vld [tilespmem:$0x130]  }
0x5d: {  	v3 =	vshll.u32 v3, $0x1  }
0x5e: {  	v4 =	vshll.u32 v50, $0x1;
	v3 =	vor.u32 v0, v3  }
0x5f: {  	v54 =	vshll.u32 v51, $0x1;
	[tilespmem:$0xF0] =	vst v3;
	v3 =	vor.u32 v0, v4  }
0x60: {  	v55 =	vshll.u32 v52, $0x1;
	[tilespmem:$0x100] =	vst v3;
	v3 =	vor.u32 v0, v54  }
0x61: {  	v56 =	vshll.u32 v53, $0x1;
	[tilespmem:$0x110] =	vst v3;
	v3 =	vor.u32 v0, v55  }
0x62: {  	[tilespmem:$0x120] =	vst v3;
	v3 =	vor.u32 v0, v56  }
0x63: {  	s26 =	simm.s32 $0xF0;
	[tilespmem:$0x130] =	vst v3  }
0x64: {  	[tilespmem:s9], [sflag:$0x4] =	stream.indirect.gather [hbm4b:s4+s5], $0x40, s26, s5, $0xb8;
	[tilespmem:$0x1DC40] =	vst v63  }
0x65: {  	v3 =	vld [tilespmem:$0x140]  }
0x66: {  	v57 =	vld [tilespmem:$0x150]  }
0x67: {  	v58 =	vld [tilespmem:$0x160]  }
0x68: {  	v59 =	vld [tilespmem:$0x170]  }
0x69: {  	v60 =	vld [tilespmem:$0x180]  }
0x6a: {  	v3 =	vshll.u32 v3, $0x1  }
0x6b: {  	v4 =	vshll.u32 v57, $0x1;
	v3 =	vor.u32 v0, v3  }
0x6c: {  	v61 =	vshll.u32 v58, $0x1;
	[tilespmem:$0x140] =	vst v3;
	v3 =	vor.u32 v0, v4  }
0x6d: {  	v62 =	vshll.u32 v59, $0x1;
	[tilespmem:$0x150] =	vst v3;
	v3 =	vor.u32 v0, v61  }
0x6e: {  	v63 =	vshll.u32 v60, $0x1;
	[tilespmem:$0x160] =	vst v3;
	v3 =	vor.u32 v0, v62  }
0x6f: {  	[tilespmem:$0x170] =	vst v3;
	v3 =	vor.u32 v0, v63  }
0x70: {  	s28 =	simm.s32 $0x140;
	s22 =	simm.s32 $0x0;
	s23 =	simm.s32 $0x100;
	[tilespmem:$0x180] =	vst v3  }
0x71: {  	[tilespmem:s10], [sflag:$0x5] =	stream.indirect.gather [hbm4b:s4+s5], $0x40, s28, s5, $0xb8;
	[tilespmem:$0x1DC40] =	vst v63  }
.LBB2_2:
0x72: {  	p1 =	sne.s32 s23, $0x4F00;
	[tilespmem:s22+$0x10070] =	vst v1;
	s24 =	smov.u32 s23;
	s23 =	sadd.s32 $0x100, s23  }
.Ltmp0:
0x73: {  	[tilespmem:s22+$0x10060] =	vst v1;
	(pc) =	sbr.rel @p1 .LBB2_2-.Ltmp0, $3  }
0x74: {  	[tilespmem:s22+$0x10040] =	vst v1  }
0x75: {  	[tilespmem:s22+$0x10050] =	vst v1;
	_ =	sdelay $0x1  }
0x76: {  	s22 =	sshra.s32 s24, $0x2  }
0x77: {  	[tilespmem:s22+$0x10070] =	vst v1  }
0x78: {  	[tilespmem:s22+$0x10060] =	vst v1  }
0x79: {  	[tilespmem:s22+$0x10040] =	vst v1  }
0x7a: {  	[tilespmem:s22+$0x10050] =	vst v1  }
0x7b: {  	[spmem:s15] =	stream.linear.scatter [tilespmem:s11], [sflag:$0x6], $0x1400, $0x38;
	[tilespmem:$0x1DC40] =	vst v63  }
0x7c: {  	_ =	swait.ge [sflag:s1], $0x1400  }
0x7d: {  	[sflag:s1] =	ssyncset.done $0x0  }
0x7e: {  	s25 =	rddreg [dreg:$0x16];
	[sflag:s1] =	ssyncadd.s32 $0xFFFFEC00  }
0x7f: {  	[spmem:s25] =	stream.linear.scatter [tilespmem:s11], [sflag:$0x6], $0x1400, $0x38;
	[tilespmem:$0x1DC40] =	vst v63  }
0x80: {  	_ =	swait.ge [sflag:s1], $0x1400  }
0x81: {  	[sflag:s1] =	ssyncset.done $0x0  }
0x82: {  	s26 =	rddreg [dreg:$0x17];
	[sflag:s1] =	ssyncadd.s32 $0xFFFFEC00  }
0x83: {  	[spmem:s26] =	stream.linear.scatter [tilespmem:s11], [sflag:$0x6], $0x1400, $0x38;
	[tilespmem:$0x1DC40] =	vst v63  }
0x84: {  	_ =	swait.ge [sflag:s1], $0x1400  }
0x85: {  	[sflag:s1] =	ssyncset.done $0x0  }
0x86: {  	s28 =	rddreg [dreg:$0x18];
	[sflag:s1] =	ssyncadd.s32 $0xFFFFEC00  }
0x87: {  	[spmem:s28] =	stream.linear.scatter [tilespmem:s11], [sflag:$0x6], $0x1400, $0x38;
	[tilespmem:$0x1DC40] =	vst v63  }
0x88: {  	_ =	swait.ge [sflag:s1], $0x1400  }
0x89: {  	[sflag:s1] =	ssyncset.done $0x0  }
0x8a: {  	[sflag:s1] =	ssyncadd.s32 $0xFFFFEC00  }
0x8b: {  	[spmem:s29] =	stream.linear.scatter [tilespmem:s11], [sflag:$0x6], $0x1400, $0x38;
	[tilespmem:$0x1DC40] =	vst v63  }
0x8c: {  	_ =	swait.ge [sflag:s1], $0x1400  }
0x8d: {  	[sflag:s1] =	ssyncset.done $0x0  }
0x8e: {  	[sflag:s1] =	ssyncadd.s32 $0xFFFFEC00  }
0x8f: {  	[spmem:s30] =	stream.linear.scatter [tilespmem:s11], [sflag:$0x6], $0x1400, $0x38;
	[tilespmem:$0x1DC40] =	vst v63  }
0x90: {  	_ =	swait.ge [sflag:s1], $0x1400  }
0x91: {  	[sflag:s1] =	ssyncset.done $0x0  }
0x92: {  	[sflag:s1] =	ssyncadd.s32 $0xFFFFEC00  }
0x93: {  	[spmem:s31] =	stream.linear.scatter [tilespmem:s11], [sflag:$0x6], $0x1400, $0x38;
	[tilespmem:$0x1DC40] =	vst v63  }
0x94: {  	_ =	swait.ge [sflag:s1], $0x1400  }
0x95: {  	[sflag:s1] =	ssyncset.done $0x0  }
0x96: {  	[sflag:s1] =	ssyncadd.s32 $0xFFFFEC00  }
0x97: {  	[spmem:s0] =	stream.linear.scatter [tilespmem:s11], [sflag:$0x6], $0x1400, $0x38;
	[tilespmem:$0x1DC40] =	vst v63  }
0x98: {  	_ =	swait.ge [sflag:s1], $0x1400  }
0x99: {  	[sflag:s1] =	ssyncset.done $0x0  }
0x9a: {  	s22 =	simm.s32 $0x40;
	s23 =	simm.s32 $0x0;
	[sflag:s1] =	ssyncadd.s32 $0xFFFFEC00  }
.LBB2_4:
0x9b: {  	p1 =	sne.s32 s22, $0x9FC0;
	[tilespmem:s23+$0x11440] =	vst v1;
	s23 =	smov.u32 s22;
	s22 =	sadd.s32 $0x40, s22  }
.Ltmp1:
0x9c: {  	(pc) =	sbr.rel @p1 .LBB2_4-.Ltmp1, $2  }
0x9d: {  	_ =	sdelay $0x2  }
0x9e: {  	s23 =	sshra.s32 s23, $0x2  }
0x9f: {  	[tilespmem:s23+$0x11440] =	vst v1  }
0xa0: {  	s22 =	simm.s32 $0x0;
	[bflag:$0x0] =	sbarrier.arrive $0xFFFF  }
.LBB2_6:
0xa1: {  	_ =	swait.ge [sflag:s12], $0x1400  }
0xa2: {  	s23 =	sshra.s32 s22, $0x2;
	[sflag:s12] =	ssyncset.done $0x0  }
0xa3: {  	s24 =	sadd.s32 $0x4E20, s23;
	[sflag:s12] =	ssyncadd.s32 $0xFFFFEC00  }
0xa4: {  	[spmem:s2] =	stream.indirect.scatter.add.f32 [tilespmem:s6], [sflag:$0x6], $0x40, s24, s5, $0xb8;
	[tilespmem:$0x1DC40] =	vst v63  }
0xa5: {  	_ =	swait.ge [sflag:s1], $0x1400  }
0xa6: {  	p1 =	seq.s32 s22, $0x13240;
	[sflag:s1] =	ssyncset.done $0x0  }
0xa7: {  	s24 =	sshra.s32 @!p1 s22, $0x2;
	[sflag:s1] =	ssyncadd.s32 $0xFFFFEC00  }
0xa8: {  	v3 =	vld @!p1 [tilespmem:s24+$0x190]  }
0xa9: {  	v4 =	vld @!p1 [tilespmem:s24+$0x1A0]  }
0xaa: {  	v5 =	vld @!p1 [tilespmem:s24+$0x1B0]  }
0xab: {  	v6 =	vld @!p1 [tilespmem:s24+$0x1C0]  }
0xac: {  	v7 =	vld @!p1 [tilespmem:s24+$0x1D0]  }
0xad: {  	v3 =	vshll.u32 @!p1 v3, $0x1  }
0xae: {  	v4 =	vshll.u32 @!p1 v4, $0x1;
	v3 =	vor.u32 @!p1 v0, v3  }
0xaf: {  	[tilespmem:s24+$0x190] =	vst @!p1 v3;
	v3 =	vor.u32 @!p1 v0, v4;
	v4 =	vshll.u32 @!p1 v5, $0x1  }
0xb0: {  	[tilespmem:s24+$0x1A0] =	vst @!p1 v3;
	v3 =	vor.u32 @!p1 v0, v4;
	v4 =	vshll.u32 @!p1 v6, $0x1  }
0xb1: {  	[tilespmem:s24+$0x1B0] =	vst @!p1 v3;
	v3 =	vor.u32 @!p1 v0, v4;
	v4 =	vshll.u32 @!p1 v7, $0x1  }
0xb2: {  	[tilespmem:s24+$0x1C0] =	vst @!p1 v3;
	v3 =	vor.u32 @!p1 v0, v4  }
0xb3: {  	s25 =	simm.s32 @!p1 $0x50;
	s28 =	simm.s32 @!p1 $0x9C40;
	s26 =	sadd.s32 @!p1 $0x190, s24;
	[tilespmem:s24+$0x1D0] =	vst @!p1 v3  }
0xb4: {  	[tilespmem:s28], [sflag:$0x1] =	stream.indirect.gather @!p1 [hbm4b:s4+s25], $0x40, s26, s25, $0xb8;
	[tilespmem:$0x1DC40] =	vst v63  }
0xb5: {  	v3 =	vld [tilespmem:s23+$0x4E20];
	_ =	sdelay $0x7  }
0xb6: {  	[tilespmem:v3+s13+$0x0] =	vst.idx.add.f32.msk $0xffff, v2  }
0xb7: {  	v3 =	vld [tilespmem:s23+$0x4E30];
	_ =	sdelay $0x7  }
0xb8: {  	[tilespmem:v3+s13+$0x0] =	vst.idx.add.f32.msk $0xffff, v2  }
0xb9: {  	v3 =	vld [tilespmem:s23+$0x4E40];
	_ =	sdelay $0x7  }
0xba: {  	[tilespmem:v3+s13+$0x0] =	vst.idx.add.f32.msk $0xffff, v2  }
0xbb: {  	v3 =	vld [tilespmem:s23+$0x4E50];
	_ =	sdelay $0x7  }
0xbc: {  	[tilespmem:v3+s13+$0x0] =	vst.idx.add.f32.msk $0xffff, v2  }
0xbd: {  	v3 =	vld [tilespmem:s23+$0x4E60];
	_ =	sdelay $0x7  }
0xbe: {  	[tilespmem:v3+s13+$0x0] =	vst.idx.add.f32.msk $0xffff, v2  }
0xbf: {  	_ =	swait.ge [sflag:s14], $0x1400  }
0xc0: {  	[sflag:s14] =	ssyncset.done $0x0  }
0xc1: {  	s28 =	sadd.s32 $0x4E70, s23;
	[sflag:s14] =	ssyncadd.s32 $0xFFFFEC00  }
0xc2: {  	[spmem:s2] =	stream.indirect.scatter.add.f32 [tilespmem:s7], [sflag:$0x6], $0x40, s28, s5, $0xb8;
	[tilespmem:$0x1DC40] =	vst v63  }
0xc3: {  	_ =	swait.ge [sflag:s1], $0x1400  }
0xc4: {  	[sflag:s1] =	ssyncset.done $0x0  }
0xc5: {  	[sflag:s1] =	ssyncadd.s32 $0xFFFFEC00  }
0xc6: {  	v3 =	vld @!p1 [tilespmem:s24+$0x1E0]  }
0xc7: {  	v4 =	vld @!p1 [tilespmem:s24+$0x1F0]  }
0xc8: {  	v5 =	vld @!p1 [tilespmem:s24+$0x200]  }
0xc9: {  	v6 =	vld @!p1 [tilespmem:s24+$0x210]  }
0xca: {  	v7 =	vld @!p1 [tilespmem:s24+$0x220]  }
0xcb: {  	v3 =	vshll.u32 @!p1 v3, $0x1  }
0xcc: {  	v4 =	vshll.u32 @!p1 v4, $0x1;
	v3 =	vor.u32 @!p1 v0, v3  }
0xcd: {  	[tilespmem:s24+$0x1E0] =	vst @!p1 v3;
	v3 =	vor.u32 @!p1 v0, v4;
	v4 =	vshll.u32 @!p1 v5, $0x1  }
0xce: {  	[tilespmem:s24+$0x1F0] =	vst @!p1 v3;
	v3 =	vor.u32 @!p1 v0, v4;
	v4 =	vshll.u32 @!p1 v6, $0x1  }
0xcf: {  	[tilespmem:s24+$0x200] =	vst @!p1 v3;
	v3 =	vor.u32 @!p1 v0, v4;
	v4 =	vshll.u32 @!p1 v7, $0x1  }
0xd0: {  	[tilespmem:s24+$0x210] =	vst @!p1 v3;
	v3 =	vor.u32 @!p1 v0, v4  }
0xd1: {  	s26 =	sadd.s32 @!p1 $0x1E0, s24;
	s28 =	simm.s32 @!p1 $0xB040;
	[tilespmem:s24+$0x220] =	vst @!p1 v3  }
0xd2: {  	[tilespmem:s28], [sflag:$0x2] =	stream.indirect.gather @!p1 [hbm4b:s4+s25], $0x40, s26, s25, $0xb8;
	[tilespmem:$0x1DC40] =	vst v63  }
0xd3: {  	v3 =	vld [tilespmem:s23+$0x4E70];
	_ =	sdelay $0x7  }
0xd4: {  	[tilespmem:v3+s13+$0x0] =	vst.idx.add.f32.msk $0xffff, v2  }
0xd5: {  	v3 =	vld [tilespmem:s23+$0x4E80];
	_ =	sdelay $0x7  }
0xd6: {  	[tilespmem:v3+s13+$0x0] =	vst.idx.add.f32.msk $0xffff, v2  }
0xd7: {  	v3 =	vld [tilespmem:s23+$0x4E90];
	_ =	sdelay $0x7  }
0xd8: {  	[tilespmem:v3+s13+$0x0] =	vst.idx.add.f32.msk $0xffff, v2  }
0xd9: {  	v3 =	vld [tilespmem:s23+$0x4EA0];
	_ =	sdelay $0x7  }
0xda: {  	[tilespmem:v3+s13+$0x0] =	vst.idx.add.f32.msk $0xffff, v2  }
0xdb: {  	v3 =	vld [tilespmem:s23+$0x4EB0];
	_ =	sdelay $0x7  }
0xdc: {  	[tilespmem:v3+s13+$0x0] =	vst.idx.add.f32.msk $0xffff, v2  }
0xdd: {  	_ =	swait.ge [sflag:s16], $0x1400  }
0xde: {  	[sflag:s16] =	ssyncset.done $0x0  }
0xdf: {  	s28 =	sadd.s32 $0x4EC0, s23;
	[sflag:s16] =	ssyncadd.s32 $0xFFFFEC00  }
0xe0: {  	[spmem:s2] =	stream.indirect.scatter.add.f32 [tilespmem:s8], [sflag:$0x6], $0x40, s28, s5, $0xb8;
	[tilespmem:$0x1DC40] =	vst v63  }
0xe1: {  	_ =	swait.ge [sflag:s1], $0x1400  }
0xe2: {  	[sflag:s1] =	ssyncset.done $0x0  }
0xe3: {  	[sflag:s1] =	ssyncadd.s32 $0xFFFFEC00  }
0xe4: {  	v3 =	vld @!p1 [tilespmem:s24+$0x230]  }
0xe5: {  	v4 =	vld @!p1 [tilespmem:s24+$0x240]  }
0xe6: {  	v5 =	vld @!p1 [tilespmem:s24+$0x250]  }
0xe7: {  	v6 =	vld @!p1 [tilespmem:s24+$0x260]  }
0xe8: {  	v7 =	vld @!p1 [tilespmem:s24+$0x270]  }
0xe9: {  	v3 =	vshll.u32 @!p1 v3, $0x1  }
0xea: {  	v4 =	vshll.u32 @!p1 v4, $0x1;
	v3 =	vor.u32 @!p1 v0, v3  }
0xeb: {  	[tilespmem:s24+$0x230] =	vst @!p1 v3;
	v3 =	vor.u32 @!p1 v0, v4;
	v4 =	vshll.u32 @!p1 v5, $0x1  }
0xec: {  	[tilespmem:s24+$0x240] =	vst @!p1 v3;
	v3 =	vor.u32 @!p1 v0, v4;
	v4 =	vshll.u32 @!p1 v6, $0x1  }
0xed: {  	[tilespmem:s24+$0x250] =	vst @!p1 v3;
	v3 =	vor.u32 @!p1 v0, v4;
	v4 =	vshll.u32 @!p1 v7, $0x1  }
0xee: {  	[tilespmem:s24+$0x260] =	vst @!p1 v3;
	v3 =	vor.u32 @!p1 v0, v4  }
0xef: {  	s26 =	sadd.s32 @!p1 $0x230, s24;
	s28 =	simm.s32 @!p1 $0xC440;
	[tilespmem:s24+$0x270] =	vst @!p1 v3  }
0xf0: {  	[tilespmem:s28], [sflag:$0x3] =	stream.indirect.gather @!p1 [hbm4b:s4+s25], $0x40, s26, s25, $0xb8;
	[tilespmem:$0x1DC40] =	vst v63  }
0xf1: {  	v3 =	vld [tilespmem:s23+$0x4EC0];
	_ =	sdelay $0x7  }
0xf2: {  	[tilespmem:v3+s13+$0x0] =	vst.idx.add.f32.msk $0xffff, v2  }
0xf3: {  	v3 =	vld [tilespmem:s23+$0x4ED0];
	_ =	sdelay $0x7  }
0xf4: {  	[tilespmem:v3+s13+$0x0] =	vst.idx.add.f32.msk $0xffff, v2  }
0xf5: {  	v3 =	vld [tilespmem:s23+$0x4EE0];
	_ =	sdelay $0x7  }
0xf6: {  	[tilespmem:v3+s13+$0x0] =	vst.idx.add.f32.msk $0xffff, v2  }
0xf7: {  	v3 =	vld [tilespmem:s23+$0x4EF0];
	_ =	sdelay $0x7  }
0xf8: {  	[tilespmem:v3+s13+$0x0] =	vst.idx.add.f32.msk $0xffff, v2  }
0xf9: {  	v3 =	vld [tilespmem:s23+$0x4F00];
	_ =	sdelay $0x7  }
0xfa: {  	[tilespmem:v3+s13+$0x0] =	vst.idx.add.f32.msk $0xffff, v2  }
0xfb: {  	_ =	swait.ge [sflag:s17], $0x1400  }
0xfc: {  	[sflag:s17] =	ssyncset.done $0x0  }
0xfd: {  	s28 =	sadd.s32 $0x4F10, s23;
	[sflag:s17] =	ssyncadd.s32 $0xFFFFEC00  }
0xfe: {  	[spmem:s2] =	stream.indirect.scatter.add.f32 [tilespmem:s9], [sflag:$0x6], $0x40, s28, s5, $0xb8;
	[tilespmem:$0x1DC40] =	vst v63  }
0xff: {  	_ =	swait.ge [sflag:s1], $0x1400  }
0x100: {  	[sflag:s1] =	ssyncset.done $0x0  }
0x101: {  	[sflag:s1] =	ssyncadd.s32 $0xFFFFEC00  }
0x102: {  	v3 =	vld @!p1 [tilespmem:s24+$0x280]  }
0x103: {  	v4 =	vld @!p1 [tilespmem:s24+$0x290]  }
0x104: {  	v5 =	vld @!p1 [tilespmem:s24+$0x2A0]  }
0x105: {  	v6 =	vld @!p1 [tilespmem:s24+$0x2B0]  }
0x106: {  	v7 =	vld @!p1 [tilespmem:s24+$0x2C0]  }
0x107: {  	v3 =	vshll.u32 @!p1 v3, $0x1  }
0x108: {  	v4 =	vshll.u32 @!p1 v4, $0x1;
	v3 =	vor.u32 @!p1 v0, v3  }
0x109: {  	[tilespmem:s24+$0x280] =	vst @!p1 v3;
	v3 =	vor.u32 @!p1 v0, v4;
	v4 =	vshll.u32 @!p1 v5, $0x1  }
0x10a: {  	[tilespmem:s24+$0x290] =	vst @!p1 v3;
	v3 =	vor.u32 @!p1 v0, v4;
	v4 =	vshll.u32 @!p1 v6, $0x1  }
0x10b: {  	[tilespmem:s24+$0x2A0] =	vst @!p1 v3;
	v3 =	vor.u32 @!p1 v0, v4;
	v4 =	vshll.u32 @!p1 v7, $0x1  }
0x10c: {  	[tilespmem:s24+$0x2B0] =	vst @!p1 v3;
	v3 =	vor.u32 @!p1 v0, v4  }
0x10d: {  	s26 =	sadd.s32 @!p1 $0x280, s24;
	s28 =	simm.s32 @!p1 $0xD840;
	[tilespmem:s24+$0x2C0] =	vst @!p1 v3  }
0x10e: {  	[tilespmem:s28], [sflag:$0x4] =	stream.indirect.gather @!p1 [hbm4b:s4+s25], $0x40, s26, s25, $0xb8;
	[tilespmem:$0x1DC40] =	vst v63  }
0x10f: {  	v3 =	vld [tilespmem:s23+$0x4F10];
	_ =	sdelay $0x7  }
0x110: {  	[tilespmem:v3+s13+$0x0] =	vst.idx.add.f32.msk $0xffff, v2  }
0x111: {  	v3 =	vld [tilespmem:s23+$0x4F20];
	_ =	sdelay $0x7  }
0x112: {  	[tilespmem:v3+s13+$0x0] =	vst.idx.add.f32.msk $0xffff, v2  }
0x113: {  	v3 =	vld [tilespmem:s23+$0x4F30];
	_ =	sdelay $0x7  }
0x114: {  	[tilespmem:v3+s13+$0x0] =	vst.idx.add.f32.msk $0xffff, v2  }
0x115: {  	v3 =	vld [tilespmem:s23+$0x4F40];
	_ =	sdelay $0x7  }
0x116: {  	[tilespmem:v3+s13+$0x0] =	vst.idx.add.f32.msk $0xffff, v2  }
0x117: {  	v3 =	vld [tilespmem:s23+$0x4F50];
	_ =	sdelay $0x7  }
0x118: {  	[tilespmem:v3+s13+$0x0] =	vst.idx.add.f32.msk $0xffff, v2  }
0x119: {  	_ =	swait.ge [sflag:s18], $0x1400  }
0x11a: {  	[sflag:s18] =	ssyncset.done $0x0  }
0x11b: {  	s28 =	sadd.s32 $0x4F60, s23;
	[sflag:s18] =	ssyncadd.s32 $0xFFFFEC00  }
0x11c: {  	[spmem:s2] =	stream.indirect.scatter.add.f32 [tilespmem:s10], [sflag:$0x6], $0x40, s28, s5, $0xb8;
	[tilespmem:$0x1DC40] =	vst v63  }
0x11d: {  	_ =	swait.ge [sflag:s1], $0x1400  }
0x11e: {  	[sflag:s1] =	ssyncset.done $0x0  }
0x11f: {  	[sflag:s1] =	ssyncadd.s32 $0xFFFFEC00  }
0x120: {  	v3 =	vld @!p1 [tilespmem:s24+$0x2D0]  }
0x121: {  	v4 =	vld @!p1 [tilespmem:s24+$0x2E0]  }
0x122: {  	v5 =	vld @!p1 [tilespmem:s24+$0x2F0]  }
0x123: {  	v6 =	vld @!p1 [tilespmem:s24+$0x300]  }
0x124: {  	v7 =	vld @!p1 [tilespmem:s24+$0x310]  }
0x125: {  	v3 =	vshll.u32 @!p1 v3, $0x1  }
0x126: {  	v4 =	vshll.u32 @!p1 v4, $0x1;
	v3 =	vor.u32 @!p1 v0, v3  }
0x127: {  	[tilespmem:s24+$0x2D0] =	vst @!p1 v3;
	v3 =	vor.u32 @!p1 v0, v4;
	v4 =	vshll.u32 @!p1 v5, $0x1  }
0x128: {  	[tilespmem:s24+$0x2E0] =	vst @!p1 v3;
	v3 =	vor.u32 @!p1 v0, v4;
	v4 =	vshll.u32 @!p1 v6, $0x1  }
0x129: {  	[tilespmem:s24+$0x2F0] =	vst @!p1 v3;
	v3 =	vor.u32 @!p1 v0, v4;
	v4 =	vshll.u32 @!p1 v7, $0x1  }
0x12a: {  	[tilespmem:s24+$0x300] =	vst @!p1 v3;
	v3 =	vor.u32 @!p1 v0, v4  }
0x12b: {  	s26 =	sadd.s32 @!p1 $0x2D0, s24;
	[tilespmem:s24+$0x310] =	vst @!p1 v3;
	s24 =	simm.s32 @!p1 $0xEC40  }
0x12c: {  	[tilespmem:s24], [sflag:$0x5] =	stream.indirect.gather @!p1 [hbm4b:s4+s25], $0x40, s26, s25, $0xb8;
	[tilespmem:$0x1DC40] =	vst v63  }
0x12d: {  	v3 =	vld [tilespmem:s23+$0x4F60];
	_ =	sdelay $0x7  }
0x12e: {  	[tilespmem:v3+s13+$0x0] =	vst.idx.add.f32.msk $0xffff, v2  }
0x12f: {  	v3 =	vld [tilespmem:s23+$0x4F70];
	_ =	sdelay $0x7  }
0x130: {  	[tilespmem:v3+s13+$0x0] =	vst.idx.add.f32.msk $0xffff, v2  }
0x131: {  	v3 =	vld [tilespmem:s23+$0x4F80];
	_ =	sdelay $0x7  }
0x132: {  	[tilespmem:v3+s13+$0x0] =	vst.idx.add.f32.msk $0xffff, v2  }
0x133: {  	v3 =	vld [tilespmem:s23+$0x4F90];
	_ =	sdelay $0x7  }
0x134: {  	[tilespmem:v3+s13+$0x0] =	vst.idx.add.f32.msk $0xffff, v2  }
0x135: {  	v3 =	vld [tilespmem:s23+$0x4FA0];
	_ =	sdelay $0x1  }
0x136: {  	s22 =	sadd.s32 $0x640, s22  }
0x137: {  	p1 =	sne.s32 s22, $0x13880  }
.Ltmp2:
0x138: {  	_ = 	snop;
	(pc) =	sbr.rel @p1 .LBB2_6-.Ltmp2, $2  }
0x139: {  	_ =	sdelay $0x2  }
0x13a: {  	[tilespmem:v3+s13+$0x0] =	vst.idx.add.f32.msk $0xffff, v2  }
0x13b: {  	s22 =	simm.s32 @!p0 $0x0;
	s23 =	simm.s32 @!p0 $0x11440;
	s24 =	rddreg [dreg:$0xd]  }
0x13c: {  	[hbm4b:s24+s22] =	stream.linear.scatter @!p0 [tilespmem:s23], [sflag:$0x6], $0x2800, $0x38;
	[tilespmem:$0x1DC40] =	vst v63  }
0x13d: {  	s22 =	simm.s32 @!p0 $0x6  }
0x13e: {  	_ =	swait.ge @!p0 [sflag:s22], $0x2800  }
0x13f: {  	[sflag:s22] =	ssyncset.done @!p0 $0x0  }
0x140: {  	[sflag:s22] =	ssyncadd.s32 @!p0 $0xFFFFD800  }
0x141: {  	[bflag:$0x0] =	sbarrier.arrive $0xFFFF  }
0x142: {  	[tilespmem:s6], [sflag:$0x6] =	stream.linear.gather [spmem:s15], $0x1400, $0x38;
	[tilespmem:$0x1DC40] =	vst v63  }
0x143: {  	_ =	swait.ge [sflag:s1], $0x1400  }
0x144: {  	[sflag:s1] =	ssyncset.done $0x0  }
0x145: {  	s28 =	rddreg [dreg:$0x3];
	[sflag:s1] =	ssyncadd.s32 $0xFFFFEC00  }
0x146: {  	[hbm4b:s28+s19] =	stream.strided.scatter [tilespmem:s6], [sflag:$0x6], $0x1400, s20, s19, $0x38;
	[tilespmem:$0x1DC40] =	vst v63  }
0x147: {  	_ =	swait.ge [sflag:s1], $0x1400  }
0x148: {  	[sflag:s1] =	ssyncset.done $0x0  }
0x149: {  	s23 =	rddreg [dreg:$0xf];
	[sflag:s1] =	ssyncadd.s32 $0xFFFFEC00  }
0x14a: {  	[tilespmem:s6], [sflag:$0x6] =	stream.linear.gather [spmem:s23], $0x1400, $0x38;
	[tilespmem:$0x1DC40] =	vst v63  }
0x14b: {  	_ =	swait.ge [sflag:s1], $0x1400  }
0x14c: {  	[sflag:s1] =	ssyncset.done $0x0  }
0x14d: {  	s24 =	rddreg [dreg:$0x4];
	[sflag:s1] =	ssyncadd.s32 $0xFFFFEC00  }
0x14e: {  	[hbm4b:s24+s19] =	stream.strided.scatter [tilespmem:s6], [sflag:$0x6], $0x1400, s20, s19, $0x38;
	[tilespmem:$0x1DC40] =	vst v63  }
0x14f: {  	_ =	swait.ge [sflag:s1], $0x1400  }
0x150: {  	[sflag:s1] =	ssyncset.done $0x0  }
0x151: {  	s25 =	rddreg [dreg:$0x10];
	[sflag:s1] =	ssyncadd.s32 $0xFFFFEC00  }
0x152: {  	[tilespmem:s6], [sflag:$0x6] =	stream.linear.gather [spmem:s25], $0x1400, $0x38;
	[tilespmem:$0x1DC40] =	vst v63  }
0x153: {  	_ =	swait.ge [sflag:s1], $0x1400  }
0x154: {  	[sflag:s1] =	ssyncset.done $0x0  }
0x155: {  	s26 =	rddreg [dreg:$0x5];
	[sflag:s1] =	ssyncadd.s32 $0xFFFFEC00  }
0x156: {  	[hbm4b:s26+s19] =	stream.strided.scatter [tilespmem:s6], [sflag:$0x6], $0x1400, s20, s19, $0x38;
	[tilespmem:$0x1DC40] =	vst v63  }
0x157: {  	_ =	swait.ge [sflag:s1], $0x1400  }
0x158: {  	[sflag:s1] =	ssyncset.done $0x0  }
0x159: {  	s28 =	rddreg [dreg:$0x11];
	[sflag:s1] =	ssyncadd.s32 $0xFFFFEC00  }
0x15a: {  	[tilespmem:s6], [sflag:$0x6] =	stream.linear.gather [spmem:s28], $0x1400, $0x38;
	[tilespmem:$0x1DC40] =	vst v63  }
0x15b: {  	_ =	swait.ge [sflag:s1], $0x1400  }
0x15c: {  	[sflag:s1] =	ssyncset.done $0x0  }
0x15d: {  	s23 =	rddreg [dreg:$0x6];
	[sflag:s1] =	ssyncadd.s32 $0xFFFFEC00  }
0x15e: {  	[hbm4b:s23+s19] =	stream.strided.scatter [tilespmem:s6], [sflag:$0x6], $0x1400, s20, s19, $0x38;
	[tilespmem:$0x1DC40] =	vst v63  }
0x15f: {  	_ =	swait.ge [sflag:s1], $0x1400  }
0x160: {  	[sflag:s1] =	ssyncset.done $0x0  }
0x161: {  	s24 =	rddreg [dreg:$0x12];
	[sflag:s1] =	ssyncadd.s32 $0xFFFFEC00  }
0x162: {  	[tilespmem:s6], [sflag:$0x6] =	stream.linear.gather [spmem:s24], $0x1400, $0x38;
	[tilespmem:$0x1DC40] =	vst v63  }
0x163: {  	_ =	swait.ge [sflag:s1], $0x1400  }
0x164: {  	[sflag:s1] =	ssyncset.done $0x0  }
0x165: {  	s25 =	rddreg [dreg:$0x7];
	[sflag:s1] =	ssyncadd.s32 $0xFFFFEC00  }
0x166: {  	[hbm4b:s25+s19] =	stream.strided.scatter [tilespmem:s6], [sflag:$0x6], $0x1400, s20, s19, $0x38;
	[tilespmem:$0x1DC40] =	vst v63  }
0x167: {  	_ =	swait.ge [sflag:s1], $0x1400  }
0x168: {  	[sflag:s1] =	ssyncset.done $0x0  }
0x169: {  	s26 =	rddreg [dreg:$0x13];
	[sflag:s1] =	ssyncadd.s32 $0xFFFFEC00  }
0x16a: {  	[tilespmem:s6], [sflag:$0x6] =	stream.linear.gather [spmem:s26], $0x1400, $0x38;
	[tilespmem:$0x1DC40] =	vst v63  }
0x16b: {  	_ =	swait.ge [sflag:s1], $0x1400  }
0x16c: {  	[sflag:s1] =	ssyncset.done $0x0  }
0x16d: {  	s28 =	rddreg [dreg:$0x8];
	[sflag:s1] =	ssyncadd.s32 $0xFFFFEC00  }
0x16e: {  	[hbm4b:s28+s19] =	stream.strided.scatter [tilespmem:s6], [sflag:$0x6], $0x1400, s20, s19, $0x38;
	[tilespmem:$0x1DC40] =	vst v63  }
0x16f: {  	_ =	swait.ge [sflag:s1], $0x1400  }
0x170: {  	[sflag:s1] =	ssyncset.done $0x0  }
0x171: {  	s23 =	rddreg [dreg:$0x14];
	[sflag:s1] =	ssyncadd.s32 $0xFFFFEC00  }
0x172: {  	[tilespmem:s6], [sflag:$0x6] =	stream.linear.gather [spmem:s23], $0x1400, $0x38;
	[tilespmem:$0x1DC40] =	vst v63  }
0x173: {  	_ =	swait.ge [sflag:s1], $0x1400  }
0x174: {  	[sflag:s1] =	ssyncset.done $0x0  }
0x175: {  	s24 =	rddreg [dreg:$0x9];
	[sflag:s1] =	ssyncadd.s32 $0xFFFFEC00  }
0x176: {  	[hbm4b:s24+s19] =	stream.strided.scatter [tilespmem:s6], [sflag:$0x6], $0x1400, s20, s19, $0x38;
	[tilespmem:$0x1DC40] =	vst v63  }
0x177: {  	_ =	swait.ge [sflag:s1], $0x1400  }
0x178: {  	[sflag:s1] =	ssyncset.done $0x0  }
0x179: {  	s25 =	rddreg [dreg:$0x15];
	[sflag:s1] =	ssyncadd.s32 $0xFFFFEC00  }
0x17a: {  	[tilespmem:s6], [sflag:$0x6] =	stream.linear.gather [spmem:s25], $0x1400, $0x38;
	[tilespmem:$0x1DC40] =	vst v63  }
0x17b: {  	_ =	swait.ge [sflag:s1], $0x1400  }
0x17c: {  	[sflag:s1] =	ssyncset.done $0x0  }
0x17d: {  	s26 =	rddreg [dreg:$0xa];
	[sflag:s1] =	ssyncadd.s32 $0xFFFFEC00  }
0x17e: {  	[hbm4b:s26+s19] =	stream.strided.scatter [tilespmem:s6], [sflag:$0x6], $0x1400, s20, s19, $0x38;
	[tilespmem:$0x1DC40] =	vst v63  }
0x17f: {  	_ =	swait.ge [sflag:s1], $0x1400  }
0x180: {  	s21 =	sadd.s32 $0x1, s21;
	s28 =	rddreg [dreg:$0xe]  }
0x181: {  	p1 =	sne.s32 s21, s28  }
.Ltmp3:
0x182: {  	_ = 	snop;
	(pc) =	sbr.rel @p1 .LBB2_1-.Ltmp3, $3  }
0x183: {  	_ =	sdelay $0x1  }
0x184: {  	[sflag:s1] =	ssyncset.done $0x0  }
0x185: {  	[sflag:s1] =	ssyncadd.s32 $0xFFFFEC00  }
0x186: {  	_ =	sfence.sel $0x180000  }
0x187: {  	[bflag:$0x0] =	sbarrier.arrive $0xFFFF  }
0x188: {  	_ =	strace $0x9000004A  }
0x189: {  	s0 =	stileid.u32;
	[bflag:$0x2] =	sbarrier.arrive $0xFFFF  }
0x18a: {  	p0 =	sne.s32 s0, $0x0;
	s0 =	rddreg [dreg:$0x2]  }
0x18b: {  	s0 =	sadd.s32 @!p0 $0x100000, s0  }
0x18c: {  	[sflag:s0] =	ssyncadd.tile.s32 @!p0 $0x1;
	_ =	shalt  }
.Lfunc_end2:
_tile_overlayer_lowered:
.L_overlay_start_2:
0x18d: {  	(tag) =	ssettag $0x2  }
0x18e: {  	s0 =	rddreg [dreg:$0x0];
	s2 =	stileid.u32  }
0x18f: {  	s1 =	rddreg [dreg:$0x1];
	p0 =	sne.s32 s2, $0x0  }
0x190: {  	s3 =	rddreg [dreg:$0x2];
	[bflag:$0x3] =	sbarrier.arrive $0xFFFF;
	s2 =	simm.s32 @!p0 $0x1C06  }
0x191: {  	[timem:s3], [sflag:s2] =	dma.local @!p0 [hbm:s0], s1  }
0x192: {  	s0 =	simm.s32 @!p0 $0x6  }
0x193: {  	_ =	swait.ge @!p0 [sflag:s0], s1  }
0x194: {  	s1 =	ssub.s32 @!p0 $0x0, s1;
	[sflag:s0] =	ssyncset.done @!p0 $0x0  }
0x195: {  	[sflag:s0] =	ssyncadd.s32 @!p0 s1  }
0x196: {  	[bflag:$0x3] =	sbarrier.arrive $0xFFFF  }
0x197: {  	_ =	shalt  }

// kernel: kernel.13.cloned.1.call-start
scs
__scs_entry_jumppad:
0x0: {  	(pc) =	sbr.rel $0x88, $3  }
0x1: {  	(tag) =	ssettag $0x0;
	lr =	simm.s32 $0x1  }
0x2: {  	[smem:$0x3F90] =	sst lr;
	_ =	strace $0xD0000000  }
0x3: {  	_ = 	snop  }
0x4: {  	_ = 	snop  }
0x5: {  	_ = 	snop  }
0x6: {  	_ = 	snop  }
0x7: {  	_ = 	snop  }
__scs_overlays_trampoline_lowered:
0x8: {  	[smem:$0x3F9F] =	sst s0  }
0x9: {  	[smem:$0x3FA0] =	sst s1  }
0xa: {  	[smem:$0x3FA1] =	sst s2  }
0xb: {  	[smem:$0x3FA2] =	sst s3  }
0xc: {  	[smem:$0x3FA3] =	sst s4  }
0xd: {  	[smem:$0x3FA4] =	sst s5  }
0xe: {  	[smem:$0x3FA5] =	sst s6  }
0xf: {  	[smem:$0x3FA6] =	sst s7  }
0x10: {  	[smem:$0x3FA7] =	sst s8  }
0x11: {  	[smem:$0x3FA8] =	sst s9;
	s0 =	simm.s32 @!p0 $0x0  }
0x12: {  	s1 =	sld [smem:$0x3F8E];
	s0 =	simm.s32 @p0 $0x1  }
0x13: {  	[smem:$0x3FA9] =	sst s0;
	s0 =	simm.s32 @!p1 $0x0  }
0x14: {  	s2 =	sld [smem:$0x3F8D];
	s0 =	simm.s32 @p1 $0x1  }
0x15: {  	[smem:$0x3FAA] =	sst s0;
	s0 =	simm.s32 @!p2 $0x0  }
0x16: {  	s3 =	sld [smem:$0x3FDB];
	s0 =	simm.s32 @p2 $0x1  }
0x17: {  	s4 =	simm.s32 $0x1BF5;
	[smem:$0x3FAC] =	sst s0  }
0x18: {  	s0 =	sld [smem:$0x3F8F];
	_ =	swait.ge [sflag:s4], $0x0  }
0x19: {  	s7 =	sld [smem:$0x3F90]  }
0x1a: {  	s8 =	sadd.s32 $0xFFFFE003, lr  }
0x1b: {  	s9 =	sadd.s32 $0xFFFFFEF7, lr;
	s5 =	simm.s32 $0xFFFFFFFF;
	p2 =	slt.u32 s8, $0xFFFFF086  }
0x1c: {  	p1 =	slt.u32 s9, $0xF7A;
	s5 =	simm.s32 @!p2 $0x0  }
0x1d: {  	s5 =	simm.s32 @p1 $0x1;
	p0 =	seq.s32 s7, s2  }
0x1e: {  	s7 =	smul.u32 @!p0 $0xF7A, s2;
	p2 =	seq.s32 @!p0 s5, $0x0  }
0x1f: {  	s9 =	smul.u32 $0xF7A, s1;
	s8 =	simm.s32 @!p0 $0x1BF5;
	p2 =	por !p2, p0  }
0x20: {  	[sflag:s8] =	ssyncset.s32 @!p0 $0xFFFFF086;
	s6 =	sadd.s32 @!p0 s3, s7;
	s7 =	simm.s32 @!p0 $0x108  }
0x21: {  	s3 =	sadd.s32 s3, s9;
	s6 =	sadd.s32 @!p0 $0x88, s6;
	s7 =	simm.s32 @p2 $0x1082  }
0x22: {  	[simem:s7], [sflag:s8] =	dma.local @!p0 [hbm:s6], $0xF7A  }
0x23: {  	s9 =	sor.u32 $0xD0000000, s2;
	s6 =	simm.s32 $0x108;
	_ =	swait.ge @!p0 [sflag:s8], $0x0  }
0x24: {  	s3 =	sadd.s32 $0x88, s3;
	s6 =	simm.s32 @!p1 $0x1082;
	[sflag:s4] =	ssyncset.s32 $0xFFFFF086  }
0x25: {  	[simem:s6], [sflag:s4] =	dma.local [hbm:s3], $0xF7A  }
0x26: {  	[smem:$0x3F90] =	sst s1;
	(tag) =	ssettag s2;
	_ =	strace s9  }
0x27: {  	s1 =	sld [smem:$0x3FA0]  }
0x28: {  	s2 =	sld [smem:$0x3FA1]  }
0x29: {  	s4 =	sld [smem:$0x3FA3]  }
0x2a: {  	p0 =	seq.s32 s5, $0x0;
	s5 =	sld [smem:$0x3FA4]  }
0x2b: {  	s6 =	sld [smem:$0x3FA5]  }
0x2c: {  	s7 =	sld [smem:$0x3FA6]  }
0x2d: {  	s3 =	simm.s32 $0x108;
	s8 =	sld [smem:$0x3FA7]  }
0x2e: {  	s3 =	simm.s32 @!p0 $0x1082;
	s9 =	sld [smem:$0x3FA8]  }
0x2f: {  	lr =	sadd.s32 s0, s3;
	s0 =	sld [smem:$0x3F9F]  }
0x30: {  	s3 =	sld [smem:$0x3FA2]  }
0x31: {  	[smem:$0x3FAB] =	sst s10  }
0x32: {  	s10 =	sld [smem:$0x3FA9];
	_ =	sdelay $0x3  }
0x33: {  	p0 =	seq.s32 s10, $0x1;
	s10 =	sld [smem:$0x3FAB];
	_ =	sdelay $0x3  }
0x34: {  	[smem:$0x3FAB] =	sst s10  }
0x35: {  	s10 =	sld [smem:$0x3FAA];
	_ =	sdelay $0x3  }
0x36: {  	p1 =	seq.s32 s10, $0x1;
	s10 =	sld [smem:$0x3FAB];
	_ =	sdelay $0x3  }
0x37: {  	[smem:$0x3FAB] =	sst s10  }
0x38: {  	s10 =	sld [smem:$0x3FAC]  }
0x39: {  	_ = 	snop;
	(pc) =	sbr.ind lr, $3  }
0x3a: {  	_ = 	snop  }
0x3b: {  	_ = 	snop  }
0x3c: {  	p2 =	seq.s32 s10, $0x1;
	s10 =	sld [smem:$0x3FAB]  }
0x3d: {  	_ =	shalt  }
0x3e: {  	_ =	shalt  }
0x3f: {  	_ =	shalt  }
0x40: {  	_ =	shalt  }
0x41: {  	_ =	shalt  }
0x42: {  	_ =	shalt  }
0x43: {  	_ =	shalt  }
0x44: {  	_ =	shalt  }
0x45: {  	_ =	shalt  }
0x46: {  	_ =	shalt  }
0x47: {  	_ =	shalt  }
0x48: {  	_ =	shalt  }
0x49: {  	_ =	shalt  }
0x4a: {  	_ =	shalt  }
0x4b: {  	_ =	shalt  }
0x4c: {  	_ =	shalt  }
0x4d: {  	_ =	shalt  }
0x4e: {  	_ =	shalt  }
0x4f: {  	_ =	shalt  }
0x50: {  	_ =	shalt  }
0x51: {  	_ =	shalt  }
0x52: {  	_ =	shalt  }
0x53: {  	_ =	shalt  }
0x54: {  	_ =	shalt  }
0x55: {  	_ =	shalt  }
0x56: {  	_ =	shalt  }
0x57: {  	_ =	shalt  }
0x58: {  	_ =	shalt  }
0x59: {  	_ =	shalt  }
0x5a: {  	_ =	shalt  }
0x5b: {  	_ =	shalt  }
0x5c: {  	_ =	shalt  }
0x5d: {  	_ =	shalt  }
0x5e: {  	_ =	shalt  }
0x5f: {  	_ =	shalt  }
0x60: {  	_ =	shalt  }
0x61: {  	_ =	shalt  }
0x62: {  	_ =	shalt  }
0x63: {  	_ =	shalt  }
0x64: {  	_ =	shalt  }
0x65: {  	_ =	shalt  }
0x66: {  	_ =	shalt  }
0x67: {  	_ =	shalt  }
0x68: {  	_ =	shalt  }
0x69: {  	_ =	shalt  }
0x6a: {  	_ =	shalt  }
0x6b: {  	_ =	shalt  }
0x6c: {  	_ =	shalt  }
0x6d: {  	_ =	shalt  }
0x6e: {  	_ =	shalt  }
0x6f: {  	_ =	shalt  }
0x70: {  	_ =	shalt  }
0x71: {  	_ =	shalt  }
0x72: {  	_ =	shalt  }
0x73: {  	_ =	shalt  }
0x74: {  	_ =	shalt  }
0x75: {  	_ =	shalt  }
0x76: {  	_ =	shalt  }
0x77: {  	_ =	shalt  }
0x78: {  	_ =	shalt  }
0x79: {  	_ =	shalt  }
0x7a: {  	_ =	shalt  }
0x7b: {  	_ =	shalt  }
0x7c: {  	_ =	shalt  }
0x7d: {  	_ =	shalt  }
0x7e: {  	_ =	shalt  }
0x7f: {  	_ =	shalt  }
0x80: {  	_ =	shalt  }
0x81: {  	_ =	shalt  }
0x82: {  	_ =	shalt  }
0x83: {  	_ =	shalt  }
0x84: {  	_ =	shalt  }
0x85: {  	_ =	shalt  }
0x86: {  	_ =	shalt  }
0x87: {  	_ =	shalt  }
.Lfunc_end0:
.L_simem_size_0:
called_computation.2_lowered:
.L_overlay_start_0:
0x88: {  	s2 =	sld [smem:$0x3FD9]  }
0x89: {  	s3 =	sld [smem:$0x3FFE];
	_ =	sdelay $0x1  }
0x8a: {  	s1 =	srdreg.scid  }
0x8b: {  	s0 =	sand.u32 $0x1, s1  }
0x8c: {  	s17 =	sshll.u32 s0, $0xA;
	s2 =	sadd.s32 s3, s2  }
0x8d: {  	s2 =	sadd.s32 s2, s17  }
0x8e: {  	[smem:$0x3FB7] =	sst s2  }
0x8f: {  	_ = 	snop  }
0x90: {  	s2 =	sld [smem:$0x3FD0];
	(tm) =	ssettm $0x1  }
0x91: {  	s18 =	sld [smem:$0x3FFB];
	_ =	sdelay $0x3  }
0x92: {  	_ =	strace s18  }
0x93: {  	s3 =	sld [smem:$0x3FFC];
	_ =	sdelay $0x3  }
0x94: {  	_ =	strace s3  }
0x95: {  	s3 =	sld [smem:$0x3FFD];
	_ =	sdelay $0x3  }
0x96: {  	_ =	strace s3  }
0x97: {  	_ =	strace $0x8FFFFFFF  }
0x98: {  	s19 =	sld [smem:$0x3FDB];
	_ =	sdelay $0x1  }
0x99: {  	s4 =	simm.s32 $_scs_section_size  }
0x9a: {  	s5 =	simm.s32 $_size__tile_overlayer_lowered;
	s6 =	simm.s32 $_tile_overlayer_lowered  }
0x9b: {  	s22 =	simm.s32 $0x1BFF;
	s21 =	sshll.u32 s6, $0x1;
	s3 =	sadd.s32 s4, s19  }
0x9c: {  	s7 =	simm.s32 $0x0;
	s20 =	sshll.u32 s5, $0x1;
	s5 =	sadd.s32 s21, s3  }
0x9d: {  	[timem:s7], [sflag:s22] =	dma.local [hbm:s5], s20  }
0x9e: {  	_ =	swait.ge [sflag:s22], s20  }
0x9f: {  	s4 =	ssub.s32 $0x0, s20;
	[sflag:s22] =	ssyncset.done $0x0  }
0xa0: {  	[sflag:s22] =	ssyncadd.s32 s4;
	_ =	sdelay $0x1  }
0xa1: {  	s23 =	simm.s32 $0x1B8B  }
0xa2: {  	_ =	swait.ge [sflag:s23], $0x1  }
0xa3: {  	[sflag:s23] =	ssyncset.done $0x0  }
0xa4: {  	s25 =	simm.s32 $0x1B8E;
	s24 =	sld [smem:$0x3FFE];
	[sflag:s23] =	ssyncadd.s32 $0xFFFFFFFF  }
0xa5: {  	s26 =	simm.s32 $execute0_lowered;
	[smem:$0x3FD2] =	sst s25  }
0xa6: {  	s5 =	sshll.u32 s26, $0x1;
	_ =	strace $0x8000004C;
	[dreg:$0x1] =	wrdreg $0xFFFFFFFF  }
0xa7: {  	s28 =	simm.s32 $_size_execute0_lowered;
	s3 =	sadd.s32 s3, s5;
	[dreg:$0x0] =	wrdreg $0x0  }
0xa8: {  	s5 =	sshll.u32 s28, $0x1;
	[dreg:$0x2] =	wrdreg s3  }
0xa9: {  	[dreg:$0x3] =	wrdreg s5  }
0xaa: {  	[dreg:$0x4] =	wrdreg $0xC0  }
0xab: {  	_ =	task [dreg:s7], $0x5FFFF  }
0xac: {  	[dreg:$0x1] =	wrdreg $0xFFFFFFFF  }
0xad: {  	[dreg:$0x0] =	wrdreg $0x60  }
0xae: {  	[dreg:$0x2] =	wrdreg s24  }
0xaf: {  	[dreg:$0x3] =	wrdreg s2  }
0xb0: {  	[dreg:$0x4] =	wrdreg $0xC9800  }
0xb1: {  	[dreg:$0x5] =	wrdreg $0x9  }
0xb2: {  	_ =	task.clear_ibuf [dreg:s7], $0x6FFFF;
	_ =	strace $0x9000004C  }
0xb3: {  	s29 =	simm.s32 $0x9;
	_ =	strace $0x8000004E  }
0xb4: {  	_ =	swait.ge [sflag:s29], $0x1  }
0xb5: {  	[sflag:s29] =	ssyncadd.s32 $0xFFFFFFFF  }
0xb6: {  	_ =	strace $0x9000004E  }
0xb7: {  	_ =	sfence  }
0xb8: {  	s30 =	sld [smem:$0x0];
	_ =	sdelay $0x2  }
0xb9: {  	s31 =	sshll.u32 s1, $0xD;
	s1 =	sshrl.u32 s1, $0x2  }
0xba: {  	s3 =	sand.u32 $0x4000, s31;
	s1 =	sadd.s32 s1, s30  }
0xbb: {  	s0 =	sor.u32 s3, s0;
	s1 =	sshll.u32 s1, $0x11  }
0xbc: {  	s0 =	sor.u32 s1, s0  }
0xbd: {  	s0 =	sadd.s32 $0x8F2B, s0  }
0xbe: {  	[sflag:s0] =	ssyncadd.remote.s32 $0x1  }
0xbf: {  	_ =	sfence.sel $0xFFFF  }
0xc0: {  	[dreg:$0x0] =	wrdreg $0xFFFFFFFF;
	(pc) =	sbr.abs _section_cstart, $3  }
0xc1: {  	[dreg:$0x1] =	wrdreg $0xFFFFFFFF  }
0xc2: {  	_ =	task.clear_ibuf [dreg:s7], $0x2FFFF;
	_ =	strace $0x9FFFFFFF  }
0xc3: {  	(tm) =	ssettm $0x7FFFFFFF  }
tec
execute0_lowered:
.L_overlay_start_1:
0x0: {  	(tag) =	ssettag $0x1  }
0x1: {  	s4 =	rddreg [dreg:$0x0]  }
0x2: {  	s10 =	rddreg [dreg:$0x1]  }
0x3: {  	s7 =	rddreg [dreg:$0x2]  }
0x4: {  	s0 =	rddreg [dreg:$0x3];
	s2 =	simm.s32 $0x0;
	s1 =	stileid.u32  }
0x5: {  	s6 =	srdreg.scid;
	s13 =	simm.s32 $0x2800;
	s14 =	simm.s32 $0x7620  }
0x6: {  	s15 =	simm.s32 $0xC440;
	s16 =	simm.s32 $0xC8C0;
	s17 =	simm.s32 $0xC900  }
0x7: {  	s19 =	simm.s32 $0xC880;
	s20 =	simm.s32 $0x0;
	[smem:$0x7FF] =	sst s2  }
0x8: {  	s5 =	smul.u32 $0x4E20, s1;
	s3 =	sadd.s32 $0x2800, s4;
	s18 =	sand.u32 $0x1, s6  }
0x9: {  	s11 =	sshll.u32 s1, $0x3;
	s31 =	sshll.u32 s1, $0xA;
	s8 =	sshll.u32 s1, $0x6  }
0xa: {  	_ =	strace $0x8000004D;
	s6 =	ssub.s32 $0x2, s18;
	s9 =	sadd.s32 s11, s4  }
0xb: {  	s10 =	sadd.s32 s10, s11;
	p0 =	sne.s32 s18, $0x0;
	s5 =	sshrl.u32 s5, $0x3  }
0xc: {  	s18 =	simm.s32 $0xC840;
	s30 =	sshrl.u32 s6, $0x1;
	s5 =	sadd.s32 s5, s4  }
0xd: {  	s12 =	ssub.s32 s6, s30;
	s6 =	sadd.s32 s31, s7;
	s7 =	sadd.s32 s8, s7  }
0xe: {  	s8 =	sadd.s32 $0x3000, s9;
	s9 =	sadd.s32 $0x2E00, s9;
	s4 =	sadd.s32 $0x3A00, s5  }
0xf: {  	v0 =	vimm.f32 $0.0e+00;
	s5 =	sadd.s32 $0xD640, s5;
	s11 =	smax.u32 s12, $0x1;
	s12 =	simm.s32 $0x1  }
.LBB2_1:
0x10: {  	s21 =	simm.s32 $0x40;
	s22 =	simm.s32 $0x0  }
.LBB2_2:
0x11: {  	p1 =	sne.s32 s21, $0xFC0;
	[tilespmem:s22+$0xC440] =	vst v0;
	s22 =	smov.u32 s21;
	s21 =	sadd.s32 $0x40, s21  }
.Ltmp0:
0x12: {  	(pc) =	sbr.rel @p1 .LBB2_2-.Ltmp0, $2  }
0x13: {  	_ =	sdelay $0x2  }
0x14: {  	s22 =	sshra.s32 s22, $0x2  }
0x15: {  	[tilespmem:s22+$0xC440] =	vst v0;
	s21 =	simm.s32 $0x0  }
0x16: {  	[tilespmem:s21], [sflag:$0x1] =	stream.linear.gather [hbm4b:s3+s21], $0x2800, $0x38;
	[tilespmem:$0xCD80] =	vst v63  }
0x17: {  	_ =	swait.ge [sflag:s12], $0x2800  }
0x18: {  	[sflag:s12] =	ssyncset.done $0x0  }
0x19: {  	[sflag:s12] =	ssyncadd.s32 $0xFFFFD800  }
0x1a: {  	[tilespmem:s13], [sflag:$0x1] =	stream.linear.gather [hbm4b:s4+s21], $0x4E20, $0x38;
	[tilespmem:$0xCD80] =	vst v63  }
0x1b: {  	_ =	swait.ge [sflag:s12], $0x4E20  }
0x1c: {  	[sflag:s12] =	ssyncset.done $0x0  }
0x1d: {  	[sflag:s12] =	ssyncadd.s32 $0xFFFFB1E0  }
0x1e: {  	[tilespmem:s14], [sflag:$0x1] =	stream.linear.gather [hbm4b:s5+s21], $0x4E20, $0x38;
	[tilespmem:$0xCD80] =	vst v63  }
0x1f: {  	_ =	swait.ge [sflag:s12], $0x4E20  }
0x20: {  	[sflag:s12] =	ssyncset.done $0x0  }
0x21: {  	[sflag:s12] =	ssyncadd.s32 $0xFFFFB1E0  }
.LBB2_4:
0x22: {  	s22 =	sshra.s32 s21, $0x2  }
0x23: {  	v1 =	vld [tilespmem:s22+$0x2800];
	_ =	sdelay $0x1  }
0x24: {  	v2 =	vld [tilespmem:s22+$0x7620];
	_ =	sdelay $0x4  }
0x25: {  	vm0 =	vlt.s32 v2, $0x400  }
0x26: {  	v2 =	vnsel vm0, $0x0, v2;
	v1 =	vld.idx.msk [tilespmem:v1+s2+$0x0], $0xffff;
	_ =	sdelay $0x4  }
0x27: {  	[tilespmem:v2+s15+$0x0] =	vst.idx.add.f32.msk vm0, v1  }
0x28: {  	v1 =	vld [tilespmem:s22+$0x2810];
	_ =	sdelay $0x1  }
0x29: {  	v2 =	vld [tilespmem:s22+$0x7630];
	_ =	sdelay $0x4  }
0x2a: {  	vm12 =	vlt.s32 v2, $0x400  }
0x2b: {  	v2 =	vnsel vm12, $0x0, v2;
	v1 =	vld.idx.msk [tilespmem:v1+s2+$0x0], $0xffff;
	_ =	sdelay $0x4  }
0x2c: {  	[tilespmem:v2+s15+$0x0] =	vst.idx.add.f32.msk vm12, v1  }
0x2d: {  	v1 =	vld [tilespmem:s22+$0x2820];
	_ =	sdelay $0x1  }
0x2e: {  	v2 =	vld [tilespmem:s22+$0x7640];
	_ =	sdelay $0x4  }
0x2f: {  	vm13 =	vlt.s32 v2, $0x400  }
0x30: {  	v2 =	vnsel vm13, $0x0, v2;
	v1 =	vld.idx.msk [tilespmem:v1+s2+$0x0], $0xffff;
	_ =	sdelay $0x4  }
0x31: {  	[tilespmem:v2+s15+$0x0] =	vst.idx.add.f32.msk vm13, v1  }
0x32: {  	v1 =	vld [tilespmem:s22+$0x2830];
	_ =	sdelay $0x1  }
0x33: {  	v2 =	vld [tilespmem:s22+$0x7650];
	_ =	sdelay $0x4  }
0x34: {  	vm14 =	vlt.s32 v2, $0x400  }
0x35: {  	v2 =	vnsel vm14, $0x0, v2;
	v1 =	vld.idx.msk [tilespmem:v1+s2+$0x0], $0xffff;
	_ =	sdelay $0x4  }
0x36: {  	[tilespmem:v2+s15+$0x0] =	vst.idx.add.f32.msk vm14, v1  }
0x37: {  	v1 =	vld [tilespmem:s22+$0x2840];
	_ =	sdelay $0x1  }
0x38: {  	v2 =	vld [tilespmem:s22+$0x7660];
	_ =	sdelay $0x4  }
0x39: {  	vm15 =	vlt.s32 v2, $0x400  }
0x3a: {  	p1 =	sne.s32 s21, $0x13740;
	v2 =	vnsel vm15, $0x0, v2;
	v1 =	vld.idx.msk [tilespmem:v1+s2+$0x0], $0xffff  }
.Ltmp1:
0x3b: {  	_ = 	snop;
	(pc) =	sbr.rel @p1 .LBB2_4-.Ltmp1, $2  }
0x3c: {  	_ =	sdelay $0x2  }
0x3d: {  	s21 =	sadd.s32 $0x140, s21;
	[tilespmem:v2+s15+$0x0] =	vst.idx.add.f32.msk vm15, v1  }
0x3e: {  	[spmem:s6] =	stream.linear.scatter [tilespmem:s15], [sflag:$0x1], $0x400, $0x38;
	[tilespmem:$0xCD80] =	vst v63  }
0x3f: {  	_ =	swait.ge [sflag:s12], $0x400  }
0x40: {  	[sflag:s12] =	ssyncset.done $0x0  }
0x41: {  	[sflag:s12] =	ssyncadd.s32 $0xFFFFFC00  }
0x42: {  	[bflag:$0x0] =	sbarrier.arrive $0xFFFF  }
0x43: {  	[tilespmem:s16], [sflag:$0x1] =	stream.linear.gather [spmem:s7], $0x40, $0x38;
	[tilespmem:$0xCD80] =	vst v63  }
0x44: {  	_ =	swait.ge [sflag:s12], $0x40  }
0x45: {  	[sflag:s12] =	ssyncset.done $0x0  }
0x46: {  	s21 =	sadd.s32 $0x400, s7;
	[sflag:s12] =	ssyncadd.s32 $0xFFFFFFC0  }
0x47: {  	[tilespmem:s17], [sflag:$0x1] =	stream.linear.gather [spmem:s21], $0x40, $0x38;
	[tilespmem:$0xCD80] =	vst v63  }
0x48: {  	_ =	swait.ge [sflag:s12], $0x40  }
0x49: {  	[sflag:s12] =	ssyncset.done $0x0  }
0x4a: {  	[sflag:s12] =	ssyncadd.s32 $0xFFFFFFC0  }
0x4b: {  	v3 =	vld [tilespmem:$0xC930]  }
0x4c: {  	v2 =	vld [tilespmem:$0xC920]  }
0x4d: {  	v1 =	vld [tilespmem:$0xC910]  }
0x4e: {  	v5 =	vld [tilespmem:$0xC8F0]  }
0x4f: {  	v4 =	vld [tilespmem:$0xC900]  }
0x50: {  	v7 =	vld [tilespmem:$0xC8E0]  }
0x51: {  	s21 =	simm.s32 $0x2000;
	v6 =	vld [tilespmem:$0xC8D0]  }
.LBB2_6:
0x52: {  	p1 =	sne.s32 s21, $0xF000;
	v8 =	vld [tilespmem:$0xC8C0];
	s22 =	smov.u32 s21;
	s21 =	sadd.s32 $0x1000, s21  }
0x53: {  	v3 =	vadd.f32 v3, v5;
	_ =	sdelay $0x1  }
0x54: {  	v2 =	vadd.f32 v2, v7;
	[tilespmem:$0xC8F0] =	vst v3  }
0x55: {  	v1 =	vadd.f32 v1, v6  }
0x56: {  	v3 =	vadd.f32 v4, v8;
	[tilespmem:$0xC8E0] =	vst v2  }
0x57: {  	s22 =	sshra.s32 s22, $0x2;
	[tilespmem:$0xC8D0] =	vst v1  }
0x58: {  	s22 =	sadd.s32 s22, s7;
	[tilespmem:$0xC8C0] =	vst v3  }
0x59: {  	[tilespmem:s17], [sflag:$0x1] =	stream.linear.gather [spmem:s22], $0x40, $0x38;
	[tilespmem:$0xCD80] =	vst v63  }
0x5a: {  	_ =	swait.ge [sflag:s12], $0x40  }
0x5b: {  	[sflag:s12] =	ssyncset.done $0x0  }
0x5c: {  	[sflag:s12] =	ssyncadd.s32 $0xFFFFFFC0  }
0x5d: {  	v3 =	vld [tilespmem:$0xC930]  }
0x5e: {  	v2 =	vld [tilespmem:$0xC920]  }
.Ltmp2:
0x5f: {  	v1 =	vld [tilespmem:$0xC910];
	(pc) =	sbr.rel @p1 .LBB2_6-.Ltmp2, $4  }
0x60: {  	v5 =	vld [tilespmem:$0xC8F0]  }
0x61: {  	v4 =	vld [tilespmem:$0xC900]  }
0x62: {  	v7 =	vld [tilespmem:$0xC8E0]  }
0x63: {  	v6 =	vld [tilespmem:$0xC8D0]  }
0x64: {  	v8 =	vld [tilespmem:$0xC8C0];
	_ =	sdelay $0x1  }
0x65: {  	v3 =	vadd.f32 v3, v5  }
0x66: {  	v2 =	vadd.f32 v2, v7  }
0x67: {  	[tilespmem:$0xC8F0] =	vst v3;
	v1 =	vadd.f32 v1, v6  }
0x68: {  	v3 =	vadd.f32 v4, v8;
	[tilespmem:$0xC8E0] =	vst v2  }
0x69: {  	[tilespmem:$0xC8D0] =	vst v1  }
0x6a: {  	[tilespmem:$0xC8C0] =	vst v3  }
0x6b: {  	[tilespmem:s18], [sflag:$0x1] =	stream.linear.gather [hbm4b:s8+s2], $0x40, $0x38;
	[tilespmem:$0xCD80] =	vst v63  }
0x6c: {  	_ =	swait.ge [sflag:s12], $0x40  }
0x6d: {  	[sflag:s12] =	ssyncset.done $0x0  }
0x6e: {  	[sflag:s12] =	ssyncadd.s32 $0xFFFFFFC0  }
0x6f: {  	[tilespmem:s19], [sflag:$0x1] =	stream.linear.gather [hbm4b:s9+s2], $0x40, $0x38;
	[tilespmem:$0xCD80] =	vst v63  }
0x70: {  	_ =	swait.ge [sflag:s12], $0x40  }
0x71: {  	[sflag:s12] =	ssyncset.done $0x0  }
0x72: {  	[sflag:s12] =	ssyncadd.s32 $0xFFFFFFC0  }
0x73: {  	v1 =	vld [tilespmem:$0xC840]  }
0x74: {  	v2 =	vld [tilespmem:$0xC8C0]  }
0x75: {  	v3 =	vld [tilespmem:$0xC880]  }
0x76: {  	v58 =	vld [tilespmem:$0xC850]  }
0x77: {  	v59 =	vld [tilespmem:$0xC8D0]  }
0x78: {  	v60 =	vld [tilespmem:$0xC890]  }
0x79: {  	v61 =	vld [tilespmem:$0xC8E0]  }
0x7a: {  	v62 =	vld [tilespmem:$0xC8A0]  }
0x7b: {  	v9 =	vld [tilespmem:$0xC8F0]  }
0x7c: {  	v10 =	vld [tilespmem:$0xC8B0]  }
0x7d: {  	v11 =	vld [tilespmem:$0xC860]  }
0x7e: {  	v2 =	vmul.f32 v3, v2;
	v3 =	vld [tilespmem:$0xC870]  }
0x7f: {  	v5 =	vmul.f32 v60, v59  }
0x80: {  	v1 =	vadd.f32 v2, v1;
	v2 =	vmul.f32 v62, v61  }
0x81: {  	v63 =	vmul.f32 v10, v9;
	v4 =	vadd.f32 v5, v58  }
0x82: {  	[tilespmem:$0xC940] =	vst v1;
	v1 =	vadd.f32 v2, v11  }
0x83: {  	[tilespmem:$0xC950] =	vst v4;
	v2 =	vadd.f32 v63, v3  }
0x84: {  	s20 =	sadd.s32 $0x1, s20;
	[tilespmem:$0xC960] =	vst v1  }
0x85: {  	s21 =	simm.s32 @!p0 $0x0;
	s22 =	simm.s32 @!p0 $0xC940;
	p1 =	sne.s32 s20, s11;
	[tilespmem:$0xC970] =	vst v2  }
0x86: {  	[hbm4b:s10+s21] =	stream.linear.scatter @!p0 [tilespmem:s22], [sflag:$0x1], $0x40, $0x38;
	[tilespmem:$0xCD80] =	vst v63  }
.Ltmp3:
0x87: {  	_ = 	snop;
	(pc) =	sbr.rel @p1 .LBB2_1-.Ltmp3, $4  }
0x88: {  	s21 =	simm.s32 @!p0 $0x1  }
0x89: {  	_ =	swait.ge @!p0 [sflag:s21], $0x40  }
0x8a: {  	[sflag:s21] =	ssyncset.done @!p0 $0x0  }
0x8b: {  	[sflag:s21] =	ssyncadd.s32 @!p0 $0xFFFFFFC0  }
0x8c: {  	_ =	sfence.sel $0x180000  }
0x8d: {  	[bflag:$0x0] =	sbarrier.arrive $0xFFFF  }
0x8e: {  	p0 =	sne.s32 s1, $0x0;
	_ =	strace $0x9000004D  }
0x8f: {  	s0 =	sadd.s32 @!p0 $0x100000, s0;
	[bflag:$0x2] =	sbarrier.arrive $0xFFFF  }
0x90: {  	[sflag:s0] =	ssyncadd.tile.s32 @!p0 $0x1;
	_ =	shalt  }
.Lfunc_end2:
_tile_overlayer_lowered:
.L_overlay_start_2:
0x91: {  	(tag) =	ssettag $0x2  }
0x92: {  	s0 =	rddreg [dreg:$0x0];
	s2 =	stileid.u32  }
0x93: {  	s1 =	rddreg [dreg:$0x1];
	p0 =	sne.s32 s2, $0x0  }
0x94: {  	s3 =	rddreg [dreg:$0x2];
	[bflag:$0x3] =	sbarrier.arrive $0xFFFF;
	s2 =	simm.s32 @!p0 $0x1C01  }
0x95: {  	[timem:s3], [sflag:s2] =	dma.local @!p0 [hbm:s0], s1  }
0x96: {  	s0 =	simm.s32 @!p0 $0x1  }
0x97: {  	_ =	swait.ge @!p0 [sflag:s0], s1  }
0x98: {  	s1 =	ssub.s32 @!p0 $0x0, s1;
	[sflag:s0] =	ssyncset.done @!p0 $0x0  }
0x99: {  	[sflag:s0] =	ssyncadd.s32 @!p0 s1  }
0x9a: {  	[bflag:$0x3] =	sbarrier.arrive $0xFFFF  }
0x9b: {  	_ =	shalt  }

// kernel: kernel.7.cloned.1.call-start
scs
__scs_entry_jumppad:
0x0: {  	(pc) =	sbr.rel $0x88, $3  }
0x1: {  	(tag) =	ssettag $0x0;
	lr =	simm.s32 $0x1  }
0x2: {  	[smem:$0x3F90] =	sst lr;
	_ =	strace $0xD0000000  }
0x3: {  	_ = 	snop  }
0x4: {  	_ = 	snop  }
0x5: {  	_ = 	snop  }
0x6: {  	_ = 	snop  }
0x7: {  	_ = 	snop  }
__scs_overlays_trampoline_lowered:
0x8: {  	[smem:$0x3F9F] =	sst s0  }
0x9: {  	[smem:$0x3FA0] =	sst s1  }
0xa: {  	[smem:$0x3FA1] =	sst s2  }
0xb: {  	[smem:$0x3FA2] =	sst s3  }
0xc: {  	[smem:$0x3FA3] =	sst s4  }
0xd: {  	[smem:$0x3FA4] =	sst s5  }
0xe: {  	[smem:$0x3FA5] =	sst s6  }
0xf: {  	[smem:$0x3FA6] =	sst s7  }
0x10: {  	[smem:$0x3FA7] =	sst s8  }
0x11: {  	[smem:$0x3FA8] =	sst s9;
	s0 =	simm.s32 @!p0 $0x0  }
0x12: {  	s1 =	sld [smem:$0x3F8E];
	s0 =	simm.s32 @p0 $0x1  }
0x13: {  	[smem:$0x3FA9] =	sst s0;
	s0 =	simm.s32 @!p1 $0x0  }
0x14: {  	s2 =	sld [smem:$0x3F8D];
	s0 =	simm.s32 @p1 $0x1  }
0x15: {  	[smem:$0x3FAA] =	sst s0;
	s0 =	simm.s32 @!p2 $0x0  }
0x16: {  	s3 =	sld [smem:$0x3FDB];
	s0 =	simm.s32 @p2 $0x1  }
0x17: {  	s4 =	simm.s32 $0x1BF5;
	[smem:$0x3FAC] =	sst s0  }
0x18: {  	s0 =	sld [smem:$0x3F8F];
	_ =	swait.ge [sflag:s4], $0x0  }
0x19: {  	s7 =	sld [smem:$0x3F90]  }
0x1a: {  	s8 =	sadd.s32 $0xFFFFE003, lr  }
0x1b: {  	s9 =	sadd.s32 $0xFFFFFEF7, lr;
	s5 =	simm.s32 $0xFFFFFFFF;
	p2 =	slt.u32 s8, $0xFFFFF086  }
0x1c: {  	p1 =	slt.u32 s9, $0xF7A;
	s5 =	simm.s32 @!p2 $0x0  }
0x1d: {  	s5 =	simm.s32 @p1 $0x1;
	p0 =	seq.s32 s7, s2  }
0x1e: {  	s7 =	smul.u32 @!p0 $0xF7A, s2;
	p2 =	seq.s32 @!p0 s5, $0x0  }
0x1f: {  	s9 =	smul.u32 $0xF7A, s1;
	s8 =	simm.s32 @!p0 $0x1BF5;
	p2 =	por !p2, p0  }
0x20: {  	[sflag:s8] =	ssyncset.s32 @!p0 $0xFFFFF086;
	s6 =	sadd.s32 @!p0 s3, s7;
	s7 =	simm.s32 @!p0 $0x108  }
0x21: {  	s3 =	sadd.s32 s3, s9;
	s6 =	sadd.s32 @!p0 $0x88, s6;
	s7 =	simm.s32 @p2 $0x1082  }
0x22: {  	[simem:s7], [sflag:s8] =	dma.local @!p0 [hbm:s6], $0xF7A  }
0x23: {  	s9 =	sor.u32 $0xD0000000, s2;
	s6 =	simm.s32 $0x108;
	_ =	swait.ge @!p0 [sflag:s8], $0x0  }
0x24: {  	s3 =	sadd.s32 $0x88, s3;
	s6 =	simm.s32 @!p1 $0x1082;
	[sflag:s4] =	ssyncset.s32 $0xFFFFF086  }
0x25: {  	[simem:s6], [sflag:s4] =	dma.local [hbm:s3], $0xF7A  }
0x26: {  	[smem:$0x3F90] =	sst s1;
	(tag) =	ssettag s2;
	_ =	strace s9  }
0x27: {  	s1 =	sld [smem:$0x3FA0]  }
0x28: {  	s2 =	sld [smem:$0x3FA1]  }
0x29: {  	s4 =	sld [smem:$0x3FA3]  }
0x2a: {  	p0 =	seq.s32 s5, $0x0;
	s5 =	sld [smem:$0x3FA4]  }
0x2b: {  	s6 =	sld [smem:$0x3FA5]  }
0x2c: {  	s7 =	sld [smem:$0x3FA6]  }
0x2d: {  	s3 =	simm.s32 $0x108;
	s8 =	sld [smem:$0x3FA7]  }
0x2e: {  	s3 =	simm.s32 @!p0 $0x1082;
	s9 =	sld [smem:$0x3FA8]  }
0x2f: {  	lr =	sadd.s32 s0, s3;
	s0 =	sld [smem:$0x3F9F]  }
0x30: {  	s3 =	sld [smem:$0x3FA2]  }
0x31: {  	[smem:$0x3FAB] =	sst s10  }
0x32: {  	s10 =	sld [smem:$0x3FA9];
	_ =	sdelay $0x3  }
0x33: {  	p0 =	seq.s32 s10, $0x1;
	s10 =	sld [smem:$0x3FAB];
	_ =	sdelay $0x3  }
0x34: {  	[smem:$0x3FAB] =	sst s10  }
0x35: {  	s10 =	sld [smem:$0x3FAA];
	_ =	sdelay $0x3  }
0x36: {  	p1 =	seq.s32 s10, $0x1;
	s10 =	sld [smem:$0x3FAB];
	_ =	sdelay $0x3  }
0x37: {  	[smem:$0x3FAB] =	sst s10  }
0x38: {  	s10 =	sld [smem:$0x3FAC]  }
0x39: {  	_ = 	snop;
	(pc) =	sbr.ind lr, $3  }
0x3a: {  	_ = 	snop  }
0x3b: {  	_ = 	snop  }
0x3c: {  	p2 =	seq.s32 s10, $0x1;
	s10 =	sld [smem:$0x3FAB]  }
0x3d: {  	_ =	shalt  }
0x3e: {  	_ =	shalt  }
0x3f: {  	_ =	shalt  }
0x40: {  	_ =	shalt  }
0x41: {  	_ =	shalt  }
0x42: {  	_ =	shalt  }
0x43: {  	_ =	shalt  }
0x44: {  	_ =	shalt  }
0x45: {  	_ =	shalt  }
0x46: {  	_ =	shalt  }
0x47: {  	_ =	shalt  }
0x48: {  	_ =	shalt  }
0x49: {  	_ =	shalt  }
0x4a: {  	_ =	shalt  }
0x4b: {  	_ =	shalt  }
0x4c: {  	_ =	shalt  }
0x4d: {  	_ =	shalt  }
0x4e: {  	_ =	shalt  }
0x4f: {  	_ =	shalt  }
0x50: {  	_ =	shalt  }
0x51: {  	_ =	shalt  }
0x52: {  	_ =	shalt  }
0x53: {  	_ =	shalt  }
0x54: {  	_ =	shalt  }
0x55: {  	_ =	shalt  }
0x56: {  	_ =	shalt  }
0x57: {  	_ =	shalt  }
0x58: {  	_ =	shalt  }
0x59: {  	_ =	shalt  }
0x5a: {  	_ =	shalt  }
0x5b: {  	_ =	shalt  }
0x5c: {  	_ =	shalt  }
0x5d: {  	_ =	shalt  }
0x5e: {  	_ =	shalt  }
0x5f: {  	_ =	shalt  }
0x60: {  	_ =	shalt  }
0x61: {  	_ =	shalt  }
0x62: {  	_ =	shalt  }
0x63: {  	_ =	shalt  }
0x64: {  	_ =	shalt  }
0x65: {  	_ =	shalt  }
0x66: {  	_ =	shalt  }
0x67: {  	_ =	shalt  }
0x68: {  	_ =	shalt  }
0x69: {  	_ =	shalt  }
0x6a: {  	_ =	shalt  }
0x6b: {  	_ =	shalt  }
0x6c: {  	_ =	shalt  }
0x6d: {  	_ =	shalt  }
0x6e: {  	_ =	shalt  }
0x6f: {  	_ =	shalt  }
0x70: {  	_ =	shalt  }
0x71: {  	_ =	shalt  }
0x72: {  	_ =	shalt  }
0x73: {  	_ =	shalt  }
0x74: {  	_ =	shalt  }
0x75: {  	_ =	shalt  }
0x76: {  	_ =	shalt  }
0x77: {  	_ =	shalt  }
0x78: {  	_ =	shalt  }
0x79: {  	_ =	shalt  }
0x7a: {  	_ =	shalt  }
0x7b: {  	_ =	shalt  }
0x7c: {  	_ =	shalt  }
0x7d: {  	_ =	shalt  }
0x7e: {  	_ =	shalt  }
0x7f: {  	_ =	shalt  }
0x80: {  	_ =	shalt  }
0x81: {  	_ =	shalt  }
0x82: {  	_ =	shalt  }
0x83: {  	_ =	shalt  }
0x84: {  	_ =	shalt  }
0x85: {  	_ =	shalt  }
0x86: {  	_ =	shalt  }
0x87: {  	_ =	shalt  }
.Lfunc_end0:
.L_simem_size_0:
called_computation_lowered:
.L_overlay_start_0:
0x88: {  	s2 =	sld [smem:$0x3FD9]  }
0x89: {  	s3 =	sld [smem:$0x3FFE];
	_ =	sdelay $0x1  }
0x8a: {  	s1 =	srdreg.scid  }
0x8b: {  	s0 =	sand.u32 $0x1, s1  }
0x8c: {  	s17 =	sshll.u32 s0, $0xA;
	s2 =	sadd.s32 s3, s2  }
0x8d: {  	s2 =	sadd.s32 s2, s17  }
0x8e: {  	[smem:$0x3FB7] =	sst s2  }
0x8f: {  	_ = 	snop  }
0x90: {  	s2 =	sld [smem:$0x3FC6];
	(tm) =	ssettm $0x1  }
0x91: {  	s18 =	sld [smem:$0x3FFB];
	_ =	sdelay $0x3  }
0x92: {  	_ =	strace s18  }
0x93: {  	s3 =	sld [smem:$0x3FFC];
	_ =	sdelay $0x3  }
0x94: {  	_ =	strace s3  }
0x95: {  	s3 =	sld [smem:$0x3FFD];
	_ =	sdelay $0x3  }
0x96: {  	_ =	strace s3  }
0x97: {  	_ =	strace $0x8FFFFFFF  }
0x98: {  	s19 =	sld [smem:$0x3FDB];
	_ =	sdelay $0x1  }
0x99: {  	s4 =	simm.s32 $_scs_section_size  }
0x9a: {  	s5 =	simm.s32 $_size__tile_overlayer_lowered;
	s6 =	simm.s32 $_tile_overlayer_lowered  }
0x9b: {  	s22 =	simm.s32 $0x1BFF;
	s21 =	sshll.u32 s6, $0x1;
	s3 =	sadd.s32 s4, s19  }
0x9c: {  	s7 =	simm.s32 $0x0;
	s20 =	sshll.u32 s5, $0x1;
	s5 =	sadd.s32 s21, s3  }
0x9d: {  	[timem:s7], [sflag:s22] =	dma.local [hbm:s5], s20  }
0x9e: {  	_ =	swait.ge [sflag:s22], s20  }
0x9f: {  	s4 =	ssub.s32 $0x0, s20;
	[sflag:s22] =	ssyncset.done $0x0  }
0xa0: {  	[sflag:s22] =	ssyncadd.s32 s4;
	_ =	sdelay $0x1  }
0xa1: {  	s23 =	simm.s32 $0x1B8B  }
0xa2: {  	_ =	swait.ge [sflag:s23], $0x1  }
0xa3: {  	[sflag:s23] =	ssyncset.done $0x0  }
0xa4: {  	s25 =	simm.s32 $0x1B8E;
	s24 =	sld [smem:$0x3FFE];
	[sflag:s23] =	ssyncadd.s32 $0xFFFFFFFF  }
0xa5: {  	s26 =	simm.s32 $execute0_lowered;
	[smem:$0x3FD2] =	sst s25  }
0xa6: {  	s5 =	sshll.u32 s26, $0x1;
	_ =	strace $0x80000046;
	[dreg:$0x1] =	wrdreg $0xFFFFFFFF  }
0xa7: {  	s28 =	simm.s32 $_size_execute0_lowered;
	s3 =	sadd.s32 s3, s5;
	[dreg:$0x0] =	wrdreg $0x0  }
0xa8: {  	s5 =	sshll.u32 s28, $0x1;
	[dreg:$0x2] =	wrdreg s3  }
0xa9: {  	[dreg:$0x3] =	wrdreg s5  }
0xaa: {  	[dreg:$0x4] =	wrdreg $0xC0  }
0xab: {  	_ =	task [dreg:s7], $0x5FFFF  }
0xac: {  	[dreg:$0x1] =	wrdreg $0xFFFFFFFF  }
0xad: {  	[dreg:$0x0] =	wrdreg $0x60  }
0xae: {  	[dreg:$0x2] =	wrdreg s24  }
0xaf: {  	[dreg:$0x3] =	wrdreg s2  }
0xb0: {  	[dreg:$0x4] =	wrdreg $0x9  }
0xb1: {  	_ =	task.clear_ibuf [dreg:s7], $0x5FFFF;
	_ =	strace $0x90000046  }
0xb2: {  	s29 =	simm.s32 $0x9;
	_ =	strace $0x80000048  }
0xb3: {  	_ =	swait.ge [sflag:s29], $0x1  }
0xb4: {  	[sflag:s29] =	ssyncadd.s32 $0xFFFFFFFF  }
0xb5: {  	_ =	strace $0x90000048  }
0xb6: {  	_ =	sfence  }
0xb7: {  	s30 =	sld [smem:$0x0];
	_ =	sdelay $0x2  }
0xb8: {  	s31 =	sshll.u32 s1, $0xD;
	s1 =	sshrl.u32 s1, $0x2  }
0xb9: {  	s3 =	sand.u32 $0x4000, s31;
	s1 =	sadd.s32 s1, s30  }
0xba: {  	s0 =	sor.u32 s3, s0;
	s1 =	sshll.u32 s1, $0x11  }
0xbb: {  	s0 =	sor.u32 s1, s0  }
0xbc: {  	s0 =	sadd.s32 $0x8F2B, s0  }
0xbd: {  	[sflag:s0] =	ssyncadd.remote.s32 $0x1  }
0xbe: {  	_ =	sfence.sel $0xFFFF  }
0xbf: {  	[dreg:$0x0] =	wrdreg $0xFFFFFFFF;
	(pc) =	sbr.abs _section_cstart, $3  }
0xc0: {  	[dreg:$0x1] =	wrdreg $0xFFFFFFFF  }
0xc1: {  	_ =	task.clear_ibuf [dreg:s7], $0x2FFFF;
	_ =	strace $0x9FFFFFFF  }
0xc2: {  	(tm) =	ssettm $0x7FFFFFFF  }
0xc3: {  	_ =	shalt  }
tec
execute0_lowered:
.L_overlay_start_1:
0x0: {  	(tag) =	ssettag $0x1  }
0x1: {  	s4 =	rddreg [dreg:$0x0]  }
0x2: {  	s1 =	rddreg [dreg:$0x1];
	s2 =	simm.s32 $0x0  }
0x3: {  	[smem:$0x7FF] =	sst s2  }
0x4: {  	s0 =	rddreg [dreg:$0x2];
	v0 =	vimm.f32 $8.640000000e+04;
	_ =	strace $0x80000047  }
0x5: {  	(erf) = vrcp.f32 v0;
	_ =	sdelay $0x2  }
0x6: {  	s5 =	srdreg.scid;
	s3 =	stileid.u32  }
0x7: {  	s5 =	sand.u32 $0x1, s5;
	s6 =	sshll.u32 s3, $0x1  }
0x8: {  	s8 =	simm.s32 $0x1;
	s6 =	sor.u32 s5, s6;
	s5 =	ssub.s32 $0x2, s5  }
0x9: {  	s9 =	simm.s32 $0x400;
	s6 =	smul.u32 $0x28, s6;
	s7 =	sshrl.u32 s5, $0x1  }
0xa: {  	s10 =	simm.s32 $0x540;
	s11 =	simm.s32 $0x680;
	s7 =	ssub.s32 s5, s7  }
0xb: {  	s12 =	simm.s32 $0x0;
	s6 =	sadd.s32 s6, s4;
	s7 =	smax.u32 s7, $0x1  }
0xc: {  	s4 =	sadd.s32 $0x2E00, s6;
	s5 =	sadd.s32 $0x2800, s6;
	s6 =	sadd.s32 $0x3400, s6;
	v0 =	vpop (erf)  }
.LBB2_1:
0xd: {  	[tilespmem:s2], [sflag:$0x1] =	stream.linear.gather [hbm4b:s1+s2], $0x400, $0x38;
	[tilespmem:$0x7C0] =	vst v63  }
0xe: {  	_ =	swait.ge [sflag:s8], $0x400  }
0xf: {  	[sflag:s8] =	ssyncset.done $0x0  }
0x10: {  	[sflag:s8] =	ssyncadd.s32 $0xFFFFFC00  }
0x11: {  	[tilespmem:s9], [sflag:$0x1] =	stream.linear.gather [hbm4b:s4+s2], $0x140, $0x38;
	[tilespmem:$0x7C0] =	vst v63  }
0x12: {  	_ =	swait.ge [sflag:s8], $0x140  }
0x13: {  	[sflag:s8] =	ssyncset.done $0x0  }
0x14: {  	[sflag:s8] =	ssyncadd.s32 $0xFFFFFEC0  }
0x15: {  	[tilespmem:s10], [sflag:$0x1] =	stream.linear.gather [hbm4b:s5+s2], $0x140, $0x38;
	[tilespmem:$0x7C0] =	vst v63  }
0x16: {  	_ =	swait.ge [sflag:s8], $0x140  }
0x17: {  	[sflag:s8] =	ssyncset.done $0x0  }
0x18: {  	s13 =	simm.s32 $0x0;
	[sflag:s8] =	ssyncadd.s32 $0xFFFFFEC0  }
0x19: {  	v1 =	vld [tilespmem:s13+$0x400];
	_ =	sdelay $0x6  }
0x1a: {  	v2 =	vld [tilespmem:s13+$0x540]  }
0x1b: {  	v1 =	vld.idx.msk [tilespmem:v1+s2+$0x0], $0xffff;
	_ =	sdelay $0x1  }
0x1c: {  	s14 =	simm.s32 $0x10;
	s15 =	simm.s32 $0x80  }
.LBB2_2:
0x1d: {  	p0 =	sne.s32 s15, $0x4C0;
	v3 =	vld [tilespmem:s14+$0x400];
	_ =	sdelay $0x1  }
0x1e: {  	v1 =	vsub.s32 v1, v2  }
0x1f: {  	v1 =	vcvt.s32.f32 v1;
	_ =	sdelay $0x1  }
0x20: {  	v1 =	vmul.f32 v1, v0;
	_ =	sdelay $0x1  }
.Ltmp0:
0x21: {  	[tilespmem:s13+$0x680] =	vst v1;
	s13 =	smov.u32 s14;
	(pc) =	sbr.rel @p0 .LBB2_2-.Ltmp0, $3  }
0x22: {  	v1 =	vld.idx.msk [tilespmem:v3+s2+$0x0], $0xffff  }
0x23: {  	v2 =	vld [tilespmem:s13+$0x540];
	_ =	sdelay $0x1  }
0x24: {  	s14 =	sshra.s32 s15, $0x2;
	s15 =	sadd.s32 $0x40, s15  }
0x25: {  	v3 =	vld [tilespmem:s14+$0x400];
	_ =	sdelay $0x1  }
0x26: {  	v1 =	vsub.s32 v1, v2  }
0x27: {  	v1 =	vcvt.s32.f32 v1;
	_ =	sdelay $0x1  }
0x28: {  	v1 =	vmul.f32 v1, v0;
	_ =	sdelay $0x1  }
0x29: {  	[tilespmem:s13+$0x680] =	vst v1  }
0x2a: {  	v1 =	vld.idx.msk [tilespmem:v3+s2+$0x0], $0xffff  }
0x2b: {  	v2 =	vld [tilespmem:s14+$0x540];
	_ =	sdelay $0x4  }
0x2c: {  	v1 =	vsub.s32 v1, v2  }
0x2d: {  	v1 =	vcvt.s32.f32 v1;
	_ =	sdelay $0x1  }
0x2e: {  	s12 =	sadd.s32 $0x1, s12;
	v1 =	vmul.f32 v1, v0  }
0x2f: {  	p0 =	sne.s32 s12, s7  }
.Ltmp1:
0x30: {  	[tilespmem:s14+$0x680] =	vst v1;
	(pc) =	sbr.rel @p0 .LBB2_1-.Ltmp1, $4  }
0x31: {  	[hbm4b:s6+s2] =	stream.linear.scatter [tilespmem:s11], [sflag:$0x1], $0x140, $0x38;
	[tilespmem:$0x7C0] =	vst v63  }
0x32: {  	_ =	swait.ge [sflag:s8], $0x140  }
0x33: {  	[sflag:s8] =	ssyncset.done $0x0  }
0x34: {  	[sflag:s8] =	ssyncadd.s32 $0xFFFFFEC0  }
0x35: {  	_ =	sfence.sel $0x180000  }
0x36: {  	[bflag:$0x0] =	sbarrier.arrive $0xFFFF  }
0x37: {  	p0 =	sne.s32 s3, $0x0;
	_ =	strace $0x90000047  }
0x38: {  	s0 =	sadd.s32 @!p0 $0x100000, s0;
	[bflag:$0x2] =	sbarrier.arrive $0xFFFF  }
0x39: {  	[sflag:s0] =	ssyncadd.tile.s32 @!p0 $0x1;
	_ =	shalt  }
.Lfunc_end2:
_tile_overlayer_lowered:
.L_overlay_start_2:
0x3a: {  	(tag) =	ssettag $0x2  }
0x3b: {  	s0 =	rddreg [dreg:$0x0];
	s2 =	stileid.u32  }
0x3c: {  	s1 =	rddreg [dreg:$0x1];
	p0 =	sne.s32 s2, $0x0  }
0x3d: {  	s3 =	rddreg [dreg:$0x2];
	[bflag:$0x3] =	sbarrier.arrive $0xFFFF;
	s2 =	simm.s32 @!p0 $0x1C01  }
0x3e: {  	[timem:s3], [sflag:s2] =	dma.local @!p0 [hbm:s0], s1  }
0x3f: {  	s0 =	simm.s32 @!p0 $0x1  }
0x40: {  	_ =	swait.ge @!p0 [sflag:s0], s1  }
0x41: {  	s1 =	ssub.s32 @!p0 $0x0, s1;
	[sflag:s0] =	ssyncset.done @!p0 $0x0  }
0x42: {  	[sflag:s0] =	ssyncadd.s32 @!p0 s1  }
0x43: {  	[bflag:$0x3] =	sbarrier.arrive $0xFFFF  }
0x44: {  	_ =	shalt  }

</sc_bundles>
